<compile_context>
chip_gen: v7x
topology: tpu7x:2x2x1
jax: 0.10.2.dev20260603
libtpu: 0.0.44.dev20260713+nightly
codegen_flags: <defaults>
</compile_context>

<pallas_src>
import functools

import jax
import jax.numpy as jnp
from jax import lax
from jax.experimental import pallas as pl
from jax.experimental.pallas import tpu as pltpu
from jax.experimental.pallas import tpu_sc as plsc

_N = 10000
_E = 320000
_D = 128
_NC = 2
_NS = 16
_NW = _NC * _NS
_EPW = _E // _NW
_CH = 80
_NCHUNK = _EPW // _CH
_NP = 10240
_RPT = _NP // _NS
_BN = 2000
_G = _N // _BN

_f32 = jnp.float32



def _sc_degrees_body(src_hbm, dst_hbm, znd_hbm, i80_hbm, out_hbm,
                     e1d, ta, tb, i80, tsha, tshb):
    c = lax.axis_index("c")
    s = lax.axis_index("s")
    wid = s * _NC + c
    zv = jnp.zeros((16,), _f32)
    ones = jnp.full((16,), 1.0, _f32)
    pltpu.sync_copy(i80_hbm, i80)

    @pl.when(s == 0)
    def _():
        pltpu.sync_copy(znd_hbm.at[pl.ds(0, 80)], tsha)
        pltpu.sync_copy(znd_hbm.at[pl.ds(0, 80)], tshb)

    @pl.loop(0, 80)
    def _(r):
        @pl.loop(0, 8)
        def _(k):
            ta[r, pl.ds(k * 16, 16)] = zv
            tb[r, pl.ds(k * 16, 16)] = zv

    pltpu.sync_copy(src_hbm.at[wid], e1d)

    @pl.loop(0, _EPW // 16)
    def _(j):
        v = e1d[pl.ds(j * 16, 16)]
        plsc.addupdate_scatter(ta, [jnp.right_shift(v, 7),
                                    jnp.bitwise_and(v, 127)], ones)

    pltpu.sync_copy(dst_hbm.at[wid], e1d)

    @pl.loop(0, _EPW // 16)
    def _(j):
        v = e1d[pl.ds(j * 16, 16)]
        plsc.addupdate_scatter(tb, [jnp.right_shift(v, 7),
                                    jnp.bitwise_and(v, 127)], ones)

    plsc.subcore_barrier()
    pltpu.sync_copy(ta, tsha.at[i80.at[0]], add=True)
    pltpu.sync_copy(tb, tshb.at[i80.at[0]], add=True)
    plsc.subcore_barrier()

    @pl.when(s == 0)
    def _():
        pltpu.sync_copy(tsha, out_hbm.at[pl.ds(c * 160, 80)])

    @pl.when(s == 1)
    def _():
        pltpu.sync_copy(tshb, out_hbm.at[pl.ds(c * 160 + 80, 80)])


def _sc_aggregate_body(t_hbm, src_hbm, dst_hbm, znd_hbm, out_hbm,
                       sidx, didx, r0, r1, acc, sg0, sg1):
    c = lax.axis_index("c")
    s = lax.axis_index("s")
    wid = s * _NC + c
    my = pl.ds(s * _RPT, _RPT)
    pltpu.sync_copy(src_hbm.at[wid], sidx)
    pltpu.sync_copy(dst_hbm.at[wid], didx)
    pltpu.sync_copy(znd_hbm.at[my], acc.at[my])
    plsc.subcore_barrier()

    def gstart(i, buf, sem):
        pltpu.async_copy(t_hbm.at[sidx.at[pl.ds(i * _CH, _CH)]], buf, sem)

    def gwait(buf, sem):
        pltpu.make_async_copy(t_hbm.at[pl.ds(0, _CH)], buf, sem).wait()

    def sadd(i, buf):
        pltpu.sync_copy(buf, acc.at[didx.at[i]], add=True)

    gstart(0, r0, sg0)
    gstart(1, r1, sg1)

    @pl.loop(0, (_NCHUNK - 3) // 2)
    def _(j):
        i = 2 * j
        gwait(r0, sg0)
        sadd(i, r0)
        gstart(i + 2, r0, sg0)
        gwait(r1, sg1)
        sadd(i + 1, r1)
        gstart(i + 3, r1, sg1)

    gwait(r0, sg0)
    sadd(_NCHUNK - 3, r0)
    gstart(_NCHUNK - 1, r0, sg0)
    gwait(r1, sg1)
    sadd(_NCHUNK - 2, r1)
    gwait(r0, sg0)
    sadd(_NCHUNK - 1, r0)

    plsc.subcore_barrier()
    pltpu.sync_copy(acc.at[my], out_hbm.at[pl.ds(c * _NP + s * _RPT, _RPT)])


@functools.cache
def _sc_kernels():
    import dataclasses
    mesh = plsc.VectorSubcoreMesh(core_axis_name="c", subcore_axis_name="s",
                                  num_cores=_NC, num_subcores=_NS)
    cp = pltpu.CompilerParams()
    if "needs_layout_passes" in pltpu.CompilerParams.__dataclass_fields__:
        cp = dataclasses.replace(cp, needs_layout_passes=False)
    degrees = pl.kernel(
        _sc_degrees_body,
        mesh=mesh,
        out_type=jax.ShapeDtypeStruct((_NC * 160, _D), _f32),
        scratch_types=[pltpu.VMEM((_EPW,), jnp.int32),
                       pltpu.VMEM((80, _D), _f32),
                       pltpu.VMEM((80, _D), _f32),
                       pltpu.VMEM((1, 80), jnp.int32),
                       pltpu.VMEM_SHARED((80, _D), _f32),
                       pltpu.VMEM_SHARED((80, _D), _f32)],
        compiler_params=cp,
    )
    aggregate = pl.kernel(
        _sc_aggregate_body,
        mesh=mesh,
        out_type=jax.ShapeDtypeStruct((_NC * _NP, _D), _f32),
        scratch_types=[pltpu.VMEM((_EPW,), jnp.int32),
                       pltpu.VMEM((_NCHUNK, _CH), jnp.int32),
                       pltpu.VMEM((_CH, _D), _f32),
                       pltpu.VMEM((_CH, _D), _f32),
                       pltpu.VMEM_SHARED((_NP, _D), _f32),
                       pltpu.SemaphoreType.DMA,
                       pltpu.SemaphoreType.DMA],
    )
    return degrees, aggregate



def _row_spec():
    return pl.BlockSpec((_BN, _D), lambda i: (i, 0))


def _full_spec(shape):
    return pl.BlockSpec(shape, lambda i: tuple(0 for _ in shape))


def _embed_body(h, we, be, d0, d1, sn, w1, x, t, nout, ninsn, snb):
    deg_o = d0[...]
    deg_i = d1[...]
    no = jnp.where(deg_o > 0, lax.rsqrt(deg_o), 0.0)
    ni = jnp.where(deg_i > 0, lax.rsqrt(deg_i), 0.0)
    s = sn[...]
    nob = jnp.broadcast_to(no, (_BN, _D))
    nout[...] = nob
    ninsn[...] = jnp.broadcast_to(ni * s, (_BN, _D))
    snb[...] = jnp.broadcast_to(s, (_BN, _D))
    xv = jnp.dot(h[...], we[...], preferred_element_type=_f32) + be[...]
    x[...] = xv
    t[...] = jnp.dot(xv * nob, w1[...], preferred_element_type=_f32)


_embed = pl.pallas_call(
    _embed_body,
    grid=(_G,),
    in_specs=[_row_spec(), _full_spec((_D, _D)), _full_spec((1, _D)),
              pl.BlockSpec((_BN, 1), lambda i: (i, 0)),
              pl.BlockSpec((_BN, 1), lambda i: (i, 0)),
              pl.BlockSpec((_BN, 1), lambda i: (i, 0)),
              _full_spec((_D, _D))],
    out_specs=[_row_spec()] * 5,
    out_shape=[jax.ShapeDtypeStruct((_N, _D), _f32)] * 5,
)


def _stats_phase(p0, p1, ninsn, snb, b, u_s, st_s, i):
    uv = (p0[...] + p1[...]) * ninsn[...] + b[...] * snb[...]
    u_s[pl.ds(i * _BN, _BN), :] = uv

    @pl.when(i == 0)
    def _():
        st_s[...] = jnp.zeros((2, _D), _f32)

    st_s[0:1, :] += jnp.sum(uv, axis=0, keepdims=True)
    st_s[1:2, :] += jnp.sum(uv * uv, axis=0, keepdims=True)


def _apply_phase(g, bt, xp, u_s, st_s, i):
    mean = st_s[0:1, :] * (1.0 / _N)
    var = st_s[1:2, :] * (1.0 / _N) - mean * mean
    rstd = lax.rsqrt(var + 1e-5)
    uv = u_s[pl.ds(i * _BN, _BN), :]
    return jax.nn.relu((uv - mean) * rstd * g[...] + bt[...]) + xp[...]


def _layer_mid_body(p0, p1, ninsn, snb, b, g, bt, xp, nout, wn, x, t, u_s, st_s):
    ph = pl.program_id(0)
    i = pl.program_id(1)

    @pl.when(ph == 0)
    def _():
        _stats_phase(p0, p1, ninsn, snb, b, u_s, st_s, i)

    @pl.when(ph == 1)
    def _():
        xv = _apply_phase(g, bt, xp, u_s, st_s, i)
        x[...] = xv
        t[...] = jnp.dot(xv * nout[...], wn[...], preferred_element_type=_f32)


def _p0_spec():
    return pl.BlockSpec((_BN, _D), lambda ph, i: ((1 - ph) * i, 0))


def _p1_spec():
    return pl.BlockSpec((_BN, _D), lambda ph, i: (ph * i, 0))


def _c_spec(shape):
    return pl.BlockSpec(shape, lambda ph, i: tuple(0 for _ in shape))


_layer_mid = pl.pallas_call(
    _layer_mid_body,
    grid=(2, _G),
    in_specs=[_p0_spec(), _p0_spec(), _p0_spec(), _p0_spec(),
              _c_spec((1, _D)), _c_spec((1, _D)), _c_spec((1, _D)),
              _p1_spec(), _p1_spec(), _c_spec((_D, _D))],
    out_specs=[_p1_spec(), _p1_spec()],
    out_shape=[jax.ShapeDtypeStruct((_N, _D), _f32)] * 2,
    scratch_shapes=[pltpu.VMEM((_N, _D), _f32), pltpu.VMEM((2, _D), _f32)],
)


def _layer_last_body(p0, p1, ninsn, snb, b, g, bt, xp, w1, b1, w2, b2, o,
                     u_s, st_s, xs_s):
    ph = pl.program_id(0)
    i = pl.program_id(1)

    @pl.when(ph == 0)
    def _():
        _stats_phase(p0, p1, ninsn, snb, b, u_s, st_s, i)

    @pl.when(ph == 1)
    def _():
        xv = _apply_phase(g, bt, xp, u_s, st_s, i)

        @pl.when(i == 0)
        def _():
            xs_s[...] = jnp.zeros((1, _D), _f32)

        xs_s[...] += jnp.sum(xv, axis=0, keepdims=True)

        @pl.when(i == _G - 1)
        def _():
            hg = xs_s[...] * (1.0 / _N)
            z = jax.nn.relu(jnp.dot(hg, w1[...], preferred_element_type=_f32)
                            + b1[...])
            o[...] = jnp.dot(z, w2[...], preferred_element_type=_f32) + b2[...]


_layer_last = pl.pallas_call(
    _layer_last_body,
    grid=(2, _G),
    in_specs=[_p0_spec(), _p0_spec(), _p0_spec(), _p0_spec(),
              _c_spec((1, _D)), _c_spec((1, _D)), _c_spec((1, _D)),
              _p1_spec(), _c_spec((_D, _D)), _c_spec((1, _D)),
              _c_spec((_D, 10)), _c_spec((1, 10))],
    out_specs=[_c_spec((1, 10))],
    out_shape=[jax.ShapeDtypeStruct((1, 10), _f32)],
    scratch_shapes=[pltpu.VMEM((_N, _D), _f32), pltpu.VMEM((2, _D), _f32),
                    pltpu.VMEM((1, _D), _f32)],
)



def kernel(h, edge_index, e, snorm_n, snorm_e, W_emb, b_emb, Ws, bs,
           gammas, betas, W_mlp1, b_mlp1, W_mlp2, b_mlp2):
    del e, snorm_e
    dst3 = edge_index[1].reshape(_NW, _NCHUNK, _CH)
    src2 = edge_index[0].reshape(_NW, _EPW)
    dstf = edge_index[1].reshape(_NW, _EPW)
    znd = jnp.zeros((_NP, _D), _f32)
    i80 = jnp.arange(80, dtype=jnp.int32).reshape(1, 80)

    _sc_degrees, _sc_aggregate = _sc_kernels()
    dd = _sc_degrees(src2, dstf, znd, i80)
    deg_o = (dd[0:80] + dd[160:240]).reshape(-1)[:_N, None]
    deg_i = (dd[80:160] + dd[240:320]).reshape(-1)[:_N, None]
    x, t, nout, ninsn, snb = _embed(h, W_emb, b_emb.reshape(1, _D),
                                    deg_o, deg_i, snorm_n, Ws[0])
    n_layers = len(Ws)
    for i in range(n_layers):
        p = _sc_aggregate(t, src2, dst3, znd)
        b2 = bs[i].reshape(1, _D)
        g2 = gammas[i].reshape(1, _D)
        bt2 = betas[i].reshape(1, _D)
        if i < n_layers - 1:
            x, t = _layer_mid(p[:_N], p[_NP:_NP + _N], ninsn, snb, b2, g2,
                              bt2, x, nout, Ws[i + 1])
        else:
            (out,) = _layer_last(p[:_N], p[_NP:_NP + _N], ninsn, snb, b2, g2,
                                 bt2, x, W_mlp1, b_mlp1.reshape(1, _D),
                                 W_mlp2, b_mlp2.reshape(1, 10))
    return out

# --- scband reference (transcript-rebuilt; emitter-appended) ---
"""Pipeline reference for scband-cheb-net-62543313764870 (READ-ONLY COPY).

The authoritative reference and input builder live on the scoring server;
editing this copy changes nothing except your own understanding.
"""

import jax, jax.numpy as jnp
import numpy as np

N_NODES = 10000
N_EDGES = 320000
IN_DIM = 128
HIDDEN_DIM = 128
OUT_DIM = 128
N_CLASSIFIER = 128
N_CLASSES = 10
N_LAYERS = 4


def _init_linear(key, fan_in, fan_out):
    k1, k2 = jax.random.split(key)
    bound = 1.0 / np.sqrt(fan_in)
    W = jax.random.uniform(k1, (fan_in, fan_out), minval=-bound, maxval=bound, dtype=jnp.float32)
    b = jax.random.uniform(k2, (fan_out,), minval=-bound, maxval=bound, dtype=jnp.float32)
    return W, b


def setup_inputs(seed: int = 0):
    key = jax.random.key(seed)
    keys = jax.random.split(key, 16)
    h = jax.random.normal(keys[0], (N_NODES, IN_DIM), dtype=jnp.float32)
    edge_index = jax.random.randint(keys[1], (2, N_EDGES), 0, N_NODES, dtype=jnp.int32)
    e = jax.random.normal(keys[2], (N_EDGES, 4), dtype=jnp.float32)
    snorm_n = jax.random.uniform(keys[3], (N_NODES, 1), dtype=jnp.float32)
    snorm_e = jax.random.uniform(keys[4], (N_EDGES, 1), dtype=jnp.float32)
    W_emb, b_emb = _init_linear(keys[5], IN_DIM, HIDDEN_DIM)
    Ws, bs, gammas, betas = [], [], [], []
    for i in range(N_LAYERS):
        out_d = HIDDEN_DIM if i < N_LAYERS - 1 else OUT_DIM
        W, b = _init_linear(jax.random.fold_in(key, 100 + i), HIDDEN_DIM, out_d)
        Ws.append(W)
        bs.append(b)
        gammas.append(jnp.ones((out_d,), dtype=jnp.float32))
        betas.append(jnp.zeros((out_d,), dtype=jnp.float32))
    W_mlp1, b_mlp1 = _init_linear(keys[6], OUT_DIM, N_CLASSIFIER)
    W_mlp2, b_mlp2 = _init_linear(keys[7], N_CLASSIFIER, N_CLASSES)
    return {"h": h, "edge_index": edge_index, "e": e, "snorm_n": snorm_n, "snorm_e": snorm_e,
            "W_emb": W_emb, "b_emb": b_emb, "Ws": Ws, "bs": bs, "gammas": gammas, "betas": betas,
            "W_mlp1": W_mlp1, "b_mlp1": b_mlp1, "W_mlp2": W_mlp2, "b_mlp2": b_mlp2}


def _forward(h, e, snorm_n, snorm_e, W_emb, b_emb, Ws, bs, gammas, betas, W_mlp1, b_mlp1, W_mlp2, b_mlp2, edge_index):
    src = edge_index[0]
    dst = edge_index[1]
    n = h.shape[0]
    # DGL GraphConv with norm='both': D^{-1/2} A D^{-1/2} X W + b
    deg_out = jnp.zeros((n,), jnp.float32).at[src].add(1.0)
    deg_in = jnp.zeros((n,), jnp.float32).at[dst].add(1.0)
    norm_out = jnp.where(deg_out > 0, 1.0 / jnp.sqrt(deg_out), 0.0)[:, None]
    norm_in = jnp.where(deg_in > 0, 1.0 / jnp.sqrt(deg_in), 0.0)[:, None]
    x = h @ W_emb + b_emb  # embedding_h (in_feat_dropout=0 -> identity)
    for i in range(len(Ws)):
        h_in = x
        t = (x * norm_out) @ Ws[i]
        agg = jnp.zeros((n, t.shape[1]), jnp.float32).at[dst].add(t[src])  # scatter-add message passing
        t = agg * norm_in + bs[i]
        t = t * snorm_n  # graph_norm
        mean = jnp.mean(t, axis=0)  # batch_norm (training-mode batch stats)
        var = jnp.var(t, axis=0)
        t = (t - mean) / jnp.sqrt(var + 1e-5) * gammas[i] + betas[i]
        t = jax.nn.relu(t)
        t = h_in + t  # residual
        x = t  # dropout=0 -> identity
    hg = jnp.mean(x, axis=0, keepdims=True)  # mean readout (single graph)
    z = jax.nn.relu(hg @ W_mlp1 + b_mlp1)
    return z @ W_mlp2 + b_mlp2


def reference(h, edge_index, e, snorm_n, snorm_e, W_emb, b_emb, Ws, bs, gammas, betas, W_mlp1, b_mlp1, W_mlp2, b_mlp2):
    return _forward(h, e, snorm_n, snorm_e, W_emb, b_emb, Ws, bs, gammas, betas, W_mlp1, b_mlp1, W_mlp2, b_mlp2, edge_index)

if __name__ == "__main__":
    import jax
    _d = setup_inputs()
    print(jax.jit(kernel)(*tuple(_d.values())))

</pallas_src>

<mosaic_0001>
#map = affine_map<(d0, d1) -> (0, 0)>
#map1 = affine_map<(d0, d1) -> (0, 0, 0)>
module attributes {stable_mosaic.version = 14 : i64} {
  func.func @_sc_aggregate_body(%arg0: i32, %arg1: i32, %arg2: memref<10000x128xf32, #tpu.memory_space<hbm>>, %arg3: memref<32x10000xi32, #tpu.memory_space<hbm>>, %arg4: memref<32x125x80xi32, #tpu.memory_space<hbm>>, %arg5: memref<10240x128xf32, #tpu.memory_space<hbm>>, %arg6: memref<20480x128xf32, #tpu.memory_space<hbm>>, %arg7: memref<10000xi32, #tpu.memory_space<vmem>>, %arg8: memref<125x80xi32, #tpu.memory_space<vmem>>, %arg9: memref<80x128xf32, #tpu.memory_space<vmem>>, %arg10: memref<80x128xf32, #tpu.memory_space<vmem>>, %arg11: memref<10240x128xf32, #tpu.memory_space<vmem_shared>>, %arg12: memref<!tpu.dma_semaphore, #tpu.memory_space<semaphore_mem>>, %arg13: memref<!tpu.dma_semaphore, #tpu.memory_space<semaphore_mem>>) attributes {dimension_semantics = [#tpu.dimension_semantics<core_parallel>, #tpu.dimension_semantics<subcore_parallel>], iteration_bounds = array<i64: 2, 16>, scalar_prefetch = 0 : i64, scratch_operands = 7 : i64, tpu.core_type = #tpu.core_type<sc_vector_subcore>, window_params = [{transform_indices = #map}, {transform_indices = #map}, {transform_indices = #map1}, {transform_indices = #map}, {transform_indices = #map}]} {
    %mul3A = arith.constant 2 : i32
    %mul3A_0 = arith.muli %arg1, %mul3A : i32
    %add3A = arith.addi %mul3A_0, %arg0 : i32
    %mul3A_1 = arith.constant 640 : i32
    %mul3A_2 = arith.muli %arg1, %mul3A_1 : i32
    "tpu.region"() ({
      %run_scoped3A_46 = tpu.sem_alloc : memref<!tpu.dma_semaphore, #tpu.memory_space<semaphore_mem>>
      %dma_start3A_47 = arith.constant 0 : i32
      %dma_start3A_48 = tpu.memref_slice %arg3[%add3A, %dma_start3A_47] : memref<32x10000xi32, #tpu.memory_space<hbm>> -> memref<1x10000xi32, #tpu.memory_space<hbm>>
      %dma_start3A_49 = tpu.memref_squeeze %dma_start3A_48 : memref<1x10000xi32, #tpu.memory_space<hbm>> -> memref<10000xi32, #tpu.memory_space<hbm>>
      %dma_start3A_50 = arith.constant 0 : i32
      %dma_start3A_51 = tpu.memref_slice %arg3[%add3A, %dma_start3A_50] : memref<32x10000xi32, #tpu.memory_space<hbm>> -> memref<1x10000xi32, #tpu.memory_space<hbm>>
      %dma_start3A_52 = tpu.memref_squeeze %dma_start3A_51 : memref<1x10000xi32, #tpu.memory_space<hbm>> -> memref<10000xi32, #tpu.memory_space<hbm>>
      tpu.enqueue_dma source(%dma_start3A_52 : memref<10000xi32, #tpu.memory_space<hbm>>) target(%arg7 : memref<10000xi32, #tpu.memory_space<vmem>>) target_semaphore(%run_scoped3A_46 : memref<!tpu.dma_semaphore, #tpu.memory_space<semaphore_mem>>)
      %dma_wait3A_53 = arith.constant 0 : i32
      %dma_wait3A_54 = tpu.memref_slice %arg3[%add3A, %dma_wait3A_53] : memref<32x10000xi32, #tpu.memory_space<hbm>> -> memref<1x10000xi32, #tpu.memory_space<hbm>>
      %dma_wait3A_55 = tpu.memref_squeeze %dma_wait3A_54 : memref<1x10000xi32, #tpu.memory_space<hbm>> -> memref<10000xi32, #tpu.memory_space<hbm>>
      %dma_wait3A_56 = arith.constant 0 : i32
      %dma_wait3A_57 = tpu.memref_slice %arg3[%add3A, %dma_wait3A_56] : memref<32x10000xi32, #tpu.memory_space<hbm>> -> memref<1x10000xi32, #tpu.memory_space<hbm>>
      %dma_wait3A_58 = tpu.memref_squeeze %dma_wait3A_57 : memref<1x10000xi32, #tpu.memory_space<hbm>> -> memref<10000xi32, #tpu.memory_space<hbm>>
      tpu.wait_dma2 semaphore(%run_scoped3A_46 : memref<!tpu.dma_semaphore, #tpu.memory_space<semaphore_mem>>) src(%dma_wait3A_58 : memref<10000xi32, #tpu.memory_space<hbm>>) dst(%arg7 : memref<10000xi32, #tpu.memory_space<vmem>>)
      tpu.yield
    }) : () -> ()
    "tpu.region"() ({
      %run_scoped3A_46 = tpu.sem_alloc : memref<!tpu.dma_semaphore, #tpu.memory_space<semaphore_mem>>
      %dma_start3A_47 = arith.constant 0 : i32
      %dma_start3A_48 = arith.constant 0 : i32
      %dma_start3A_49 = tpu.memref_slice %arg4[%add3A, %dma_start3A_47, %dma_start3A_48] : memref<32x125x80xi32, #tpu.memory_space<hbm>> -> memref<1x125x80xi32, #tpu.memory_space<hbm>>
      %dma_start3A_50 = tpu.memref_squeeze %dma_start3A_49 : memref<1x125x80xi32, #tpu.memory_space<hbm>> -> memref<125x80xi32, #tpu.memory_space<hbm>>
      %dma_start3A_51 = arith.constant 0 : i32
      %dma_start3A_52 = arith.constant 0 : i32
      %dma_start3A_53 = tpu.memref_slice %arg4[%add3A, %dma_start3A_51, %dma_start3A_52] : memref<32x125x80xi32, #tpu.memory_space<hbm>> -> memref<1x125x80xi32, #tpu.memory_space<hbm>>
      %dma_start3A_54 = tpu.memref_squeeze %dma_start3A_53 : memref<1x125x80xi32, #tpu.memory_space<hbm>> -> memref<125x80xi32, #tpu.memory_space<hbm>>
      tpu.enqueue_dma source(%dma_start3A_54 : memref<125x80xi32, #tpu.memory_space<hbm>>) target(%arg8 : memref<125x80xi32, #tpu.memory_space<vmem>>) target_semaphore(%run_scoped3A_46 : memref<!tpu.dma_semaphore, #tpu.memory_space<semaphore_mem>>)
      %dma_wait3A_55 = arith.constant 0 : i32
      %dma_wait3A_56 = arith.constant 0 : i32
      %dma_wait3A_57 = tpu.memref_slice %arg4[%add3A, %dma_wait3A_55, %dma_wait3A_56] : memref<32x125x80xi32, #tpu.memory_space<hbm>> -> memref<1x125x80xi32, #tpu.memory_space<hbm>>
      %dma_wait3A_58 = tpu.memref_squeeze %dma_wait3A_57 : memref<1x125x80xi32, #tpu.memory_space<hbm>> -> memref<125x80xi32, #tpu.memory_space<hbm>>
      %dma_wait3A_59 = arith.constant 0 : i32
      %dma_wait3A_60 = arith.constant 0 : i32
      %dma_wait3A_61 = tpu.memref_slice %arg4[%add3A, %dma_wait3A_59, %dma_wait3A_60] : memref<32x125x80xi32, #tpu.memory_space<hbm>> -> memref<1x125x80xi32, #tpu.memory_space<hbm>>
      %dma_wait3A_62 = tpu.memref_squeeze %dma_wait3A_61 : memref<1x125x80xi32, #tpu.memory_space<hbm>> -> memref<125x80xi32, #tpu.memory_space<hbm>>
      tpu.wait_dma2 semaphore(%run_scoped3A_46 : memref<!tpu.dma_semaphore, #tpu.memory_space<semaphore_mem>>) src(%dma_wait3A_62 : memref<125x80xi32, #tpu.memory_space<hbm>>) dst(%arg8 : memref<125x80xi32, #tpu.memory_space<vmem>>)
      tpu.yield
    }) : () -> ()
    "tpu.region"() ({
      %run_scoped3A_46 = tpu.sem_alloc : memref<!tpu.dma_semaphore, #tpu.memory_space<semaphore_mem>>
      %dma_start3A_47 = arith.constant 0 : i32
      %dma_start3A_48 = tpu.memref_slice %arg11[%mul3A_2, %dma_start3A_47] : memref<10240x128xf32, #tpu.memory_space<vmem_shared>> -> memref<640x128xf32, #tpu.memory_space<vmem_shared>>
      %dma_start3A_49 = arith.constant 0 : i32
      %dma_start3A_50 = tpu.memref_slice %arg5[%mul3A_2, %dma_start3A_49] : memref<10240x128xf32, #tpu.memory_space<hbm>> -> memref<640x128xf32, #tpu.memory_space<hbm>>
      tpu.enqueue_dma source(%dma_start3A_50 : memref<640x128xf32, #tpu.memory_space<hbm>>) target(%dma_start3A_48 : memref<640x128xf32, #tpu.memory_space<vmem_shared>>) target_semaphore(%run_scoped3A_46 : memref<!tpu.dma_semaphore, #tpu.memory_space<semaphore_mem>>)
      %dma_wait3A_51 = arith.constant 0 : i32
      %dma_wait3A_52 = tpu.memref_slice %arg11[%mul3A_2, %dma_wait3A_51] : memref<10240x128xf32, #tpu.memory_space<vmem_shared>> -> memref<640x128xf32, #tpu.memory_space<vmem_shared>>
      %dma_wait3A_53 = arith.constant 0 : i32
      %dma_wait3A_54 = tpu.memref_slice %arg5[%mul3A_2, %dma_wait3A_53] : memref<10240x128xf32, #tpu.memory_space<hbm>> -> memref<640x128xf32, #tpu.memory_space<hbm>>
      tpu.wait_dma2 semaphore(%run_scoped3A_46 : memref<!tpu.dma_semaphore, #tpu.memory_space<semaphore_mem>>) src(%dma_wait3A_54 : memref<640x128xf32, #tpu.memory_space<hbm>>) dst(%dma_wait3A_52 : memref<640x128xf32, #tpu.memory_space<vmem_shared>>)
      tpu.yield
    }) : () -> ()
    %barrier3A = arith.constant 0 : index
    tpu.barrier barrier_id(%barrier3A)
    %dma_start3A = arith.constant 0 : i32
    %dma_start3A_3 = tpu.memref_slice %arg7[%dma_start3A] : memref<10000xi32, #tpu.memory_space<vmem>> -> memref<80xi32, #tpu.memory_space<vmem>>
    %dma_start3A_4 = arith.constant 0 : i32
    %dma_start3A_5 = arith.constant 0 : i32
    %dma_start3A_6 = tpu.memref_slice %arg2[%dma_start3A_4, %dma_start3A_5] : memref<10000x128xf32, #tpu.memory_space<hbm>> -> memref<10000x128xf32, #tpu.memory_space<hbm>>
    tpu.enqueue_indirect_dma source(%dma_start3A_6 : memref<10000x128xf32, #tpu.memory_space<hbm>>) target(%arg9 : memref<80x128xf32, #tpu.memory_space<vmem>>) offsets(%dma_start3A_3 : memref<80xi32, #tpu.memory_space<vmem>>) semaphore(%arg12 : memref<!tpu.dma_semaphore, #tpu.memory_space<semaphore_mem>>)
    %dma_start3A_7 = arith.constant 80 : i32
    %dma_start3A_8 = tpu.memref_slice %arg7[%dma_start3A_7] : memref<10000xi32, #tpu.memory_space<vmem>> -> memref<80xi32, #tpu.memory_space<vmem>>
    %dma_start3A_9 = arith.constant 0 : i32
    %dma_start3A_10 = arith.constant 0 : i32
    %dma_start3A_11 = tpu.memref_slice %arg2[%dma_start3A_9, %dma_start3A_10] : memref<10000x128xf32, #tpu.memory_space<hbm>> -> memref<10000x128xf32, #tpu.memory_space<hbm>>
    tpu.enqueue_indirect_dma source(%dma_start3A_11 : memref<10000x128xf32, #tpu.memory_space<hbm>>) target(%arg10 : memref<80x128xf32, #tpu.memory_space<vmem>>) offsets(%dma_start3A_8 : memref<80xi32, #tpu.memory_space<vmem>>) semaphore(%arg13 : memref<!tpu.dma_semaphore, #tpu.memory_space<semaphore_mem>>)
    %scan3A = arith.constant 0 : i32
    %scan3A_12 = arith.constant 61 : i32
    %scan3A_13 = arith.addi %scan3A, %scan3A_12 : i32
    %scan3A_14 = arith.constant 1 : i32
    scf.for %scan3A_46 = %scan3A to %scan3A_13 step %scan3A_14  : i32 {
      %mul3A_47 = arith.constant 1 : i32
      %mul3A_48 = arith.muli %scan3A_46, %mul3A_47 : i32
      %add3A_49 = arith.constant 0 : i32
      %add3A_50 = arith.addi %add3A_49, %mul3A_48 : i32
      %mul3A_51 = arith.constant 2 : i32
      %mul3A_52 = arith.muli %mul3A_51, %add3A_50 : i32
      %dma_wait3A_53 = arith.constant 0 : i32
      %dma_wait3A_54 = arith.constant 0 : i32
      %dma_wait3A_55 = tpu.memref_slice %arg2[%dma_wait3A_53, %dma_wait3A_54] : memref<10000x128xf32, #tpu.memory_space<hbm>> -> memref<80x128xf32, #tpu.memory_space<hbm>>
      %dma_wait3A_56 = arith.constant 0 : i32
      %dma_wait3A_57 = arith.constant 0 : i32
      %dma_wait3A_58 = tpu.memref_slice %arg2[%dma_wait3A_56, %dma_wait3A_57] : memref<10000x128xf32, #tpu.memory_space<hbm>> -> memref<80x128xf32, #tpu.memory_space<hbm>>
      tpu.wait_dma2 semaphore(%arg12 : memref<!tpu.dma_semaphore, #tpu.memory_space<semaphore_mem>>) src(%dma_wait3A_58 : memref<80x128xf32, #tpu.memory_space<hbm>>) dst(%arg9 : memref<80x128xf32, #tpu.memory_space<vmem>>)
      "tpu.region"() ({
        %run_scoped3A_83 = tpu.sem_alloc : memref<!tpu.dma_semaphore, #tpu.memory_space<semaphore_mem>>
        %dma_start3A_84 = arith.constant 0 : i32
        %dma_start3A_85 = tpu.memref_slice %arg8[%mul3A_52, %dma_start3A_84] : memref<125x80xi32, #tpu.memory_space<vmem>> -> memref<1x80xi32, #tpu.memory_space<vmem>>
        %dma_start3A_86 = tpu.memref_squeeze %dma_start3A_85 : memref<1x80xi32, #tpu.memory_space<vmem>> -> memref<80xi32, #tpu.memory_space<vmem>>
        %dma_start3A_87 = arith.constant 0 : i32
        %dma_start3A_88 = arith.constant 0 : i32
        %dma_start3A_89 = tpu.memref_slice %arg11[%dma_start3A_87, %dma_start3A_88] : memref<10240x128xf32, #tpu.memory_space<vmem_shared>> -> memref<10240x128xf32, #tpu.memory_space<vmem_shared>>
        tpu.enqueue_indirect_dma source(%arg9 : memref<80x128xf32, #tpu.memory_space<vmem>>) target(%dma_start3A_89 : memref<10240x128xf32, #tpu.memory_space<vmem_shared>>) offsets(%dma_start3A_86 : memref<80xi32, #tpu.memory_space<vmem>>) semaphore(%run_scoped3A_83 : memref<!tpu.dma_semaphore, #tpu.memory_space<semaphore_mem>>) {add = true}
        %dma_wait3A_90 = arith.constant 0 : i32
        %dma_wait3A_91 = tpu.memref_slice %arg8[%mul3A_52, %dma_wait3A_90] : memref<125x80xi32, #tpu.memory_space<vmem>> -> memref<1x80xi32, #tpu.memory_space<vmem>>
        %dma_wait3A_92 = tpu.memref_squeeze %dma_wait3A_91 : memref<1x80xi32, #tpu.memory_space<vmem>> -> memref<80xi32, #tpu.memory_space<vmem>>
        %dma_wait3A_93 = arith.constant 0 : i32
        %dma_wait3A_94 = arith.constant 0 : i32
        %dma_wait3A_95 = tpu.memref_slice %arg11[%dma_wait3A_93, %dma_wait3A_94] : memref<10240x128xf32, #tpu.memory_space<vmem_shared>> -> memref<10240x128xf32, #tpu.memory_space<vmem_shared>>
        tpu.wait_indirect_dma semaphore(%run_scoped3A_83 : memref<!tpu.dma_semaphore, #tpu.memory_space<semaphore_mem>>) src(%arg9 : memref<80x128xf32, #tpu.memory_space<vmem>>) dst(%dma_wait3A_95 : memref<10240x128xf32, #tpu.memory_space<vmem_shared>>)
        tpu.yield
      }) : () -> ()
      %add3A_59 = arith.constant 2 : i32
      %add3A_60 = arith.addi %mul3A_52, %add3A_59 : i32
      %mul3A_61 = arith.constant 80 : i32
      %mul3A_62 = arith.muli %add3A_60, %mul3A_61 : i32
      %dma_start3A_63 = tpu.memref_slice %arg7[%mul3A_62] : memref<10000xi32, #tpu.memory_space<vmem>> -> memref<80xi32, #tpu.memory_space<vmem>>
      %dma_start3A_64 = arith.constant 0 : i32
      %dma_start3A_65 = arith.constant 0 : i32
      %dma_start3A_66 = tpu.memref_slice %arg2[%dma_start3A_64, %dma_start3A_65] : memref<10000x128xf32, #tpu.memory_space<hbm>> -> memref<10000x128xf32, #tpu.memory_space<hbm>>
      tpu.enqueue_indirect_dma source(%dma_start3A_66 : memref<10000x128xf32, #tpu.memory_space<hbm>>) target(%arg9 : memref<80x128xf32, #tpu.memory_space<vmem>>) offsets(%dma_start3A_63 : memref<80xi32, #tpu.memory_space<vmem>>) semaphore(%arg12 : memref<!tpu.dma_semaphore, #tpu.memory_space<semaphore_mem>>)
      %dma_wait3A_67 = arith.constant 0 : i32
      %dma_wait3A_68 = arith.constant 0 : i32
      %dma_wait3A_69 = tpu.memref_slice %arg2[%dma_wait3A_67, %dma_wait3A_68] : memref<10000x128xf32, #tpu.memory_space<hbm>> -> memref<80x128xf32, #tpu.memory_space<hbm>>
      %dma_wait3A_70 = arith.constant 0 : i32
      %dma_wait3A_71 = arith.constant 0 : i32
      %dma_wait3A_72 = tpu.memref_slice %arg2[%dma_wait3A_70, %dma_wait3A_71] : memref<10000x128xf32, #tpu.memory_space<hbm>> -> memref<80x128xf32, #tpu.memory_space<hbm>>
      tpu.wait_dma2 semaphore(%arg13 : memref<!tpu.dma_semaphore, #tpu.memory_space<semaphore_mem>>) src(%dma_wait3A_72 : memref<80x128xf32, #tpu.memory_space<hbm>>) dst(%arg10 : memref<80x128xf32, #tpu.memory_space<vmem>>)
      %add3A_73 = arith.constant 1 : i32
      %add3A_74 = arith.addi %mul3A_52, %add3A_73 : i32
      "tpu.region"() ({
        %run_scoped3A_83 = tpu.sem_alloc : memref<!tpu.dma_semaphore, #tpu.memory_space<semaphore_mem>>
        %dma_start3A_84 = arith.constant 0 : i32
        %dma_start3A_85 = tpu.memref_slice %arg8[%add3A_74, %dma_start3A_84] : memref<125x80xi32, #tpu.memory_space<vmem>> -> memref<1x80xi32, #tpu.memory_space<vmem>>
        %dma_start3A_86 = tpu.memref_squeeze %dma_start3A_85 : memref<1x80xi32, #tpu.memory_space<vmem>> -> memref<80xi32, #tpu.memory_space<vmem>>
        %dma_start3A_87 = arith.constant 0 : i32
        %dma_start3A_88 = arith.constant 0 : i32
        %dma_start3A_89 = tpu.memref_slice %arg11[%dma_start3A_87, %dma_start3A_88] : memref<10240x128xf32, #tpu.memory_space<vmem_shared>> -> memref<10240x128xf32, #tpu.memory_space<vmem_shared>>
        tpu.enqueue_indirect_dma source(%arg10 : memref<80x128xf32, #tpu.memory_space<vmem>>) target(%dma_start3A_89 : memref<10240x128xf32, #tpu.memory_space<vmem_shared>>) offsets(%dma_start3A_86 : memref<80xi32, #tpu.memory_space<vmem>>) semaphore(%run_scoped3A_83 : memref<!tpu.dma_semaphore, #tpu.memory_space<semaphore_mem>>) {add = true}
        %dma_wait3A_90 = arith.constant 0 : i32
        %dma_wait3A_91 = tpu.memref_slice %arg8[%add3A_74, %dma_wait3A_90] : memref<125x80xi32, #tpu.memory_space<vmem>> -> memref<1x80xi32, #tpu.memory_space<vmem>>
        %dma_wait3A_92 = tpu.memref_squeeze %dma_wait3A_91 : memref<1x80xi32, #tpu.memory_space<vmem>> -> memref<80xi32, #tpu.memory_space<vmem>>
        %dma_wait3A_93 = arith.constant 0 : i32
        %dma_wait3A_94 = arith.constant 0 : i32
        %dma_wait3A_95 = tpu.memref_slice %arg11[%dma_wait3A_93, %dma_wait3A_94] : memref<10240x128xf32, #tpu.memory_space<vmem_shared>> -> memref<10240x128xf32, #tpu.memory_space<vmem_shared>>
        tpu.wait_indirect_dma semaphore(%run_scoped3A_83 : memref<!tpu.dma_semaphore, #tpu.memory_space<semaphore_mem>>) src(%arg10 : memref<80x128xf32, #tpu.memory_space<vmem>>) dst(%dma_wait3A_95 : memref<10240x128xf32, #tpu.memory_space<vmem_shared>>)
        tpu.yield
      }) : () -> ()
      %add3A_75 = arith.constant 3 : i32
      %add3A_76 = arith.addi %mul3A_52, %add3A_75 : i32
      %mul3A_77 = arith.constant 80 : i32
      %mul3A_78 = arith.muli %add3A_76, %mul3A_77 : i32
      %dma_start3A_79 = tpu.memref_slice %arg7[%mul3A_78] : memref<10000xi32, #tpu.memory_space<vmem>> -> memref<80xi32, #tpu.memory_space<vmem>>
      %dma_start3A_80 = arith.constant 0 : i32
      %dma_start3A_81 = arith.constant 0 : i32
      %dma_start3A_82 = tpu.memref_slice %arg2[%dma_start3A_80, %dma_start3A_81] : memref<10000x128xf32, #tpu.memory_space<hbm>> -> memref<10000x128xf32, #tpu.memory_space<hbm>>
      tpu.enqueue_indirect_dma source(%dma_start3A_82 : memref<10000x128xf32, #tpu.memory_space<hbm>>) target(%arg10 : memref<80x128xf32, #tpu.memory_space<vmem>>) offsets(%dma_start3A_79 : memref<80xi32, #tpu.memory_space<vmem>>) semaphore(%arg13 : memref<!tpu.dma_semaphore, #tpu.memory_space<semaphore_mem>>)
    }
    %scan3A_15 = arith.constant 61 : i32
    %dma_wait3A = arith.constant 0 : i32
    %dma_wait3A_16 = arith.constant 0 : i32
    %dma_wait3A_17 = tpu.memref_slice %arg2[%dma_wait3A, %dma_wait3A_16] : memref<10000x128xf32, #tpu.memory_space<hbm>> -> memref<80x128xf32, #tpu.memory_space<hbm>>
    %dma_wait3A_18 = arith.constant 0 : i32
    %dma_wait3A_19 = arith.constant 0 : i32
    %dma_wait3A_20 = tpu.memref_slice %arg2[%dma_wait3A_18, %dma_wait3A_19] : memref<10000x128xf32, #tpu.memory_space<hbm>> -> memref<80x128xf32, #tpu.memory_space<hbm>>
    tpu.wait_dma2 semaphore(%arg12 : memref<!tpu.dma_semaphore, #tpu.memory_space<semaphore_mem>>) src(%dma_wait3A_20 : memref<80x128xf32, #tpu.memory_space<hbm>>) dst(%arg9 : memref<80x128xf32, #tpu.memory_space<vmem>>)
    %run_scoped3A = arith.constant 122 : i32
    "tpu.region"() ({
      %run_scoped3A_46 = tpu.sem_alloc : memref<!tpu.dma_semaphore, #tpu.memory_space<semaphore_mem>>
      %dma_start3A_47 = arith.constant 0 : i32
      %dma_start3A_48 = tpu.memref_slice %arg8[%run_scoped3A, %dma_start3A_47] : memref<125x80xi32, #tpu.memory_space<vmem>> -> memref<1x80xi32, #tpu.memory_space<vmem>>
      %dma_start3A_49 = tpu.memref_squeeze %dma_start3A_48 : memref<1x80xi32, #tpu.memory_space<vmem>> -> memref<80xi32, #tpu.memory_space<vmem>>
      %dma_start3A_50 = arith.constant 0 : i32
      %dma_start3A_51 = arith.constant 0 : i32
      %dma_start3A_52 = tpu.memref_slice %arg11[%dma_start3A_50, %dma_start3A_51] : memref<10240x128xf32, #tpu.memory_space<vmem_shared>> -> memref<10240x128xf32, #tpu.memory_space<vmem_shared>>
      tpu.enqueue_indirect_dma source(%arg9 : memref<80x128xf32, #tpu.memory_space<vmem>>) target(%dma_start3A_52 : memref<10240x128xf32, #tpu.memory_space<vmem_shared>>) offsets(%dma_start3A_49 : memref<80xi32, #tpu.memory_space<vmem>>) semaphore(%run_scoped3A_46 : memref<!tpu.dma_semaphore, #tpu.memory_space<semaphore_mem>>) {add = true}
      %dma_wait3A_53 = arith.constant 0 : i32
      %dma_wait3A_54 = tpu.memref_slice %arg8[%run_scoped3A, %dma_wait3A_53] : memref<125x80xi32, #tpu.memory_space<vmem>> -> memref<1x80xi32, #tpu.memory_space<vmem>>
      %dma_wait3A_55 = tpu.memref_squeeze %dma_wait3A_54 : memref<1x80xi32, #tpu.memory_space<vmem>> -> memref<80xi32, #tpu.memory_space<vmem>>
      %dma_wait3A_56 = arith.constant 0 : i32
      %dma_wait3A_57 = arith.constant 0 : i32
      %dma_wait3A_58 = tpu.memref_slice %arg11[%dma_wait3A_56, %dma_wait3A_57] : memref<10240x128xf32, #tpu.memory_space<vmem_shared>> -> memref<10240x128xf32, #tpu.memory_space<vmem_shared>>
      tpu.wait_indirect_dma semaphore(%run_scoped3A_46 : memref<!tpu.dma_semaphore, #tpu.memory_space<semaphore_mem>>) src(%arg9 : memref<80x128xf32, #tpu.memory_space<vmem>>) dst(%dma_wait3A_58 : memref<10240x128xf32, #tpu.memory_space<vmem_shared>>)
      tpu.yield
    }) : () -> ()
    %dma_start3A_21 = arith.constant 9920 : i32
    %dma_start3A_22 = tpu.memref_slice %arg7[%dma_start3A_21] : memref<10000xi32, #tpu.memory_space<vmem>> -> memref<80xi32, #tpu.memory_space<vmem>>
    %dma_start3A_23 = arith.constant 0 : i32
    %dma_start3A_24 = arith.constant 0 : i32
    %dma_start3A_25 = tpu.memref_slice %arg2[%dma_start3A_23, %dma_start3A_24] : memref<10000x128xf32, #tpu.memory_space<hbm>> -> memref<10000x128xf32, #tpu.memory_space<hbm>>
    tpu.enqueue_indirect_dma source(%dma_start3A_25 : memref<10000x128xf32, #tpu.memory_space<hbm>>) target(%arg9 : memref<80x128xf32, #tpu.memory_space<vmem>>) offsets(%dma_start3A_22 : memref<80xi32, #tpu.memory_space<vmem>>) semaphore(%arg12 : memref<!tpu.dma_semaphore, #tpu.memory_space<semaphore_mem>>)
    %dma_wait3A_26 = arith.constant 0 : i32
    %dma_wait3A_27 = arith.constant 0 : i32
    %dma_wait3A_28 = tpu.memref_slice %arg2[%dma_wait3A_26, %dma_wait3A_27] : memref<10000x128xf32, #tpu.memory_space<hbm>> -> memref<80x128xf32, #tpu.memory_space<hbm>>
    %dma_wait3A_29 = arith.constant 0 : i32
    %dma_wait3A_30 = arith.constant 0 : i32
    %dma_wait3A_31 = tpu.memref_slice %arg2[%dma_wait3A_29, %dma_wait3A_30] : memref<10000x128xf32, #tpu.memory_space<hbm>> -> memref<80x128xf32, #tpu.memory_space<hbm>>
    tpu.wait_dma2 semaphore(%arg13 : memref<!tpu.dma_semaphore, #tpu.memory_space<semaphore_mem>>) src(%dma_wait3A_31 : memref<80x128xf32, #tpu.memory_space<hbm>>) dst(%arg10 : memref<80x128xf32, #tpu.memory_space<vmem>>)
    %run_scoped3A_32 = arith.constant 123 : i32
    "tpu.region"() ({
      %run_scoped3A_46 = tpu.sem_alloc : memref<!tpu.dma_semaphore, #tpu.memory_space<semaphore_mem>>
      %dma_start3A_47 = arith.constant 0 : i32
      %dma_start3A_48 = tpu.memref_slice %arg8[%run_scoped3A_32, %dma_start3A_47] : memref<125x80xi32, #tpu.memory_space<vmem>> -> memref<1x80xi32, #tpu.memory_space<vmem>>
      %dma_start3A_49 = tpu.memref_squeeze %dma_start3A_48 : memref<1x80xi32, #tpu.memory_space<vmem>> -> memref<80xi32, #tpu.memory_space<vmem>>
      %dma_start3A_50 = arith.constant 0 : i32
      %dma_start3A_51 = arith.constant 0 : i32
      %dma_start3A_52 = tpu.memref_slice %arg11[%dma_start3A_50, %dma_start3A_51] : memref<10240x128xf32, #tpu.memory_space<vmem_shared>> -> memref<10240x128xf32, #tpu.memory_space<vmem_shared>>
      tpu.enqueue_indirect_dma source(%arg10 : memref<80x128xf32, #tpu.memory_space<vmem>>) target(%dma_start3A_52 : memref<10240x128xf32, #tpu.memory_space<vmem_shared>>) offsets(%dma_start3A_49 : memref<80xi32, #tpu.memory_space<vmem>>) semaphore(%run_scoped3A_46 : memref<!tpu.dma_semaphore, #tpu.memory_space<semaphore_mem>>) {add = true}
      %dma_wait3A_53 = arith.constant 0 : i32
      %dma_wait3A_54 = tpu.memref_slice %arg8[%run_scoped3A_32, %dma_wait3A_53] : memref<125x80xi32, #tpu.memory_space<vmem>> -> memref<1x80xi32, #tpu.memory_space<vmem>>
      %dma_wait3A_55 = tpu.memref_squeeze %dma_wait3A_54 : memref<1x80xi32, #tpu.memory_space<vmem>> -> memref<80xi32, #tpu.memory_space<vmem>>
      %dma_wait3A_56 = arith.constant 0 : i32
      %dma_wait3A_57 = arith.constant 0 : i32
      %dma_wait3A_58 = tpu.memref_slice %arg11[%dma_wait3A_56, %dma_wait3A_57] : memref<10240x128xf32, #tpu.memory_space<vmem_shared>> -> memref<10240x128xf32, #tpu.memory_space<vmem_shared>>
      tpu.wait_indirect_dma semaphore(%run_scoped3A_46 : memref<!tpu.dma_semaphore, #tpu.memory_space<semaphore_mem>>) src(%arg10 : memref<80x128xf32, #tpu.memory_space<vmem>>) dst(%dma_wait3A_58 : memref<10240x128xf32, #tpu.memory_space<vmem_shared>>)
      tpu.yield
    }) : () -> ()
    %dma_wait3A_33 = arith.constant 0 : i32
    %dma_wait3A_34 = arith.constant 0 : i32
    %dma_wait3A_35 = tpu.memref_slice %arg2[%dma_wait3A_33, %dma_wait3A_34] : memref<10000x128xf32, #tpu.memory_space<hbm>> -> memref<80x128xf32, #tpu.memory_space<hbm>>
    %dma_wait3A_36 = arith.constant 0 : i32
    %dma_wait3A_37 = arith.constant 0 : i32
    %dma_wait3A_38 = tpu.memref_slice %arg2[%dma_wait3A_36, %dma_wait3A_37] : memref<10000x128xf32, #tpu.memory_space<hbm>> -> memref<80x128xf32, #tpu.memory_space<hbm>>
    tpu.wait_dma2 semaphore(%arg12 : memref<!tpu.dma_semaphore, #tpu.memory_space<semaphore_mem>>) src(%dma_wait3A_38 : memref<80x128xf32, #tpu.memory_space<hbm>>) dst(%arg9 : memref<80x128xf32, #tpu.memory_space<vmem>>)
    %run_scoped3A_39 = arith.constant 124 : i32
    "tpu.region"() ({
      %run_scoped3A_46 = tpu.sem_alloc : memref<!tpu.dma_semaphore, #tpu.memory_space<semaphore_mem>>
      %dma_start3A_47 = arith.constant 0 : i32
      %dma_start3A_48 = tpu.memref_slice %arg8[%run_scoped3A_39, %dma_start3A_47] : memref<125x80xi32, #tpu.memory_space<vmem>> -> memref<1x80xi32, #tpu.memory_space<vmem>>
      %dma_start3A_49 = tpu.memref_squeeze %dma_start3A_48 : memref<1x80xi32, #tpu.memory_space<vmem>> -> memref<80xi32, #tpu.memory_space<vmem>>
      %dma_start3A_50 = arith.constant 0 : i32
      %dma_start3A_51 = arith.constant 0 : i32
      %dma_start3A_52 = tpu.memref_slice %arg11[%dma_start3A_50, %dma_start3A_51] : memref<10240x128xf32, #tpu.memory_space<vmem_shared>> -> memref<10240x128xf32, #tpu.memory_space<vmem_shared>>
      tpu.enqueue_indirect_dma source(%arg9 : memref<80x128xf32, #tpu.memory_space<vmem>>) target(%dma_start3A_52 : memref<10240x128xf32, #tpu.memory_space<vmem_shared>>) offsets(%dma_start3A_49 : memref<80xi32, #tpu.memory_space<vmem>>) semaphore(%run_scoped3A_46 : memref<!tpu.dma_semaphore, #tpu.memory_space<semaphore_mem>>) {add = true}
      %dma_wait3A_53 = arith.constant 0 : i32
      %dma_wait3A_54 = tpu.memref_slice %arg8[%run_scoped3A_39, %dma_wait3A_53] : memref<125x80xi32, #tpu.memory_space<vmem>> -> memref<1x80xi32, #tpu.memory_space<vmem>>
      %dma_wait3A_55 = tpu.memref_squeeze %dma_wait3A_54 : memref<1x80xi32, #tpu.memory_space<vmem>> -> memref<80xi32, #tpu.memory_space<vmem>>
      %dma_wait3A_56 = arith.constant 0 : i32
      %dma_wait3A_57 = arith.constant 0 : i32
      %dma_wait3A_58 = tpu.memref_slice %arg11[%dma_wait3A_56, %dma_wait3A_57] : memref<10240x128xf32, #tpu.memory_space<vmem_shared>> -> memref<10240x128xf32, #tpu.memory_space<vmem_shared>>
      tpu.wait_indirect_dma semaphore(%run_scoped3A_46 : memref<!tpu.dma_semaphore, #tpu.memory_space<semaphore_mem>>) src(%arg9 : memref<80x128xf32, #tpu.memory_space<vmem>>) dst(%dma_wait3A_58 : memref<10240x128xf32, #tpu.memory_space<vmem_shared>>)
      tpu.yield
    }) : () -> ()
    %barrier3A_40 = arith.constant 0 : index
    tpu.barrier barrier_id(%barrier3A_40)
    %mul3A_41 = arith.constant 10240 : i32
    %mul3A_42 = arith.muli %arg0, %mul3A_41 : i32
    %mul3A_43 = arith.constant 640 : i32
    %mul3A_44 = arith.muli %arg1, %mul3A_43 : i32
    %add3A_45 = arith.addi %mul3A_42, %mul3A_44 : i32
    "tpu.region"() ({
      %run_scoped3A_46 = tpu.sem_alloc : memref<!tpu.dma_semaphore, #tpu.memory_space<semaphore_mem>>
      %dma_start3A_47 = arith.constant 0 : i32
      %dma_start3A_48 = tpu.memref_slice %arg6[%add3A_45, %dma_start3A_47] : memref<20480x128xf32, #tpu.memory_space<hbm>> -> memref<640x128xf32, #tpu.memory_space<hbm>>
      %dma_start3A_49 = arith.constant 0 : i32
      %dma_start3A_50 = tpu.memref_slice %arg11[%mul3A_2, %dma_start3A_49] : memref<10240x128xf32, #tpu.memory_space<vmem_shared>> -> memref<640x128xf32, #tpu.memory_space<vmem_shared>>
      tpu.enqueue_dma source(%dma_start3A_50 : memref<640x128xf32, #tpu.memory_space<vmem_shared>>) target(%dma_start3A_48 : memref<640x128xf32, #tpu.memory_space<hbm>>) target_semaphore(%run_scoped3A_46 : memref<!tpu.dma_semaphore, #tpu.memory_space<semaphore_mem>>)
      %dma_wait3A_51 = arith.constant 0 : i32
      %dma_wait3A_52 = tpu.memref_slice %arg6[%add3A_45, %dma_wait3A_51] : memref<20480x128xf32, #tpu.memory_space<hbm>> -> memref<640x128xf32, #tpu.memory_space<hbm>>
      %dma_wait3A_53 = arith.constant 0 : i32
      %dma_wait3A_54 = tpu.memref_slice %arg11[%mul3A_2, %dma_wait3A_53] : memref<10240x128xf32, #tpu.memory_space<vmem_shared>> -> memref<640x128xf32, #tpu.memory_space<vmem_shared>>
      tpu.wait_dma2 semaphore(%run_scoped3A_46 : memref<!tpu.dma_semaphore, #tpu.memory_space<semaphore_mem>>) src(%dma_wait3A_54 : memref<640x128xf32, #tpu.memory_space<vmem_shared>>) dst(%dma_wait3A_52 : memref<640x128xf32, #tpu.memory_space<hbm>>)
      tpu.yield
    }) : () -> ()
    return
  }
}

#map = affine_map<(d0, d1) -> (0, 0)>
module attributes {stable_mosaic.version = 14 : i64} {
  func.func @_sc_degrees_body(%arg0: i32, %arg1: i32, %arg2: memref<32x10000xi32, #tpu.memory_space<hbm>>, %arg3: memref<32x10000xi32, #tpu.memory_space<hbm>>, %arg4: memref<10240x128xf32, #tpu.memory_space<hbm>>, %arg5: memref<1x80xi32, #tpu.memory_space<hbm>>, %arg6: memref<320x128xf32, #tpu.memory_space<hbm>>, %arg7: memref<10000xi32, #tpu.memory_space<vmem>>, %arg8: memref<80x128xf32, #tpu.memory_space<vmem>>, %arg9: memref<80x128xf32, #tpu.memory_space<vmem>>, %arg10: memref<1x80xi32, #tpu.memory_space<vmem>>, %arg11: memref<80x128xf32, #tpu.memory_space<vmem_shared>>, %arg12: memref<80x128xf32, #tpu.memory_space<vmem_shared>>) attributes {dimension_semantics = [#tpu.dimension_semantics<core_parallel>, #tpu.dimension_semantics<subcore_parallel>], iteration_bounds = array<i64: 2, 16>, scalar_prefetch = 0 : i64, scratch_operands = 6 : i64, tpu.core_type = #tpu.core_type<sc_vector_subcore>, window_params = [{transform_indices = #map}, {transform_indices = #map}, {transform_indices = #map}, {transform_indices = #map}, {transform_indices = #map}]} {
    %mul3A = arith.constant 2 : i32
    %mul3A_0 = arith.muli %arg1, %mul3A : i32
    %add3A = arith.addi %mul3A_0, %arg0 : i32
    %broadcast_in_dim3A = arith.constant 0.000000e+00 : f32
    %broadcast_in_dim3A_1 = vector.broadcast %broadcast_in_dim3A : f32 to vector<16xf32>
    %broadcast_in_dim3A_2 = arith.constant 1.000000e+00 : f32
    %broadcast_in_dim3A_3 = vector.broadcast %broadcast_in_dim3A_2 : f32 to vector<16xf32>
    "tpu.region"() ({
      %run_scoped3A_32 = tpu.sem_alloc : memref<!tpu.dma_semaphore, #tpu.memory_space<semaphore_mem>>
      tpu.enqueue_dma source(%arg5 : memref<1x80xi32, #tpu.memory_space<hbm>>) target(%arg10 : memref<1x80xi32, #tpu.memory_space<vmem>>) target_semaphore(%run_scoped3A_32 : memref<!tpu.dma_semaphore, #tpu.memory_space<semaphore_mem>>)
      tpu.wait_dma2 semaphore(%run_scoped3A_32 : memref<!tpu.dma_semaphore, #tpu.memory_space<semaphore_mem>>) src(%arg5 : memref<1x80xi32, #tpu.memory_space<hbm>>) dst(%arg10 : memref<1x80xi32, #tpu.memory_space<vmem>>)
      tpu.yield
    }) : () -> ()
    %eq3A = arith.constant 0 : i32
    %eq3A_4 = arith.cmpi eq, %arg1, %eq3A : i32
    %convert_element_type3A = arith.extui %eq3A_4 : i1 to i32
    %cond3A = arith.constant 0 : i32
    %cond3A_5 = arith.cmpi ne, %convert_element_type3A, %cond3A : i32
    scf.if %cond3A_5 {
      "tpu.region"() ({
        %run_scoped3A_32 = tpu.sem_alloc : memref<!tpu.dma_semaphore, #tpu.memory_space<semaphore_mem>>
        %dma_start3A = arith.constant 0 : i32
        %dma_start3A_33 = arith.constant 0 : i32
        %dma_start3A_34 = tpu.memref_slice %arg4[%dma_start3A, %dma_start3A_33] : memref<10240x128xf32, #tpu.memory_space<hbm>> -> memref<80x128xf32, #tpu.memory_space<hbm>>
        tpu.enqueue_dma source(%dma_start3A_34 : memref<80x128xf32, #tpu.memory_space<hbm>>) target(%arg11 : memref<80x128xf32, #tpu.memory_space<vmem_shared>>) target_semaphore(%run_scoped3A_32 : memref<!tpu.dma_semaphore, #tpu.memory_space<semaphore_mem>>)
        %dma_wait3A = arith.constant 0 : i32
        %dma_wait3A_35 = arith.constant 0 : i32
        %dma_wait3A_36 = tpu.memref_slice %arg4[%dma_wait3A, %dma_wait3A_35] : memref<10240x128xf32, #tpu.memory_space<hbm>> -> memref<80x128xf32, #tpu.memory_space<hbm>>
        tpu.wait_dma2 semaphore(%run_scoped3A_32 : memref<!tpu.dma_semaphore, #tpu.memory_space<semaphore_mem>>) src(%dma_wait3A_36 : memref<80x128xf32, #tpu.memory_space<hbm>>) dst(%arg11 : memref<80x128xf32, #tpu.memory_space<vmem_shared>>)
        tpu.yield
      }) : () -> ()
      "tpu.region"() ({
        %run_scoped3A_32 = tpu.sem_alloc : memref<!tpu.dma_semaphore, #tpu.memory_space<semaphore_mem>>
        %dma_start3A = arith.constant 0 : i32
        %dma_start3A_33 = arith.constant 0 : i32
        %dma_start3A_34 = tpu.memref_slice %arg4[%dma_start3A, %dma_start3A_33] : memref<10240x128xf32, #tpu.memory_space<hbm>> -> memref<80x128xf32, #tpu.memory_space<hbm>>
        tpu.enqueue_dma source(%dma_start3A_34 : memref<80x128xf32, #tpu.memory_space<hbm>>) target(%arg12 : memref<80x128xf32, #tpu.memory_space<vmem_shared>>) target_semaphore(%run_scoped3A_32 : memref<!tpu.dma_semaphore, #tpu.memory_space<semaphore_mem>>)
        %dma_wait3A = arith.constant 0 : i32
        %dma_wait3A_35 = arith.constant 0 : i32
        %dma_wait3A_36 = tpu.memref_slice %arg4[%dma_wait3A, %dma_wait3A_35] : memref<10240x128xf32, #tpu.memory_space<hbm>> -> memref<80x128xf32, #tpu.memory_space<hbm>>
        tpu.wait_dma2 semaphore(%run_scoped3A_32 : memref<!tpu.dma_semaphore, #tpu.memory_space<semaphore_mem>>) src(%dma_wait3A_36 : memref<80x128xf32, #tpu.memory_space<hbm>>) dst(%arg12 : memref<80x128xf32, #tpu.memory_space<vmem_shared>>)
        tpu.yield
      }) : () -> ()
    } else {
    }
    %scan3A = arith.constant 0 : i32
    %scan3A_6 = arith.constant 80 : i32
    %scan3A_7 = arith.addi %scan3A, %scan3A_6 : i32
    %scan3A_8 = arith.constant 1 : i32
    scf.for %scan3A_32 = %scan3A to %scan3A_7 step %scan3A_8  : i32 {
      %mul3A_33 = arith.constant 1 : i32
      %mul3A_34 = arith.muli %scan3A_32, %mul3A_33 : i32
      %add3A_35 = arith.constant 0 : i32
      %add3A_36 = arith.addi %add3A_35, %mul3A_34 : i32
      %scan3A_37 = arith.constant 0 : i32
      %scan3A_38 = arith.constant 8 : i32
      %scan3A_39 = arith.addi %scan3A_37, %scan3A_38 : i32
      %scan3A_40 = arith.constant 1 : i32
      scf.for %scan3A_42 = %scan3A_37 to %scan3A_39 step %scan3A_40  : i32 {
        %mul3A_43 = arith.constant 1 : i32
        %mul3A_44 = arith.muli %scan3A_42, %mul3A_43 : i32
        %add3A_45 = arith.constant 0 : i32
        %add3A_46 = arith.addi %add3A_45, %mul3A_44 : i32
        %mul3A_47 = arith.constant 16 : i32
        %mul3A_48 = arith.muli %add3A_46, %mul3A_47 : i32
        %swap3A = arith.index_cast %add3A_36 : i32 to index
        %swap3A_49 = arith.index_cast %mul3A_48 : i32 to index
        %swap3A_50 = tpu.vector_load %arg8[%swap3A, %swap3A_49] {strides = array<i32>} : memref<80x128xf32, #tpu.memory_space<vmem>>, vector<16xf32>,
        tpu.vector_store %arg8[%swap3A, %swap3A_49], %broadcast_in_dim3A_1 {strides = array<i32>} : memref<80x128xf32, #tpu.memory_space<vmem>>, vector<16xf32>,
        %mul3A_51 = arith.constant 16 : i32
        %mul3A_52 = arith.muli %add3A_46, %mul3A_51 : i32
        %swap3A_53 = arith.index_cast %add3A_36 : i32 to index
        %swap3A_54 = arith.index_cast %mul3A_52 : i32 to index
        %swap3A_55 = tpu.vector_load %arg9[%swap3A_53, %swap3A_54] {strides = array<i32>} : memref<80x128xf32, #tpu.memory_space<vmem>>, vector<16xf32>,
        tpu.vector_store %arg9[%swap3A_53, %swap3A_54], %broadcast_in_dim3A_1 {strides = array<i32>} : memref<80x128xf32, #tpu.memory_space<vmem>>, vector<16xf32>,
      }
      %scan3A_41 = arith.constant 8 : i32
    }
    %scan3A_9 = arith.constant 80 : i32
    "tpu.region"() ({
      %run_scoped3A_32 = tpu.sem_alloc : memref<!tpu.dma_semaphore, #tpu.memory_space<semaphore_mem>>
      %dma_start3A = arith.constant 0 : i32
      %dma_start3A_33 = tpu.memref_slice %arg2[%add3A, %dma_start3A] : memref<32x10000xi32, #tpu.memory_space<hbm>> -> memref<1x10000xi32, #tpu.memory_space<hbm>>
      %dma_start3A_34 = tpu.memref_squeeze %dma_start3A_33 : memref<1x10000xi32, #tpu.memory_space<hbm>> -> memref<10000xi32, #tpu.memory_space<hbm>>
      %dma_start3A_35 = arith.constant 0 : i32
      %dma_start3A_36 = tpu.memref_slice %arg2[%add3A, %dma_start3A_35] : memref<32x10000xi32, #tpu.memory_space<hbm>> -> memref<1x10000xi32, #tpu.memory_space<hbm>>
      %dma_start3A_37 = tpu.memref_squeeze %dma_start3A_36 : memref<1x10000xi32, #tpu.memory_space<hbm>> -> memref<10000xi32, #tpu.memory_space<hbm>>
      tpu.enqueue_dma source(%dma_start3A_37 : memref<10000xi32, #tpu.memory_space<hbm>>) target(%arg7 : memref<10000xi32, #tpu.memory_space<vmem>>) target_semaphore(%run_scoped3A_32 : memref<!tpu.dma_semaphore, #tpu.memory_space<semaphore_mem>>)
      %dma_wait3A = arith.constant 0 : i32
      %dma_wait3A_38 = tpu.memref_slice %arg2[%add3A, %dma_wait3A] : memref<32x10000xi32, #tpu.memory_space<hbm>> -> memref<1x10000xi32, #tpu.memory_space<hbm>>
      %dma_wait3A_39 = tpu.memref_squeeze %dma_wait3A_38 : memref<1x10000xi32, #tpu.memory_space<hbm>> -> memref<10000xi32, #tpu.memory_space<hbm>>
      %dma_wait3A_40 = arith.constant 0 : i32
      %dma_wait3A_41 = tpu.memref_slice %arg2[%add3A, %dma_wait3A_40] : memref<32x10000xi32, #tpu.memory_space<hbm>> -> memref<1x10000xi32, #tpu.memory_space<hbm>>
      %dma_wait3A_42 = tpu.memref_squeeze %dma_wait3A_41 : memref<1x10000xi32, #tpu.memory_space<hbm>> -> memref<10000xi32, #tpu.memory_space<hbm>>
      tpu.wait_dma2 semaphore(%run_scoped3A_32 : memref<!tpu.dma_semaphore, #tpu.memory_space<semaphore_mem>>) src(%dma_wait3A_42 : memref<10000xi32, #tpu.memory_space<hbm>>) dst(%arg7 : memref<10000xi32, #tpu.memory_space<vmem>>)
      tpu.yield
    }) : () -> ()
    %scan3A_10 = arith.constant 0 : i32
    %scan3A_11 = arith.constant 625 : i32
    %scan3A_12 = arith.addi %scan3A_10, %scan3A_11 : i32
    %scan3A_13 = arith.constant 1 : i32
    scf.for %scan3A_32 = %scan3A_10 to %scan3A_12 step %scan3A_13  : i32 {
      %mul3A_33 = arith.constant 1 : i32
      %mul3A_34 = arith.muli %scan3A_32, %mul3A_33 : i32
      %add3A_35 = arith.constant 0 : i32
      %add3A_36 = arith.addi %add3A_35, %mul3A_34 : i32
      %mul3A_37 = arith.constant 16 : i32
      %mul3A_38 = arith.muli %add3A_36, %mul3A_37 : i32
      %get3A = arith.index_cast %mul3A_38 : i32 to index
      %get3A_39 = tpu.vector_load %arg7[%get3A] {strides = array<i32>} : memref<10000xi32, #tpu.memory_space<vmem>>, vector<16xi32>,
      %shift_right_arithmetic3A = arith.constant 7 : i32
      %shift_right_arithmetic3A_40 = vector.broadcast %shift_right_arithmetic3A : i32 to vector<16xi32>
      %shift_right_arithmetic3A_41 = arith.shrsi %get3A_39, %shift_right_arithmetic3A_40 : vector<16xi32>
      %and3A = arith.constant 127 : i32
      %and3A_42 = vector.broadcast %and3A : i32 to vector<16xi32>
      %and3A_43 = arith.andi %get3A_39, %and3A_42 : vector<16xi32>
      tpu.vector_store_idx %arg8[%shift_right_arithmetic3A_41, %and3A_43], %broadcast_in_dim3A_3 {add = true} : memref<80x128xf32, #tpu.memory_space<vmem>>[vector<16xi32>, vector<16xi32>], vector<16xf32>,
    }
    %scan3A_14 = arith.constant 625 : i32
    "tpu.region"() ({
      %run_scoped3A_32 = tpu.sem_alloc : memref<!tpu.dma_semaphore, #tpu.memory_space<semaphore_mem>>
      %dma_start3A = arith.constant 0 : i32
      %dma_start3A_33 = tpu.memref_slice %arg3[%add3A, %dma_start3A] : memref<32x10000xi32, #tpu.memory_space<hbm>> -> memref<1x10000xi32, #tpu.memory_space<hbm>>
      %dma_start3A_34 = tpu.memref_squeeze %dma_start3A_33 : memref<1x10000xi32, #tpu.memory_space<hbm>> -> memref<10000xi32, #tpu.memory_space<hbm>>
      %dma_start3A_35 = arith.constant 0 : i32
      %dma_start3A_36 = tpu.memref_slice %arg3[%add3A, %dma_start3A_35] : memref<32x10000xi32, #tpu.memory_space<hbm>> -> memref<1x10000xi32, #tpu.memory_space<hbm>>
      %dma_start3A_37 = tpu.memref_squeeze %dma_start3A_36 : memref<1x10000xi32, #tpu.memory_space<hbm>> -> memref<10000xi32, #tpu.memory_space<hbm>>
      tpu.enqueue_dma source(%dma_start3A_37 : memref<10000xi32, #tpu.memory_space<hbm>>) target(%arg7 : memref<10000xi32, #tpu.memory_space<vmem>>) target_semaphore(%run_scoped3A_32 : memref<!tpu.dma_semaphore, #tpu.memory_space<semaphore_mem>>)
      %dma_wait3A = arith.constant 0 : i32
      %dma_wait3A_38 = tpu.memref_slice %arg3[%add3A, %dma_wait3A] : memref<32x10000xi32, #tpu.memory_space<hbm>> -> memref<1x10000xi32, #tpu.memory_space<hbm>>
      %dma_wait3A_39 = tpu.memref_squeeze %dma_wait3A_38 : memref<1x10000xi32, #tpu.memory_space<hbm>> -> memref<10000xi32, #tpu.memory_space<hbm>>
      %dma_wait3A_40 = arith.constant 0 : i32
      %dma_wait3A_41 = tpu.memref_slice %arg3[%add3A, %dma_wait3A_40] : memref<32x10000xi32, #tpu.memory_space<hbm>> -> memref<1x10000xi32, #tpu.memory_space<hbm>>
      %dma_wait3A_42 = tpu.memref_squeeze %dma_wait3A_41 : memref<1x10000xi32, #tpu.memory_space<hbm>> -> memref<10000xi32, #tpu.memory_space<hbm>>
      tpu.wait_dma2 semaphore(%run_scoped3A_32 : memref<!tpu.dma_semaphore, #tpu.memory_space<semaphore_mem>>) src(%dma_wait3A_42 : memref<10000xi32, #tpu.memory_space<hbm>>) dst(%arg7 : memref<10000xi32, #tpu.memory_space<vmem>>)
      tpu.yield
    }) : () -> ()
    %scan3A_15 = arith.constant 0 : i32
    %scan3A_16 = arith.constant 625 : i32
    %scan3A_17 = arith.addi %scan3A_15, %scan3A_16 : i32
    %scan3A_18 = arith.constant 1 : i32
    scf.for %scan3A_32 = %scan3A_15 to %scan3A_17 step %scan3A_18  : i32 {
      %mul3A_33 = arith.constant 1 : i32
      %mul3A_34 = arith.muli %scan3A_32, %mul3A_33 : i32
      %add3A_35 = arith.constant 0 : i32
      %add3A_36 = arith.addi %add3A_35, %mul3A_34 : i32
      %mul3A_37 = arith.constant 16 : i32
      %mul3A_38 = arith.muli %add3A_36, %mul3A_37 : i32
      %get3A = arith.index_cast %mul3A_38 : i32 to index
      %get3A_39 = tpu.vector_load %arg7[%get3A] {strides = array<i32>} : memref<10000xi32, #tpu.memory_space<vmem>>, vector<16xi32>,
      %shift_right_arithmetic3A = arith.constant 7 : i32
      %shift_right_arithmetic3A_40 = vector.broadcast %shift_right_arithmetic3A : i32 to vector<16xi32>
      %shift_right_arithmetic3A_41 = arith.shrsi %get3A_39, %shift_right_arithmetic3A_40 : vector<16xi32>
      %and3A = arith.constant 127 : i32
      %and3A_42 = vector.broadcast %and3A : i32 to vector<16xi32>
      %and3A_43 = arith.andi %get3A_39, %and3A_42 : vector<16xi32>
      tpu.vector_store_idx %arg9[%shift_right_arithmetic3A_41, %and3A_43], %broadcast_in_dim3A_3 {add = true} : memref<80x128xf32, #tpu.memory_space<vmem>>[vector<16xi32>, vector<16xi32>], vector<16xf32>,
    }
    %scan3A_19 = arith.constant 625 : i32
    %barrier3A = arith.constant 0 : index
    tpu.barrier barrier_id(%barrier3A)
    %run_scoped3A = arith.constant 0 : i32
    "tpu.region"() ({
      %run_scoped3A_32 = tpu.sem_alloc : memref<!tpu.dma_semaphore, #tpu.memory_space<semaphore_mem>>
      %dma_start3A = arith.constant 0 : i32
      %dma_start3A_33 = tpu.memref_slice %arg10[%run_scoped3A, %dma_start3A] : memref<1x80xi32, #tpu.memory_space<vmem>> -> memref<1x80xi32, #tpu.memory_space<vmem>>
      %dma_start3A_34 = tpu.memref_squeeze %dma_start3A_33 : memref<1x80xi32, #tpu.memory_space<vmem>> -> memref<80xi32, #tpu.memory_space<vmem>>
      %dma_start3A_35 = arith.constant 0 : i32
      %dma_start3A_36 = arith.constant 0 : i32
      %dma_start3A_37 = tpu.memref_slice %arg11[%dma_start3A_35, %dma_start3A_36] : memref<80x128xf32, #tpu.memory_space<vmem_shared>> -> memref<80x128xf32, #tpu.memory_space<vmem_shared>>
      tpu.enqueue_indirect_dma source(%arg8 : memref<80x128xf32, #tpu.memory_space<vmem>>) target(%dma_start3A_37 : memref<80x128xf32, #tpu.memory_space<vmem_shared>>) offsets(%dma_start3A_34 : memref<80xi32, #tpu.memory_space<vmem>>) semaphore(%run_scoped3A_32 : memref<!tpu.dma_semaphore, #tpu.memory_space<semaphore_mem>>) {add = true}
      %dma_wait3A = arith.constant 0 : i32
      %dma_wait3A_38 = tpu.memref_slice %arg10[%run_scoped3A, %dma_wait3A] : memref<1x80xi32, #tpu.memory_space<vmem>> -> memref<1x80xi32, #tpu.memory_space<vmem>>
      %dma_wait3A_39 = tpu.memref_squeeze %dma_wait3A_38 : memref<1x80xi32, #tpu.memory_space<vmem>> -> memref<80xi32, #tpu.memory_space<vmem>>
      %dma_wait3A_40 = arith.constant 0 : i32
      %dma_wait3A_41 = arith.constant 0 : i32
      %dma_wait3A_42 = tpu.memref_slice %arg11[%dma_wait3A_40, %dma_wait3A_41] : memref<80x128xf32, #tpu.memory_space<vmem_shared>> -> memref<80x128xf32, #tpu.memory_space<vmem_shared>>
      tpu.wait_indirect_dma semaphore(%run_scoped3A_32 : memref<!tpu.dma_semaphore, #tpu.memory_space<semaphore_mem>>) src(%arg8 : memref<80x128xf32, #tpu.memory_space<vmem>>) dst(%dma_wait3A_42 : memref<80x128xf32, #tpu.memory_space<vmem_shared>>)
      tpu.yield
    }) : () -> ()
    %run_scoped3A_20 = arith.constant 0 : i32
    "tpu.region"() ({
      %run_scoped3A_32 = tpu.sem_alloc : memref<!tpu.dma_semaphore, #tpu.memory_space<semaphore_mem>>
      %dma_start3A = arith.constant 0 : i32
      %dma_start3A_33 = tpu.memref_slice %arg10[%run_scoped3A_20, %dma_start3A] : memref<1x80xi32, #tpu.memory_space<vmem>> -> memref<1x80xi32, #tpu.memory_space<vmem>>
      %dma_start3A_34 = tpu.memref_squeeze %dma_start3A_33 : memref<1x80xi32, #tpu.memory_space<vmem>> -> memref<80xi32, #tpu.memory_space<vmem>>
      %dma_start3A_35 = arith.constant 0 : i32
      %dma_start3A_36 = arith.constant 0 : i32
      %dma_start3A_37 = tpu.memref_slice %arg12[%dma_start3A_35, %dma_start3A_36] : memref<80x128xf32, #tpu.memory_space<vmem_shared>> -> memref<80x128xf32, #tpu.memory_space<vmem_shared>>
      tpu.enqueue_indirect_dma source(%arg9 : memref<80x128xf32, #tpu.memory_space<vmem>>) target(%dma_start3A_37 : memref<80x128xf32, #tpu.memory_space<vmem_shared>>) offsets(%dma_start3A_34 : memref<80xi32, #tpu.memory_space<vmem>>) semaphore(%run_scoped3A_32 : memref<!tpu.dma_semaphore, #tpu.memory_space<semaphore_mem>>) {add = true}
      %dma_wait3A = arith.constant 0 : i32
      %dma_wait3A_38 = tpu.memref_slice %arg10[%run_scoped3A_20, %dma_wait3A] : memref<1x80xi32, #tpu.memory_space<vmem>> -> memref<1x80xi32, #tpu.memory_space<vmem>>
      %dma_wait3A_39 = tpu.memref_squeeze %dma_wait3A_38 : memref<1x80xi32, #tpu.memory_space<vmem>> -> memref<80xi32, #tpu.memory_space<vmem>>
      %dma_wait3A_40 = arith.constant 0 : i32
      %dma_wait3A_41 = arith.constant 0 : i32
      %dma_wait3A_42 = tpu.memref_slice %arg12[%dma_wait3A_40, %dma_wait3A_41] : memref<80x128xf32, #tpu.memory_space<vmem_shared>> -> memref<80x128xf32, #tpu.memory_space<vmem_shared>>
      tpu.wait_indirect_dma semaphore(%run_scoped3A_32 : memref<!tpu.dma_semaphore, #tpu.memory_space<semaphore_mem>>) src(%arg9 : memref<80x128xf32, #tpu.memory_space<vmem>>) dst(%dma_wait3A_42 : memref<80x128xf32, #tpu.memory_space<vmem_shared>>)
      tpu.yield
    }) : () -> ()
    %barrier3A_21 = arith.constant 0 : index
    tpu.barrier barrier_id(%barrier3A_21)
    %eq3A_22 = arith.constant 0 : i32
    %eq3A_23 = arith.cmpi eq, %arg1, %eq3A_22 : i32
    %convert_element_type3A_24 = arith.extui %eq3A_23 : i1 to i32
    %cond3A_25 = arith.constant 0 : i32
    %cond3A_26 = arith.cmpi ne, %convert_element_type3A_24, %cond3A_25 : i32
    scf.if %cond3A_26 {
      %mul3A_32 = arith.constant 160 : i32
      %mul3A_33 = arith.muli %arg0, %mul3A_32 : i32
      "tpu.region"() ({
        %run_scoped3A_34 = tpu.sem_alloc : memref<!tpu.dma_semaphore, #tpu.memory_space<semaphore_mem>>
        %dma_start3A = arith.constant 0 : i32
        %dma_start3A_35 = tpu.memref_slice %arg6[%mul3A_33, %dma_start3A] : memref<320x128xf32, #tpu.memory_space<hbm>> -> memref<80x128xf32, #tpu.memory_space<hbm>>
        tpu.enqueue_dma source(%arg11 : memref<80x128xf32, #tpu.memory_space<vmem_shared>>) target(%dma_start3A_35 : memref<80x128xf32, #tpu.memory_space<hbm>>) target_semaphore(%run_scoped3A_34 : memref<!tpu.dma_semaphore, #tpu.memory_space<semaphore_mem>>)
        %dma_wait3A = arith.constant 0 : i32
        %dma_wait3A_36 = tpu.memref_slice %arg6[%mul3A_33, %dma_wait3A] : memref<320x128xf32, #tpu.memory_space<hbm>> -> memref<80x128xf32, #tpu.memory_space<hbm>>
        tpu.wait_dma2 semaphore(%run_scoped3A_34 : memref<!tpu.dma_semaphore, #tpu.memory_space<semaphore_mem>>) src(%arg11 : memref<80x128xf32, #tpu.memory_space<vmem_shared>>) dst(%dma_wait3A_36 : memref<80x128xf32, #tpu.memory_space<hbm>>)
        tpu.yield
      }) : () -> ()
    } else {
    }
    %eq3A_27 = arith.constant 1 : i32
    %eq3A_28 = arith.cmpi eq, %arg1, %eq3A_27 : i32
    %convert_element_type3A_29 = arith.extui %eq3A_28 : i1 to i32
    %cond3A_30 = arith.constant 0 : i32
    %cond3A_31 = arith.cmpi ne, %convert_element_type3A_29, %cond3A_30 : i32
    scf.if %cond3A_31 {
      %mul3A_32 = arith.constant 160 : i32
      %mul3A_33 = arith.muli %arg0, %mul3A_32 : i32
      %add3A_34 = arith.constant 80 : i32
      %add3A_35 = arith.addi %mul3A_33, %add3A_34 : i32
      "tpu.region"() ({
        %run_scoped3A_36 = tpu.sem_alloc : memref<!tpu.dma_semaphore, #tpu.memory_space<semaphore_mem>>
        %dma_start3A = arith.constant 0 : i32
        %dma_start3A_37 = tpu.memref_slice %arg6[%add3A_35, %dma_start3A] : memref<320x128xf32, #tpu.memory_space<hbm>> -> memref<80x128xf32, #tpu.memory_space<hbm>>
        tpu.enqueue_dma source(%arg12 : memref<80x128xf32, #tpu.memory_space<vmem_shared>>) target(%dma_start3A_37 : memref<80x128xf32, #tpu.memory_space<hbm>>) target_semaphore(%run_scoped3A_36 : memref<!tpu.dma_semaphore, #tpu.memory_space<semaphore_mem>>)
        %dma_wait3A = arith.constant 0 : i32
        %dma_wait3A_38 = tpu.memref_slice %arg6[%add3A_35, %dma_wait3A] : memref<320x128xf32, #tpu.memory_space<hbm>> -> memref<80x128xf32, #tpu.memory_space<hbm>>
        tpu.wait_dma2 semaphore(%run_scoped3A_36 : memref<!tpu.dma_semaphore, #tpu.memory_space<semaphore_mem>>) src(%arg12 : memref<80x128xf32, #tpu.memory_space<vmem_shared>>) dst(%dma_wait3A_38 : memref<80x128xf32, #tpu.memory_space<hbm>>)
        tpu.yield
      }) : () -> ()
    } else {
    }
    return
  }
}

#map = affine_map<(d0, d1) -> (0, 0)>
#map1 = affine_map<(d0, d1) -> (0, 0, 0)>
module attributes {stable_mosaic.version = 14 : i64} {
  func.func @_sc_aggregate_body(%arg0: i32, %arg1: i32, %arg2: memref<10000x128xf32, #tpu.memory_space<hbm>>, %arg3: memref<32x10000xi32, #tpu.memory_space<hbm>>, %arg4: memref<32x125x80xi32, #tpu.memory_space<hbm>>, %arg5: memref<10240x128xf32, #tpu.memory_space<hbm>>, %arg6: memref<20480x128xf32, #tpu.memory_space<hbm>>, %arg7: memref<10000xi32, #tpu.memory_space<vmem>>, %arg8: memref<125x80xi32, #tpu.memory_space<vmem>>, %arg9: memref<80x128xf32, #tpu.memory_space<vmem>>, %arg10: memref<80x128xf32, #tpu.memory_space<vmem>>, %arg11: memref<10240x128xf32, #tpu.memory_space<vmem_shared>>, %arg12: memref<!tpu.dma_semaphore, #tpu.memory_space<semaphore_mem>>, %arg13: memref<!tpu.dma_semaphore, #tpu.memory_space<semaphore_mem>>) attributes {dimension_semantics = [#tpu.dimension_semantics<core_parallel>, #tpu.dimension_semantics<subcore_parallel>], iteration_bounds = array<i64: 2, 16>, scalar_prefetch = 0 : i64, scratch_operands = 7 : i64, tpu.core_type = #tpu.core_type<sc_vector_subcore>, window_params = [{transform_indices = #map}, {transform_indices = #map}, {transform_indices = #map1}, {transform_indices = #map}, {transform_indices = #map}]} {
    %mul3A = arith.constant 2 : i32
    %mul3A_0 = arith.muli %arg1, %mul3A : i32
    %add3A = arith.addi %mul3A_0, %arg0 : i32
    %mul3A_1 = arith.constant 640 : i32
    %mul3A_2 = arith.muli %arg1, %mul3A_1 : i32
    "tpu.region"() ({
      %run_scoped3A_46 = tpu.sem_alloc : memref<!tpu.dma_semaphore, #tpu.memory_space<semaphore_mem>>
      %dma_start3A_47 = arith.constant 0 : i32
      %dma_start3A_48 = tpu.memref_slice %arg3[%add3A, %dma_start3A_47] : memref<32x10000xi32, #tpu.memory_space<hbm>> -> memref<1x10000xi32, #tpu.memory_space<hbm>>
      %dma_start3A_49 = tpu.memref_squeeze %dma_start3A_48 : memref<1x10000xi32, #tpu.memory_space<hbm>> -> memref<10000xi32, #tpu.memory_space<hbm>>
      %dma_start3A_50 = arith.constant 0 : i32
      %dma_start3A_51 = tpu.memref_slice %arg3[%add3A, %dma_start3A_50] : memref<32x10000xi32, #tpu.memory_space<hbm>> -> memref<1x10000xi32, #tpu.memory_space<hbm>>
      %dma_start3A_52 = tpu.memref_squeeze %dma_start3A_51 : memref<1x10000xi32, #tpu.memory_space<hbm>> -> memref<10000xi32, #tpu.memory_space<hbm>>
      tpu.enqueue_dma source(%dma_start3A_52 : memref<10000xi32, #tpu.memory_space<hbm>>) target(%arg7 : memref<10000xi32, #tpu.memory_space<vmem>>) target_semaphore(%run_scoped3A_46 : memref<!tpu.dma_semaphore, #tpu.memory_space<semaphore_mem>>)
      %dma_wait3A_53 = arith.constant 0 : i32
      %dma_wait3A_54 = tpu.memref_slice %arg3[%add3A, %dma_wait3A_53] : memref<32x10000xi32, #tpu.memory_space<hbm>> -> memref<1x10000xi32, #tpu.memory_space<hbm>>
      %dma_wait3A_55 = tpu.memref_squeeze %dma_wait3A_54 : memref<1x10000xi32, #tpu.memory_space<hbm>> -> memref<10000xi32, #tpu.memory_space<hbm>>
      %dma_wait3A_56 = arith.constant 0 : i32
      %dma_wait3A_57 = tpu.memref_slice %arg3[%add3A, %dma_wait3A_56] : memref<32x10000xi32, #tpu.memory_space<hbm>> -> memref<1x10000xi32, #tpu.memory_space<hbm>>
      %dma_wait3A_58 = tpu.memref_squeeze %dma_wait3A_57 : memref<1x10000xi32, #tpu.memory_space<hbm>> -> memref<10000xi32, #tpu.memory_space<hbm>>
      tpu.wait_dma2 semaphore(%run_scoped3A_46 : memref<!tpu.dma_semaphore, #tpu.memory_space<semaphore_mem>>) src(%dma_wait3A_58 : memref<10000xi32, #tpu.memory_space<hbm>>) dst(%arg7 : memref<10000xi32, #tpu.memory_space<vmem>>)
      tpu.yield
    }) : () -> ()
    "tpu.region"() ({
      %run_scoped3A_46 = tpu.sem_alloc : memref<!tpu.dma_semaphore, #tpu.memory_space<semaphore_mem>>
      %dma_start3A_47 = arith.constant 0 : i32
      %dma_start3A_48 = arith.constant 0 : i32
      %dma_start3A_49 = tpu.memref_slice %arg4[%add3A, %dma_start3A_47, %dma_start3A_48] : memref<32x125x80xi32, #tpu.memory_space<hbm>> -> memref<1x125x80xi32, #tpu.memory_space<hbm>>
      %dma_start3A_50 = tpu.memref_squeeze %dma_start3A_49 : memref<1x125x80xi32, #tpu.memory_space<hbm>> -> memref<125x80xi32, #tpu.memory_space<hbm>>
      %dma_start3A_51 = arith.constant 0 : i32
      %dma_start3A_52 = arith.constant 0 : i32
      %dma_start3A_53 = tpu.memref_slice %arg4[%add3A, %dma_start3A_51, %dma_start3A_52] : memref<32x125x80xi32, #tpu.memory_space<hbm>> -> memref<1x125x80xi32, #tpu.memory_space<hbm>>
      %dma_start3A_54 = tpu.memref_squeeze %dma_start3A_53 : memref<1x125x80xi32, #tpu.memory_space<hbm>> -> memref<125x80xi32, #tpu.memory_space<hbm>>
      tpu.enqueue_dma source(%dma_start3A_54 : memref<125x80xi32, #tpu.memory_space<hbm>>) target(%arg8 : memref<125x80xi32, #tpu.memory_space<vmem>>) target_semaphore(%run_scoped3A_46 : memref<!tpu.dma_semaphore, #tpu.memory_space<semaphore_mem>>)
      %dma_wait3A_55 = arith.constant 0 : i32
      %dma_wait3A_56 = arith.constant 0 : i32
      %dma_wait3A_57 = tpu.memref_slice %arg4[%add3A, %dma_wait3A_55, %dma_wait3A_56] : memref<32x125x80xi32, #tpu.memory_space<hbm>> -> memref<1x125x80xi32, #tpu.memory_space<hbm>>
      %dma_wait3A_58 = tpu.memref_squeeze %dma_wait3A_57 : memref<1x125x80xi32, #tpu.memory_space<hbm>> -> memref<125x80xi32, #tpu.memory_space<hbm>>
      %dma_wait3A_59 = arith.constant 0 : i32
      %dma_wait3A_60 = arith.constant 0 : i32
      %dma_wait3A_61 = tpu.memref_slice %arg4[%add3A, %dma_wait3A_59, %dma_wait3A_60] : memref<32x125x80xi32, #tpu.memory_space<hbm>> -> memref<1x125x80xi32, #tpu.memory_space<hbm>>
      %dma_wait3A_62 = tpu.memref_squeeze %dma_wait3A_61 : memref<1x125x80xi32, #tpu.memory_space<hbm>> -> memref<125x80xi32, #tpu.memory_space<hbm>>
      tpu.wait_dma2 semaphore(%run_scoped3A_46 : memref<!tpu.dma_semaphore, #tpu.memory_space<semaphore_mem>>) src(%dma_wait3A_62 : memref<125x80xi32, #tpu.memory_space<hbm>>) dst(%arg8 : memref<125x80xi32, #tpu.memory_space<vmem>>)
      tpu.yield
    }) : () -> ()
    "tpu.region"() ({
      %run_scoped3A_46 = tpu.sem_alloc : memref<!tpu.dma_semaphore, #tpu.memory_space<semaphore_mem>>
      %dma_start3A_47 = arith.constant 0 : i32
      %dma_start3A_48 = tpu.memref_slice %arg11[%mul3A_2, %dma_start3A_47] : memref<10240x128xf32, #tpu.memory_space<vmem_shared>> -> memref<640x128xf32, #tpu.memory_space<vmem_shared>>
      %dma_start3A_49 = arith.constant 0 : i32
      %dma_start3A_50 = tpu.memref_slice %arg5[%mul3A_2, %dma_start3A_49] : memref<10240x128xf32, #tpu.memory_space<hbm>> -> memref<640x128xf32, #tpu.memory_space<hbm>>
      tpu.enqueue_dma source(%dma_start3A_50 : memref<640x128xf32, #tpu.memory_space<hbm>>) target(%dma_start3A_48 : memref<640x128xf32, #tpu.memory_space<vmem_shared>>) target_semaphore(%run_scoped3A_46 : memref<!tpu.dma_semaphore, #tpu.memory_space<semaphore_mem>>)
      %dma_wait3A_51 = arith.constant 0 : i32
      %dma_wait3A_52 = tpu.memref_slice %arg11[%mul3A_2, %dma_wait3A_51] : memref<10240x128xf32, #tpu.memory_space<vmem_shared>> -> memref<640x128xf32, #tpu.memory_space<vmem_shared>>
      %dma_wait3A_53 = arith.constant 0 : i32
      %dma_wait3A_54 = tpu.memref_slice %arg5[%mul3A_2, %dma_wait3A_53] : memref<10240x128xf32, #tpu.memory_space<hbm>> -> memref<640x128xf32, #tpu.memory_space<hbm>>
      tpu.wait_dma2 semaphore(%run_scoped3A_46 : memref<!tpu.dma_semaphore, #tpu.memory_space<semaphore_mem>>) src(%dma_wait3A_54 : memref<640x128xf32, #tpu.memory_space<hbm>>) dst(%dma_wait3A_52 : memref<640x128xf32, #tpu.memory_space<vmem_shared>>)
      tpu.yield
    }) : () -> ()
    %barrier3A = arith.constant 0 : index
    tpu.barrier barrier_id(%barrier3A)
    %dma_start3A = arith.constant 0 : i32
    %dma_start3A_3 = tpu.memref_slice %arg7[%dma_start3A] : memref<10000xi32, #tpu.memory_space<vmem>> -> memref<80xi32, #tpu.memory_space<vmem>>
    %dma_start3A_4 = arith.constant 0 : i32
    %dma_start3A_5 = arith.constant 0 : i32
    %dma_start3A_6 = tpu.memref_slice %arg2[%dma_start3A_4, %dma_start3A_5] : memref<10000x128xf32, #tpu.memory_space<hbm>> -> memref<10000x128xf32, #tpu.memory_space<hbm>>
    tpu.enqueue_indirect_dma source(%dma_start3A_6 : memref<10000x128xf32, #tpu.memory_space<hbm>>) target(%arg9 : memref<80x128xf32, #tpu.memory_space<vmem>>) offsets(%dma_start3A_3 : memref<80xi32, #tpu.memory_space<vmem>>) semaphore(%arg12 : memref<!tpu.dma_semaphore, #tpu.memory_space<semaphore_mem>>)
    %dma_start3A_7 = arith.constant 80 : i32
    %dma_start3A_8 = tpu.memref_slice %arg7[%dma_start3A_7] : memref<10000xi32, #tpu.memory_space<vmem>> -> memref<80xi32, #tpu.memory_space<vmem>>
    %dma_start3A_9 = arith.constant 0 : i32
    %dma_start3A_10 = arith.constant 0 : i32
    %dma_start3A_11 = tpu.memref_slice %arg2[%dma_start3A_9, %dma_start3A_10] : memref<10000x128xf32, #tpu.memory_space<hbm>> -> memref<10000x128xf32, #tpu.memory_space<hbm>>
    tpu.enqueue_indirect_dma source(%dma_start3A_11 : memref<10000x128xf32, #tpu.memory_space<hbm>>) target(%arg10 : memref<80x128xf32, #tpu.memory_space<vmem>>) offsets(%dma_start3A_8 : memref<80xi32, #tpu.memory_space<vmem>>) semaphore(%arg13 : memref<!tpu.dma_semaphore, #tpu.memory_space<semaphore_mem>>)
    %scan3A = arith.constant 0 : i32
    %scan3A_12 = arith.constant 61 : i32
    %scan3A_13 = arith.addi %scan3A, %scan3A_12 : i32
    %scan3A_14 = arith.constant 1 : i32
    scf.for %scan3A_46 = %scan3A to %scan3A_13 step %scan3A_14  : i32 {
      %mul3A_47 = arith.constant 1 : i32
      %mul3A_48 = arith.muli %scan3A_46, %mul3A_47 : i32
      %add3A_49 = arith.constant 0 : i32
      %add3A_50 = arith.addi %add3A_49, %mul3A_48 : i32
      %mul3A_51 = arith.constant 2 : i32
      %mul3A_52 = arith.muli %mul3A_51, %add3A_50 : i32
      %dma_wait3A_53 = arith.constant 0 : i32
      %dma_wait3A_54 = arith.constant 0 : i32
      %dma_wait3A_55 = tpu.memref_slice %arg2[%dma_wait3A_53, %dma_wait3A_54] : memref<10000x128xf32, #tpu.memory_space<hbm>> -> memref<80x128xf32, #tpu.memory_space<hbm>>
      %dma_wait3A_56 = arith.constant 0 : i32
      %dma_wait3A_57 = arith.constant 0 : i32
      %dma_wait3A_58 = tpu.memref_slice %arg2[%dma_wait3A_56, %dma_wait3A_57] : memref<10000x128xf32, #tpu.memory_space<hbm>> -> memref<80x128xf32, #tpu.memory_space<hbm>>
      tpu.wait_dma2 semaphore(%arg12 : memref<!tpu.dma_semaphore, #tpu.memory_space<semaphore_mem>>) src(%dma_wait3A_58 : memref<80x128xf32, #tpu.memory_space<hbm>>) dst(%arg9 : memref<80x128xf32, #tpu.memory_space<vmem>>)
      "tpu.region"() ({
        %run_scoped3A_83 = tpu.sem_alloc : memref<!tpu.dma_semaphore, #tpu.memory_space<semaphore_mem>>
        %dma_start3A_84 = arith.constant 0 : i32
        %dma_start3A_85 = tpu.memref_slice %arg8[%mul3A_52, %dma_start3A_84] : memref<125x80xi32, #tpu.memory_space<vmem>> -> memref<1x80xi32, #tpu.memory_space<vmem>>
        %dma_start3A_86 = tpu.memref_squeeze %dma_start3A_85 : memref<1x80xi32, #tpu.memory_space<vmem>> -> memref<80xi32, #tpu.memory_space<vmem>>
        %dma_start3A_87 = arith.constant 0 : i32
        %dma_start3A_88 = arith.constant 0 : i32
        %dma_start3A_89 = tpu.memref_slice %arg11[%dma_start3A_87, %dma_start3A_88] : memref<10240x128xf32, #tpu.memory_space<vmem_shared>> -> memref<10240x128xf32, #tpu.memory_space<vmem_shared>>
        tpu.enqueue_indirect_dma source(%arg9 : memref<80x128xf32, #tpu.memory_space<vmem>>) target(%dma_start3A_89 : memref<10240x128xf32, #tpu.memory_space<vmem_shared>>) offsets(%dma_start3A_86 : memref<80xi32, #tpu.memory_space<vmem>>) semaphore(%run_scoped3A_83 : memref<!tpu.dma_semaphore, #tpu.memory_space<semaphore_mem>>) {add = true}
        %dma_wait3A_90 = arith.constant 0 : i32
        %dma_wait3A_91 = tpu.memref_slice %arg8[%mul3A_52, %dma_wait3A_90] : memref<125x80xi32, #tpu.memory_space<vmem>> -> memref<1x80xi32, #tpu.memory_space<vmem>>
        %dma_wait3A_92 = tpu.memref_squeeze %dma_wait3A_91 : memref<1x80xi32, #tpu.memory_space<vmem>> -> memref<80xi32, #tpu.memory_space<vmem>>
        %dma_wait3A_93 = arith.constant 0 : i32
        %dma_wait3A_94 = arith.constant 0 : i32
        %dma_wait3A_95 = tpu.memref_slice %arg11[%dma_wait3A_93, %dma_wait3A_94] : memref<10240x128xf32, #tpu.memory_space<vmem_shared>> -> memref<10240x128xf32, #tpu.memory_space<vmem_shared>>
        tpu.wait_indirect_dma semaphore(%run_scoped3A_83 : memref<!tpu.dma_semaphore, #tpu.memory_space<semaphore_mem>>) src(%arg9 : memref<80x128xf32, #tpu.memory_space<vmem>>) dst(%dma_wait3A_95 : memref<10240x128xf32, #tpu.memory_space<vmem_shared>>)
        tpu.yield
      }) : () -> ()
      %add3A_59 = arith.constant 2 : i32
      %add3A_60 = arith.addi %mul3A_52, %add3A_59 : i32
      %mul3A_61 = arith.constant 80 : i32
      %mul3A_62 = arith.muli %add3A_60, %mul3A_61 : i32
      %dma_start3A_63 = tpu.memref_slice %arg7[%mul3A_62] : memref<10000xi32, #tpu.memory_space<vmem>> -> memref<80xi32, #tpu.memory_space<vmem>>
      %dma_start3A_64 = arith.constant 0 : i32
      %dma_start3A_65 = arith.constant 0 : i32
      %dma_start3A_66 = tpu.memref_slice %arg2[%dma_start3A_64, %dma_start3A_65] : memref<10000x128xf32, #tpu.memory_space<hbm>> -> memref<10000x128xf32, #tpu.memory_space<hbm>>
      tpu.enqueue_indirect_dma source(%dma_start3A_66 : memref<10000x128xf32, #tpu.memory_space<hbm>>) target(%arg9 : memref<80x128xf32, #tpu.memory_space<vmem>>) offsets(%dma_start3A_63 : memref<80xi32, #tpu.memory_space<vmem>>) semaphore(%arg12 : memref<!tpu.dma_semaphore, #tpu.memory_space<semaphore_mem>>)
      %dma_wait3A_67 = arith.constant 0 : i32
      %dma_wait3A_68 = arith.constant 0 : i32
      %dma_wait3A_69 = tpu.memref_slice %arg2[%dma_wait3A_67, %dma_wait3A_68] : memref<10000x128xf32, #tpu.memory_space<hbm>> -> memref<80x128xf32, #tpu.memory_space<hbm>>
      %dma_wait3A_70 = arith.constant 0 : i32
      %dma_wait3A_71 = arith.constant 0 : i32
      %dma_wait3A_72 = tpu.memref_slice %arg2[%dma_wait3A_70, %dma_wait3A_71] : memref<10000x128xf32, #tpu.memory_space<hbm>> -> memref<80x128xf32, #tpu.memory_space<hbm>>
      tpu.wait_dma2 semaphore(%arg13 : memref<!tpu.dma_semaphore, #tpu.memory_space<semaphore_mem>>) src(%dma_wait3A_72 : memref<80x128xf32, #tpu.memory_space<hbm>>) dst(%arg10 : memref<80x128xf32, #tpu.memory_space<vmem>>)
      %add3A_73 = arith.constant 1 : i32
      %add3A_74 = arith.addi %mul3A_52, %add3A_73 : i32
      "tpu.region"() ({
        %run_scoped3A_83 = tpu.sem_alloc : memref<!tpu.dma_semaphore, #tpu.memory_space<semaphore_mem>>
        %dma_start3A_84 = arith.constant 0 : i32
        %dma_start3A_85 = tpu.memref_slice %arg8[%add3A_74, %dma_start3A_84] : memref<125x80xi32, #tpu.memory_space<vmem>> -> memref<1x80xi32, #tpu.memory_space<vmem>>
        %dma_start3A_86 = tpu.memref_squeeze %dma_start3A_85 : memref<1x80xi32, #tpu.memory_space<vmem>> -> memref<80xi32, #tpu.memory_space<vmem>>
        %dma_start3A_87 = arith.constant 0 : i32
        %dma_start3A_88 = arith.constant 0 : i32
        %dma_start3A_89 = tpu.memref_slice %arg11[%dma_start3A_87, %dma_start3A_88] : memref<10240x128xf32, #tpu.memory_space<vmem_shared>> -> memref<10240x128xf32, #tpu.memory_space<vmem_shared>>
        tpu.enqueue_indirect_dma source(%arg10 : memref<80x128xf32, #tpu.memory_space<vmem>>) target(%dma_start3A_89 : memref<10240x128xf32, #tpu.memory_space<vmem_shared>>) offsets(%dma_start3A_86 : memref<80xi32, #tpu.memory_space<vmem>>) semaphore(%run_scoped3A_83 : memref<!tpu.dma_semaphore, #tpu.memory_space<semaphore_mem>>) {add = true}
        %dma_wait3A_90 = arith.constant 0 : i32
        %dma_wait3A_91 = tpu.memref_slice %arg8[%add3A_74, %dma_wait3A_90] : memref<125x80xi32, #tpu.memory_space<vmem>> -> memref<1x80xi32, #tpu.memory_space<vmem>>
        %dma_wait3A_92 = tpu.memref_squeeze %dma_wait3A_91 : memref<1x80xi32, #tpu.memory_space<vmem>> -> memref<80xi32, #tpu.memory_space<vmem>>
        %dma_wait3A_93 = arith.constant 0 : i32
        %dma_wait3A_94 = arith.constant 0 : i32
        %dma_wait3A_95 = tpu.memref_slice %arg11[%dma_wait3A_93, %dma_wait3A_94] : memref<10240x128xf32, #tpu.memory_space<vmem_shared>> -> memref<10240x128xf32, #tpu.memory_space<vmem_shared>>
        tpu.wait_indirect_dma semaphore(%run_scoped3A_83 : memref<!tpu.dma_semaphore, #tpu.memory_space<semaphore_mem>>) src(%arg10 : memref<80x128xf32, #tpu.memory_space<vmem>>) dst(%dma_wait3A_95 : memref<10240x128xf32, #tpu.memory_space<vmem_shared>>)
        tpu.yield
      }) : () -> ()
      %add3A_75 = arith.constant 3 : i32
      %add3A_76 = arith.addi %mul3A_52, %add3A_75 : i32
      %mul3A_77 = arith.constant 80 : i32
      %mul3A_78 = arith.muli %add3A_76, %mul3A_77 : i32
      %dma_start3A_79 = tpu.memref_slice %arg7[%mul3A_78] : memref<10000xi32, #tpu.memory_space<vmem>> -> memref<80xi32, #tpu.memory_space<vmem>>
      %dma_start3A_80 = arith.constant 0 : i32
      %dma_start3A_81 = arith.constant 0 : i32
      %dma_start3A_82 = tpu.memref_slice %arg2[%dma_start3A_80, %dma_start3A_81] : memref<10000x128xf32, #tpu.memory_space<hbm>> -> memref<10000x128xf32, #tpu.memory_space<hbm>>
      tpu.enqueue_indirect_dma source(%dma_start3A_82 : memref<10000x128xf32, #tpu.memory_space<hbm>>) target(%arg10 : memref<80x128xf32, #tpu.memory_space<vmem>>) offsets(%dma_start3A_79 : memref<80xi32, #tpu.memory_space<vmem>>) semaphore(%arg13 : memref<!tpu.dma_semaphore, #tpu.memory_space<semaphore_mem>>)
    }
    %scan3A_15 = arith.constant 61 : i32
    %dma_wait3A = arith.constant 0 : i32
    %dma_wait3A_16 = arith.constant 0 : i32
    %dma_wait3A_17 = tpu.memref_slice %arg2[%dma_wait3A, %dma_wait3A_16] : memref<10000x128xf32, #tpu.memory_space<hbm>> -> memref<80x128xf32, #tpu.memory_space<hbm>>
    %dma_wait3A_18 = arith.constant 0 : i32
    %dma_wait3A_19 = arith.constant 0 : i32
    %dma_wait3A_20 = tpu.memref_slice %arg2[%dma_wait3A_18, %dma_wait3A_19] : memref<10000x128xf32, #tpu.memory_space<hbm>> -> memref<80x128xf32, #tpu.memory_space<hbm>>
    tpu.wait_dma2 semaphore(%arg12 : memref<!tpu.dma_semaphore, #tpu.memory_space<semaphore_mem>>) src(%dma_wait3A_20 : memref<80x128xf32, #tpu.memory_space<hbm>>) dst(%arg9 : memref<80x128xf32, #tpu.memory_space<vmem>>)
    %run_scoped3A = arith.constant 122 : i32
    "tpu.region"() ({
      %run_scoped3A_46 = tpu.sem_alloc : memref<!tpu.dma_semaphore, #tpu.memory_space<semaphore_mem>>
      %dma_start3A_47 = arith.constant 0 : i32
      %dma_start3A_48 = tpu.memref_slice %arg8[%run_scoped3A, %dma_start3A_47] : memref<125x80xi32, #tpu.memory_space<vmem>> -> memref<1x80xi32, #tpu.memory_space<vmem>>
      %dma_start3A_49 = tpu.memref_squeeze %dma_start3A_48 : memref<1x80xi32, #tpu.memory_space<vmem>> -> memref<80xi32, #tpu.memory_space<vmem>>
      %dma_start3A_50 = arith.constant 0 : i32
      %dma_start3A_51 = arith.constant 0 : i32
      %dma_start3A_52 = tpu.memref_slice %arg11[%dma_start3A_50, %dma_start3A_51] : memref<10240x128xf32, #tpu.memory_space<vmem_shared>> -> memref<10240x128xf32, #tpu.memory_space<vmem_shared>>
      tpu.enqueue_indirect_dma source(%arg9 : memref<80x128xf32, #tpu.memory_space<vmem>>) target(%dma_start3A_52 : memref<10240x128xf32, #tpu.memory_space<vmem_shared>>) offsets(%dma_start3A_49 : memref<80xi32, #tpu.memory_space<vmem>>) semaphore(%run_scoped3A_46 : memref<!tpu.dma_semaphore, #tpu.memory_space<semaphore_mem>>) {add = true}
      %dma_wait3A_53 = arith.constant 0 : i32
      %dma_wait3A_54 = tpu.memref_slice %arg8[%run_scoped3A, %dma_wait3A_53] : memref<125x80xi32, #tpu.memory_space<vmem>> -> memref<1x80xi32, #tpu.memory_space<vmem>>
      %dma_wait3A_55 = tpu.memref_squeeze %dma_wait3A_54 : memref<1x80xi32, #tpu.memory_space<vmem>> -> memref<80xi32, #tpu.memory_space<vmem>>
      %dma_wait3A_56 = arith.constant 0 : i32
      %dma_wait3A_57 = arith.constant 0 : i32
      %dma_wait3A_58 = tpu.memref_slice %arg11[%dma_wait3A_56, %dma_wait3A_57] : memref<10240x128xf32, #tpu.memory_space<vmem_shared>> -> memref<10240x128xf32, #tpu.memory_space<vmem_shared>>
      tpu.wait_indirect_dma semaphore(%run_scoped3A_46 : memref<!tpu.dma_semaphore, #tpu.memory_space<semaphore_mem>>) src(%arg9 : memref<80x128xf32, #tpu.memory_space<vmem>>) dst(%dma_wait3A_58 : memref<10240x128xf32, #tpu.memory_space<vmem_shared>>)
      tpu.yield
    }) : () -> ()
    %dma_start3A_21 = arith.constant 9920 : i32
    %dma_start3A_22 = tpu.memref_slice %arg7[%dma_start3A_21] : memref<10000xi32, #tpu.memory_space<vmem>> -> memref<80xi32, #tpu.memory_space<vmem>>
    %dma_start3A_23 = arith.constant 0 : i32
    %dma_start3A_24 = arith.constant 0 : i32
    %dma_start3A_25 = tpu.memref_slice %arg2[%dma_start3A_23, %dma_start3A_24] : memref<10000x128xf32, #tpu.memory_space<hbm>> -> memref<10000x128xf32, #tpu.memory_space<hbm>>
    tpu.enqueue_indirect_dma source(%dma_start3A_25 : memref<10000x128xf32, #tpu.memory_space<hbm>>) target(%arg9 : memref<80x128xf32, #tpu.memory_space<vmem>>) offsets(%dma_start3A_22 : memref<80xi32, #tpu.memory_space<vmem>>) semaphore(%arg12 : memref<!tpu.dma_semaphore, #tpu.memory_space<semaphore_mem>>)
    %dma_wait3A_26 = arith.constant 0 : i32
    %dma_wait3A_27 = arith.constant 0 : i32
    %dma_wait3A_28 = tpu.memref_slice %arg2[%dma_wait3A_26, %dma_wait3A_27] : memref<10000x128xf32, #tpu.memory_space<hbm>> -> memref<80x128xf32, #tpu.memory_space<hbm>>
    %dma_wait3A_29 = arith.constant 0 : i32
    %dma_wait3A_30 = arith.constant 0 : i32
    %dma_wait3A_31 = tpu.memref_slice %arg2[%dma_wait3A_29, %dma_wait3A_30] : memref<10000x128xf32, #tpu.memory_space<hbm>> -> memref<80x128xf32, #tpu.memory_space<hbm>>
    tpu.wait_dma2 semaphore(%arg13 : memref<!tpu.dma_semaphore, #tpu.memory_space<semaphore_mem>>) src(%dma_wait3A_31 : memref<80x128xf32, #tpu.memory_space<hbm>>) dst(%arg10 : memref<80x128xf32, #tpu.memory_space<vmem>>)
    %run_scoped3A_32 = arith.constant 123 : i32
    "tpu.region"() ({
      %run_scoped3A_46 = tpu.sem_alloc : memref<!tpu.dma_semaphore, #tpu.memory_space<semaphore_mem>>
      %dma_start3A_47 = arith.constant 0 : i32
      %dma_start3A_48 = tpu.memref_slice %arg8[%run_scoped3A_32, %dma_start3A_47] : memref<125x80xi32, #tpu.memory_space<vmem>> -> memref<1x80xi32, #tpu.memory_space<vmem>>
      %dma_start3A_49 = tpu.memref_squeeze %dma_start3A_48 : memref<1x80xi32, #tpu.memory_space<vmem>> -> memref<80xi32, #tpu.memory_space<vmem>>
      %dma_start3A_50 = arith.constant 0 : i32
      %dma_start3A_51 = arith.constant 0 : i32
      %dma_start3A_52 = tpu.memref_slice %arg11[%dma_start3A_50, %dma_start3A_51] : memref<10240x128xf32, #tpu.memory_space<vmem_shared>> -> memref<10240x128xf32, #tpu.memory_space<vmem_shared>>
      tpu.enqueue_indirect_dma source(%arg10 : memref<80x128xf32, #tpu.memory_space<vmem>>) target(%dma_start3A_52 : memref<10240x128xf32, #tpu.memory_space<vmem_shared>>) offsets(%dma_start3A_49 : memref<80xi32, #tpu.memory_space<vmem>>) semaphore(%run_scoped3A_46 : memref<!tpu.dma_semaphore, #tpu.memory_space<semaphore_mem>>) {add = true}
      %dma_wait3A_53 = arith.constant 0 : i32
      %dma_wait3A_54 = tpu.memref_slice %arg8[%run_scoped3A_32, %dma_wait3A_53] : memref<125x80xi32, #tpu.memory_space<vmem>> -> memref<1x80xi32, #tpu.memory_space<vmem>>
      %dma_wait3A_55 = tpu.memref_squeeze %dma_wait3A_54 : memref<1x80xi32, #tpu.memory_space<vmem>> -> memref<80xi32, #tpu.memory_space<vmem>>
      %dma_wait3A_56 = arith.constant 0 : i32
      %dma_wait3A_57 = arith.constant 0 : i32
      %dma_wait3A_58 = tpu.memref_slice %arg11[%dma_wait3A_56, %dma_wait3A_57] : memref<10240x128xf32, #tpu.memory_space<vmem_shared>> -> memref<10240x128xf32, #tpu.memory_space<vmem_shared>>
      tpu.wait_indirect_dma semaphore(%run_scoped3A_46 : memref<!tpu.dma_semaphore, #tpu.memory_space<semaphore_mem>>) src(%arg10 : memref<80x128xf32, #tpu.memory_space<vmem>>) dst(%dma_wait3A_58 : memref<10240x128xf32, #tpu.memory_space<vmem_shared>>)
      tpu.yield
    }) : () -> ()
    %dma_wait3A_33 = arith.constant 0 : i32
    %dma_wait3A_34 = arith.constant 0 : i32
    %dma_wait3A_35 = tpu.memref_slice %arg2[%dma_wait3A_33, %dma_wait3A_34] : memref<10000x128xf32, #tpu.memory_space<hbm>> -> memref<80x128xf32, #tpu.memory_space<hbm>>
    %dma_wait3A_36 = arith.constant 0 : i32
    %dma_wait3A_37 = arith.constant 0 : i32
    %dma_wait3A_38 = tpu.memref_slice %arg2[%dma_wait3A_36, %dma_wait3A_37] : memref<10000x128xf32, #tpu.memory_space<hbm>> -> memref<80x128xf32, #tpu.memory_space<hbm>>
    tpu.wait_dma2 semaphore(%arg12 : memref<!tpu.dma_semaphore, #tpu.memory_space<semaphore_mem>>) src(%dma_wait3A_38 : memref<80x128xf32, #tpu.memory_space<hbm>>) dst(%arg9 : memref<80x128xf32, #tpu.memory_space<vmem>>)
    %run_scoped3A_39 = arith.constant 124 : i32
    "tpu.region"() ({
      %run_scoped3A_46 = tpu.sem_alloc : memref<!tpu.dma_semaphore, #tpu.memory_space<semaphore_mem>>
      %dma_start3A_47 = arith.constant 0 : i32
      %dma_start3A_48 = tpu.memref_slice %arg8[%run_scoped3A_39, %dma_start3A_47] : memref<125x80xi32, #tpu.memory_space<vmem>> -> memref<1x80xi32, #tpu.memory_space<vmem>>
      %dma_start3A_49 = tpu.memref_squeeze %dma_start3A_48 : memref<1x80xi32, #tpu.memory_space<vmem>> -> memref<80xi32, #tpu.memory_space<vmem>>
      %dma_start3A_50 = arith.constant 0 : i32
      %dma_start3A_51 = arith.constant 0 : i32
      %dma_start3A_52 = tpu.memref_slice %arg11[%dma_start3A_50, %dma_start3A_51] : memref<10240x128xf32, #tpu.memory_space<vmem_shared>> -> memref<10240x128xf32, #tpu.memory_space<vmem_shared>>
      tpu.enqueue_indirect_dma source(%arg9 : memref<80x128xf32, #tpu.memory_space<vmem>>) target(%dma_start3A_52 : memref<10240x128xf32, #tpu.memory_space<vmem_shared>>) offsets(%dma_start3A_49 : memref<80xi32, #tpu.memory_space<vmem>>) semaphore(%run_scoped3A_46 : memref<!tpu.dma_semaphore, #tpu.memory_space<semaphore_mem>>) {add = true}
      %dma_wait3A_53 = arith.constant 0 : i32
      %dma_wait3A_54 = tpu.memref_slice %arg8[%run_scoped3A_39, %dma_wait3A_53] : memref<125x80xi32, #tpu.memory_space<vmem>> -> memref<1x80xi32, #tpu.memory_space<vmem>>
      %dma_wait3A_55 = tpu.memref_squeeze %dma_wait3A_54 : memref<1x80xi32, #tpu.memory_space<vmem>> -> memref<80xi32, #tpu.memory_space<vmem>>
      %dma_wait3A_56 = arith.constant 0 : i32
      %dma_wait3A_57 = arith.constant 0 : i32
      %dma_wait3A_58 = tpu.memref_slice %arg11[%dma_wait3A_56, %dma_wait3A_57] : memref<10240x128xf32, #tpu.memory_space<vmem_shared>> -> memref<10240x128xf32, #tpu.memory_space<vmem_shared>>
      tpu.wait_indirect_dma semaphore(%run_scoped3A_46 : memref<!tpu.dma_semaphore, #tpu.memory_space<semaphore_mem>>) src(%arg9 : memref<80x128xf32, #tpu.memory_space<vmem>>) dst(%dma_wait3A_58 : memref<10240x128xf32, #tpu.memory_space<vmem_shared>>)
      tpu.yield
    }) : () -> ()
    %barrier3A_40 = arith.constant 0 : index
    tpu.barrier barrier_id(%barrier3A_40)
    %mul3A_41 = arith.constant 10240 : i32
    %mul3A_42 = arith.muli %arg0, %mul3A_41 : i32
    %mul3A_43 = arith.constant 640 : i32
    %mul3A_44 = arith.muli %arg1, %mul3A_43 : i32
    %add3A_45 = arith.addi %mul3A_42, %mul3A_44 : i32
    "tpu.region"() ({
      %run_scoped3A_46 = tpu.sem_alloc : memref<!tpu.dma_semaphore, #tpu.memory_space<semaphore_mem>>
      %dma_start3A_47 = arith.constant 0 : i32
      %dma_start3A_48 = tpu.memref_slice %arg6[%add3A_45, %dma_start3A_47] : memref<20480x128xf32, #tpu.memory_space<hbm>> -> memref<640x128xf32, #tpu.memory_space<hbm>>
      %dma_start3A_49 = arith.constant 0 : i32
      %dma_start3A_50 = tpu.memref_slice %arg11[%mul3A_2, %dma_start3A_49] : memref<10240x128xf32, #tpu.memory_space<vmem_shared>> -> memref<640x128xf32, #tpu.memory_space<vmem_shared>>
      tpu.enqueue_dma source(%dma_start3A_50 : memref<640x128xf32, #tpu.memory_space<vmem_shared>>) target(%dma_start3A_48 : memref<640x128xf32, #tpu.memory_space<hbm>>) target_semaphore(%run_scoped3A_46 : memref<!tpu.dma_semaphore, #tpu.memory_space<semaphore_mem>>)
      %dma_wait3A_51 = arith.constant 0 : i32
      %dma_wait3A_52 = tpu.memref_slice %arg6[%add3A_45, %dma_wait3A_51] : memref<20480x128xf32, #tpu.memory_space<hbm>> -> memref<640x128xf32, #tpu.memory_space<hbm>>
      %dma_wait3A_53 = arith.constant 0 : i32
      %dma_wait3A_54 = tpu.memref_slice %arg11[%mul3A_2, %dma_wait3A_53] : memref<10240x128xf32, #tpu.memory_space<vmem_shared>> -> memref<640x128xf32, #tpu.memory_space<vmem_shared>>
      tpu.wait_dma2 semaphore(%run_scoped3A_46 : memref<!tpu.dma_semaphore, #tpu.memory_space<semaphore_mem>>) src(%dma_wait3A_54 : memref<640x128xf32, #tpu.memory_space<vmem_shared>>) dst(%dma_wait3A_52 : memref<640x128xf32, #tpu.memory_space<hbm>>)
      tpu.yield
    }) : () -> ()
    return
  }
}

#map = affine_map<(d0, d1) -> (0, 0)>
#map1 = affine_map<(d0, d1) -> (0, 0, 0)>
module attributes {stable_mosaic.version = 14 : i64} {
  func.func @_sc_aggregate_body(%arg0: i32, %arg1: i32, %arg2: memref<10000x128xf32, #tpu.memory_space<hbm>>, %arg3: memref<32x10000xi32, #tpu.memory_space<hbm>>, %arg4: memref<32x125x80xi32, #tpu.memory_space<hbm>>, %arg5: memref<10240x128xf32, #tpu.memory_space<hbm>>, %arg6: memref<20480x128xf32, #tpu.memory_space<hbm>>, %arg7: memref<10000xi32, #tpu.memory_space<vmem>>, %arg8: memref<125x80xi32, #tpu.memory_space<vmem>>, %arg9: memref<80x128xf32, #tpu.memory_space<vmem>>, %arg10: memref<80x128xf32, #tpu.memory_space<vmem>>, %arg11: memref<10240x128xf32, #tpu.memory_space<vmem_shared>>, %arg12: memref<!tpu.dma_semaphore, #tpu.memory_space<semaphore_mem>>, %arg13: memref<!tpu.dma_semaphore, #tpu.memory_space<semaphore_mem>>) attributes {dimension_semantics = [#tpu.dimension_semantics<core_parallel>, #tpu.dimension_semantics<subcore_parallel>], iteration_bounds = array<i64: 2, 16>, scalar_prefetch = 0 : i64, scratch_operands = 7 : i64, tpu.core_type = #tpu.core_type<sc_vector_subcore>, window_params = [{transform_indices = #map}, {transform_indices = #map}, {transform_indices = #map1}, {transform_indices = #map}, {transform_indices = #map}]} {
    %mul3A = arith.constant 2 : i32
    %mul3A_0 = arith.muli %arg1, %mul3A : i32
    %add3A = arith.addi %mul3A_0, %arg0 : i32
    %mul3A_1 = arith.constant 640 : i32
    %mul3A_2 = arith.muli %arg1, %mul3A_1 : i32
    "tpu.region"() ({
      %run_scoped3A_46 = tpu.sem_alloc : memref<!tpu.dma_semaphore, #tpu.memory_space<semaphore_mem>>
      %dma_start3A_47 = arith.constant 0 : i32
      %dma_start3A_48 = tpu.memref_slice %arg3[%add3A, %dma_start3A_47] : memref<32x10000xi32, #tpu.memory_space<hbm>> -> memref<1x10000xi32, #tpu.memory_space<hbm>>
      %dma_start3A_49 = tpu.memref_squeeze %dma_start3A_48 : memref<1x10000xi32, #tpu.memory_space<hbm>> -> memref<10000xi32, #tpu.memory_space<hbm>>
      %dma_start3A_50 = arith.constant 0 : i32
      %dma_start3A_51 = tpu.memref_slice %arg3[%add3A, %dma_start3A_50] : memref<32x10000xi32, #tpu.memory_space<hbm>> -> memref<1x10000xi32, #tpu.memory_space<hbm>>
      %dma_start3A_52 = tpu.memref_squeeze %dma_start3A_51 : memref<1x10000xi32, #tpu.memory_space<hbm>> -> memref<10000xi32, #tpu.memory_space<hbm>>
      tpu.enqueue_dma source(%dma_start3A_52 : memref<10000xi32, #tpu.memory_space<hbm>>) target(%arg7 : memref<10000xi32, #tpu.memory_space<vmem>>) target_semaphore(%run_scoped3A_46 : memref<!tpu.dma_semaphore, #tpu.memory_space<semaphore_mem>>)
      %dma_wait3A_53 = arith.constant 0 : i32
      %dma_wait3A_54 = tpu.memref_slice %arg3[%add3A, %dma_wait3A_53] : memref<32x10000xi32, #tpu.memory_space<hbm>> -> memref<1x10000xi32, #tpu.memory_space<hbm>>
      %dma_wait3A_55 = tpu.memref_squeeze %dma_wait3A_54 : memref<1x10000xi32, #tpu.memory_space<hbm>> -> memref<10000xi32, #tpu.memory_space<hbm>>
      %dma_wait3A_56 = arith.constant 0 : i32
      %dma_wait3A_57 = tpu.memref_slice %arg3[%add3A, %dma_wait3A_56] : memref<32x10000xi32, #tpu.memory_space<hbm>> -> memref<1x10000xi32, #tpu.memory_space<hbm>>
      %dma_wait3A_58 = tpu.memref_squeeze %dma_wait3A_57 : memref<1x10000xi32, #tpu.memory_space<hbm>> -> memref<10000xi32, #tpu.memory_space<hbm>>
      tpu.wait_dma2 semaphore(%run_scoped3A_46 : memref<!tpu.dma_semaphore, #tpu.memory_space<semaphore_mem>>) src(%dma_wait3A_58 : memref<10000xi32, #tpu.memory_space<hbm>>) dst(%arg7 : memref<10000xi32, #tpu.memory_space<vmem>>)
      tpu.yield
    }) : () -> ()
    "tpu.region"() ({
      %run_scoped3A_46 = tpu.sem_alloc : memref<!tpu.dma_semaphore, #tpu.memory_space<semaphore_mem>>
      %dma_start3A_47 = arith.constant 0 : i32
      %dma_start3A_48 = arith.constant 0 : i32
      %dma_start3A_49 = tpu.memref_slice %arg4[%add3A, %dma_start3A_47, %dma_start3A_48] : memref<32x125x80xi32, #tpu.memory_space<hbm>> -> memref<1x125x80xi32, #tpu.memory_space<hbm>>
      %dma_start3A_50 = tpu.memref_squeeze %dma_start3A_49 : memref<1x125x80xi32, #tpu.memory_space<hbm>> -> memref<125x80xi32, #tpu.memory_space<hbm>>
      %dma_start3A_51 = arith.constant 0 : i32
      %dma_start3A_52 = arith.constant 0 : i32
      %dma_start3A_53 = tpu.memref_slice %arg4[%add3A, %dma_start3A_51, %dma_start3A_52] : memref<32x125x80xi32, #tpu.memory_space<hbm>> -> memref<1x125x80xi32, #tpu.memory_space<hbm>>
      %dma_start3A_54 = tpu.memref_squeeze %dma_start3A_53 : memref<1x125x80xi32, #tpu.memory_space<hbm>> -> memref<125x80xi32, #tpu.memory_space<hbm>>
      tpu.enqueue_dma source(%dma_start3A_54 : memref<125x80xi32, #tpu.memory_space<hbm>>) target(%arg8 : memref<125x80xi32, #tpu.memory_space<vmem>>) target_semaphore(%run_scoped3A_46 : memref<!tpu.dma_semaphore, #tpu.memory_space<semaphore_mem>>)
      %dma_wait3A_55 = arith.constant 0 : i32
      %dma_wait3A_56 = arith.constant 0 : i32
      %dma_wait3A_57 = tpu.memref_slice %arg4[%add3A, %dma_wait3A_55, %dma_wait3A_56] : memref<32x125x80xi32, #tpu.memory_space<hbm>> -> memref<1x125x80xi32, #tpu.memory_space<hbm>>
      %dma_wait3A_58 = tpu.memref_squeeze %dma_wait3A_57 : memref<1x125x80xi32, #tpu.memory_space<hbm>> -> memref<125x80xi32, #tpu.memory_space<hbm>>
      %dma_wait3A_59 = arith.constant 0 : i32
      %dma_wait3A_60 = arith.constant 0 : i32
      %dma_wait3A_61 = tpu.memref_slice %arg4[%add3A, %dma_wait3A_59, %dma_wait3A_60] : memref<32x125x80xi32, #tpu.memory_space<hbm>> -> memref<1x125x80xi32, #tpu.memory_space<hbm>>
      %dma_wait3A_62 = tpu.memref_squeeze %dma_wait3A_61 : memref<1x125x80xi32, #tpu.memory_space<hbm>> -> memref<125x80xi32, #tpu.memory_space<hbm>>
      tpu.wait_dma2 semaphore(%run_scoped3A_46 : memref<!tpu.dma_semaphore, #tpu.memory_space<semaphore_mem>>) src(%dma_wait3A_62 : memref<125x80xi32, #tpu.memory_space<hbm>>) dst(%arg8 : memref<125x80xi32, #tpu.memory_space<vmem>>)
      tpu.yield
    }) : () -> ()
    "tpu.region"() ({
      %run_scoped3A_46 = tpu.sem_alloc : memref<!tpu.dma_semaphore, #tpu.memory_space<semaphore_mem>>
      %dma_start3A_47 = arith.constant 0 : i32
      %dma_start3A_48 = tpu.memref_slice %arg11[%mul3A_2, %dma_start3A_47] : memref<10240x128xf32, #tpu.memory_space<vmem_shared>> -> memref<640x128xf32, #tpu.memory_space<vmem_shared>>
      %dma_start3A_49 = arith.constant 0 : i32
      %dma_start3A_50 = tpu.memref_slice %arg5[%mul3A_2, %dma_start3A_49] : memref<10240x128xf32, #tpu.memory_space<hbm>> -> memref<640x128xf32, #tpu.memory_space<hbm>>
      tpu.enqueue_dma source(%dma_start3A_50 : memref<640x128xf32, #tpu.memory_space<hbm>>) target(%dma_start3A_48 : memref<640x128xf32, #tpu.memory_space<vmem_shared>>) target_semaphore(%run_scoped3A_46 : memref<!tpu.dma_semaphore, #tpu.memory_space<semaphore_mem>>)
      %dma_wait3A_51 = arith.constant 0 : i32
      %dma_wait3A_52 = tpu.memref_slice %arg11[%mul3A_2, %dma_wait3A_51] : memref<10240x128xf32, #tpu.memory_space<vmem_shared>> -> memref<640x128xf32, #tpu.memory_space<vmem_shared>>
      %dma_wait3A_53 = arith.constant 0 : i32
      %dma_wait3A_54 = tpu.memref_slice %arg5[%mul3A_2, %dma_wait3A_53] : memref<10240x128xf32, #tpu.memory_space<hbm>> -> memref<640x128xf32, #tpu.memory_space<hbm>>
      tpu.wait_dma2 semaphore(%run_scoped3A_46 : memref<!tpu.dma_semaphore, #tpu.memory_space<semaphore_mem>>) src(%dma_wait3A_54 : memref<640x128xf32, #tpu.memory_space<hbm>>) dst(%dma_wait3A_52 : memref<640x128xf32, #tpu.memory_space<vmem_shared>>)
      tpu.yield
    }) : () -> ()
    %barrier3A = arith.constant 0 : index
    tpu.barrier barrier_id(%barrier3A)
    %dma_start3A = arith.constant 0 : i32
    %dma_start3A_3 = tpu.memref_slice %arg7[%dma_start3A] : memref<10000xi32, #tpu.memory_space<vmem>> -> memref<80xi32, #tpu.memory_space<vmem>>
    %dma_start3A_4 = arith.constant 0 : i32
    %dma_start3A_5 = arith.constant 0 : i32
    %dma_start3A_6 = tpu.memref_slice %arg2[%dma_start3A_4, %dma_start3A_5] : memref<10000x128xf32, #tpu.memory_space<hbm>> -> memref<10000x128xf32, #tpu.memory_space<hbm>>
    tpu.enqueue_indirect_dma source(%dma_start3A_6 : memref<10000x128xf32, #tpu.memory_space<hbm>>) target(%arg9 : memref<80x128xf32, #tpu.memory_space<vmem>>) offsets(%dma_start3A_3 : memref<80xi32, #tpu.memory_space<vmem>>) semaphore(%arg12 : memref<!tpu.dma_semaphore, #tpu.memory_space<semaphore_mem>>)
    %dma_start3A_7 = arith.constant 80 : i32
    %dma_start3A_8 = tpu.memref_slice %arg7[%dma_start3A_7] : memref<10000xi32, #tpu.memory_space<vmem>> -> memref<80xi32, #tpu.memory_space<vmem>>
    %dma_start3A_9 = arith.constant 0 : i32
    %dma_start3A_10 = arith.constant 0 : i32
    %dma_start3A_11 = tpu.memref_slice %arg2[%dma_start3A_9, %dma_start3A_10] : memref<10000x128xf32, #tpu.memory_space<hbm>> -> memref<10000x128xf32, #tpu.memory_space<hbm>>
    tpu.enqueue_indirect_dma source(%dma_start3A_11 : memref<10000x128xf32, #tpu.memory_space<hbm>>) target(%arg10 : memref<80x128xf32, #tpu.memory_space<vmem>>) offsets(%dma_start3A_8 : memref<80xi32, #tpu.memory_space<vmem>>) semaphore(%arg13 : memref<!tpu.dma_semaphore, #tpu.memory_space<semaphore_mem>>)
    %scan3A = arith.constant 0 : i32
    %scan3A_12 = arith.constant 61 : i32
    %scan3A_13 = arith.addi %scan3A, %scan3A_12 : i32
    %scan3A_14 = arith.constant 1 : i32
    scf.for %scan3A_46 = %scan3A to %scan3A_13 step %scan3A_14  : i32 {
      %mul3A_47 = arith.constant 1 : i32
      %mul3A_48 = arith.muli %scan3A_46, %mul3A_47 : i32
      %add3A_49 = arith.constant 0 : i32
      %add3A_50 = arith.addi %add3A_49, %mul3A_48 : i32
      %mul3A_51 = arith.constant 2 : i32
      %mul3A_52 = arith.muli %mul3A_51, %add3A_50 : i32
      %dma_wait3A_53 = arith.constant 0 : i32
      %dma_wait3A_54 = arith.constant 0 : i32
      %dma_wait3A_55 = tpu.memref_slice %arg2[%dma_wait3A_53, %dma_wait3A_54] : memref<10000x128xf32, #tpu.memory_space<hbm>> -> memref<80x128xf32, #tpu.memory_space<hbm>>
      %dma_wait3A_56 = arith.constant 0 : i32
      %dma_wait3A_57 = arith.constant 0 : i32
      %dma_wait3A_58 = tpu.memref_slice %arg2[%dma_wait3A_56, %dma_wait3A_57] : memref<10000x128xf32, #tpu.memory_space<hbm>> -> memref<80x128xf32, #tpu.memory_space<hbm>>
      tpu.wait_dma2 semaphore(%arg12 : memref<!tpu.dma_semaphore, #tpu.memory_space<semaphore_mem>>) src(%dma_wait3A_58 : memref<80x128xf32, #tpu.memory_space<hbm>>) dst(%arg9 : memref<80x128xf32, #tpu.memory_space<vmem>>)
      "tpu.region"() ({
        %run_scoped3A_83 = tpu.sem_alloc : memref<!tpu.dma_semaphore, #tpu.memory_space<semaphore_mem>>
        %dma_start3A_84 = arith.constant 0 : i32
        %dma_start3A_85 = tpu.memref_slice %arg8[%mul3A_52, %dma_start3A_84] : memref<125x80xi32, #tpu.memory_space<vmem>> -> memref<1x80xi32, #tpu.memory_space<vmem>>
        %dma_start3A_86 = tpu.memref_squeeze %dma_start3A_85 : memref<1x80xi32, #tpu.memory_space<vmem>> -> memref<80xi32, #tpu.memory_space<vmem>>
        %dma_start3A_87 = arith.constant 0 : i32
        %dma_start3A_88 = arith.constant 0 : i32
        %dma_start3A_89 = tpu.memref_slice %arg11[%dma_start3A_87, %dma_start3A_88] : memref<10240x128xf32, #tpu.memory_space<vmem_shared>> -> memref<10240x128xf32, #tpu.memory_space<vmem_shared>>
        tpu.enqueue_indirect_dma source(%arg9 : memref<80x128xf32, #tpu.memory_space<vmem>>) target(%dma_start3A_89 : memref<10240x128xf32, #tpu.memory_space<vmem_shared>>) offsets(%dma_start3A_86 : memref<80xi32, #tpu.memory_space<vmem>>) semaphore(%run_scoped3A_83 : memref<!tpu.dma_semaphore, #tpu.memory_space<semaphore_mem>>) {add = true}
        %dma_wait3A_90 = arith.constant 0 : i32
        %dma_wait3A_91 = tpu.memref_slice %arg8[%mul3A_52, %dma_wait3A_90] : memref<125x80xi32, #tpu.memory_space<vmem>> -> memref<1x80xi32, #tpu.memory_space<vmem>>
        %dma_wait3A_92 = tpu.memref_squeeze %dma_wait3A_91 : memref<1x80xi32, #tpu.memory_space<vmem>> -> memref<80xi32, #tpu.memory_space<vmem>>
        %dma_wait3A_93 = arith.constant 0 : i32
        %dma_wait3A_94 = arith.constant 0 : i32
        %dma_wait3A_95 = tpu.memref_slice %arg11[%dma_wait3A_93, %dma_wait3A_94] : memref<10240x128xf32, #tpu.memory_space<vmem_shared>> -> memref<10240x128xf32, #tpu.memory_space<vmem_shared>>
        tpu.wait_indirect_dma semaphore(%run_scoped3A_83 : memref<!tpu.dma_semaphore, #tpu.memory_space<semaphore_mem>>) src(%arg9 : memref<80x128xf32, #tpu.memory_space<vmem>>) dst(%dma_wait3A_95 : memref<10240x128xf32, #tpu.memory_space<vmem_shared>>)
        tpu.yield
      }) : () -> ()
      %add3A_59 = arith.constant 2 : i32
      %add3A_60 = arith.addi %mul3A_52, %add3A_59 : i32
      %mul3A_61 = arith.constant 80 : i32
      %mul3A_62 = arith.muli %add3A_60, %mul3A_61 : i32
      %dma_start3A_63 = tpu.memref_slice %arg7[%mul3A_62] : memref<10000xi32, #tpu.memory_space<vmem>> -> memref<80xi32, #tpu.memory_space<vmem>>
      %dma_start3A_64 = arith.constant 0 : i32
      %dma_start3A_65 = arith.constant 0 : i32
      %dma_start3A_66 = tpu.memref_slice %arg2[%dma_start3A_64, %dma_start3A_65] : memref<10000x128xf32, #tpu.memory_space<hbm>> -> memref<10000x128xf32, #tpu.memory_space<hbm>>
      tpu.enqueue_indirect_dma source(%dma_start3A_66 : memref<10000x128xf32, #tpu.memory_space<hbm>>) target(%arg9 : memref<80x128xf32, #tpu.memory_space<vmem>>) offsets(%dma_start3A_63 : memref<80xi32, #tpu.memory_space<vmem>>) semaphore(%arg12 : memref<!tpu.dma_semaphore, #tpu.memory_space<semaphore_mem>>)
      %dma_wait3A_67 = arith.constant 0 : i32
      %dma_wait3A_68 = arith.constant 0 : i32
      %dma_wait3A_69 = tpu.memref_slice %arg2[%dma_wait3A_67, %dma_wait3A_68] : memref<10000x128xf32, #tpu.memory_space<hbm>> -> memref<80x128xf32, #tpu.memory_space<hbm>>
      %dma_wait3A_70 = arith.constant 0 : i32
      %dma_wait3A_71 = arith.constant 0 : i32
      %dma_wait3A_72 = tpu.memref_slice %arg2[%dma_wait3A_70, %dma_wait3A_71] : memref<10000x128xf32, #tpu.memory_space<hbm>> -> memref<80x128xf32, #tpu.memory_space<hbm>>
      tpu.wait_dma2 semaphore(%arg13 : memref<!tpu.dma_semaphore, #tpu.memory_space<semaphore_mem>>) src(%dma_wait3A_72 : memref<80x128xf32, #tpu.memory_space<hbm>>) dst(%arg10 : memref<80x128xf32, #tpu.memory_space<vmem>>)
      %add3A_73 = arith.constant 1 : i32
      %add3A_74 = arith.addi %mul3A_52, %add3A_73 : i32
      "tpu.region"() ({
        %run_scoped3A_83 = tpu.sem_alloc : memref<!tpu.dma_semaphore, #tpu.memory_space<semaphore_mem>>
        %dma_start3A_84 = arith.constant 0 : i32
        %dma_start3A_85 = tpu.memref_slice %arg8[%add3A_74, %dma_start3A_84] : memref<125x80xi32, #tpu.memory_space<vmem>> -> memref<1x80xi32, #tpu.memory_space<vmem>>
        %dma_start3A_86 = tpu.memref_squeeze %dma_start3A_85 : memref<1x80xi32, #tpu.memory_space<vmem>> -> memref<80xi32, #tpu.memory_space<vmem>>
        %dma_start3A_87 = arith.constant 0 : i32
        %dma_start3A_88 = arith.constant 0 : i32
        %dma_start3A_89 = tpu.memref_slice %arg11[%dma_start3A_87, %dma_start3A_88] : memref<10240x128xf32, #tpu.memory_space<vmem_shared>> -> memref<10240x128xf32, #tpu.memory_space<vmem_shared>>
        tpu.enqueue_indirect_dma source(%arg10 : memref<80x128xf32, #tpu.memory_space<vmem>>) target(%dma_start3A_89 : memref<10240x128xf32, #tpu.memory_space<vmem_shared>>) offsets(%dma_start3A_86 : memref<80xi32, #tpu.memory_space<vmem>>) semaphore(%run_scoped3A_83 : memref<!tpu.dma_semaphore, #tpu.memory_space<semaphore_mem>>) {add = true}
        %dma_wait3A_90 = arith.constant 0 : i32
        %dma_wait3A_91 = tpu.memref_slice %arg8[%add3A_74, %dma_wait3A_90] : memref<125x80xi32, #tpu.memory_space<vmem>> -> memref<1x80xi32, #tpu.memory_space<vmem>>
        %dma_wait3A_92 = tpu.memref_squeeze %dma_wait3A_91 : memref<1x80xi32, #tpu.memory_space<vmem>> -> memref<80xi32, #tpu.memory_space<vmem>>
        %dma_wait3A_93 = arith.constant 0 : i32
        %dma_wait3A_94 = arith.constant 0 : i32
        %dma_wait3A_95 = tpu.memref_slice %arg11[%dma_wait3A_93, %dma_wait3A_94] : memref<10240x128xf32, #tpu.memory_space<vmem_shared>> -> memref<10240x128xf32, #tpu.memory_space<vmem_shared>>
        tpu.wait_indirect_dma semaphore(%run_scoped3A_83 : memref<!tpu.dma_semaphore, #tpu.memory_space<semaphore_mem>>) src(%arg10 : memref<80x128xf32, #tpu.memory_space<vmem>>) dst(%dma_wait3A_95 : memref<10240x128xf32, #tpu.memory_space<vmem_shared>>)
        tpu.yield
      }) : () -> ()
      %add3A_75 = arith.constant 3 : i32
      %add3A_76 = arith.addi %mul3A_52, %add3A_75 : i32
      %mul3A_77 = arith.constant 80 : i32
      %mul3A_78 = arith.muli %add3A_76, %mul3A_77 : i32
      %dma_start3A_79 = tpu.memref_slice %arg7[%mul3A_78] : memref<10000xi32, #tpu.memory_space<vmem>> -> memref<80xi32, #tpu.memory_space<vmem>>
      %dma_start3A_80 = arith.constant 0 : i32
      %dma_start3A_81 = arith.constant 0 : i32
      %dma_start3A_82 = tpu.memref_slice %arg2[%dma_start3A_80, %dma_start3A_81] : memref<10000x128xf32, #tpu.memory_space<hbm>> -> memref<10000x128xf32, #tpu.memory_space<hbm>>
      tpu.enqueue_indirect_dma source(%dma_start3A_82 : memref<10000x128xf32, #tpu.memory_space<hbm>>) target(%arg10 : memref<80x128xf32, #tpu.memory_space<vmem>>) offsets(%dma_start3A_79 : memref<80xi32, #tpu.memory_space<vmem>>) semaphore(%arg13 : memref<!tpu.dma_semaphore, #tpu.memory_space<semaphore_mem>>)
    }
    %scan3A_15 = arith.constant 61 : i32
    %dma_wait3A = arith.constant 0 : i32
    %dma_wait3A_16 = arith.constant 0 : i32
    %dma_wait3A_17 = tpu.memref_slice %arg2[%dma_wait3A, %dma_wait3A_16] : memref<10000x128xf32, #tpu.memory_space<hbm>> -> memref<80x128xf32, #tpu.memory_space<hbm>>
    %dma_wait3A_18 = arith.constant 0 : i32
    %dma_wait3A_19 = arith.constant 0 : i32
    %dma_wait3A_20 = tpu.memref_slice %arg2[%dma_wait3A_18, %dma_wait3A_19] : memref<10000x128xf32, #tpu.memory_space<hbm>> -> memref<80x128xf32, #tpu.memory_space<hbm>>
    tpu.wait_dma2 semaphore(%arg12 : memref<!tpu.dma_semaphore, #tpu.memory_space<semaphore_mem>>) src(%dma_wait3A_20 : memref<80x128xf32, #tpu.memory_space<hbm>>) dst(%arg9 : memref<80x128xf32, #tpu.memory_space<vmem>>)
    %run_scoped3A = arith.constant 122 : i32
    "tpu.region"() ({
      %run_scoped3A_46 = tpu.sem_alloc : memref<!tpu.dma_semaphore, #tpu.memory_space<semaphore_mem>>
      %dma_start3A_47 = arith.constant 0 : i32
      %dma_start3A_48 = tpu.memref_slice %arg8[%run_scoped3A, %dma_start3A_47] : memref<125x80xi32, #tpu.memory_space<vmem>> -> memref<1x80xi32, #tpu.memory_space<vmem>>
      %dma_start3A_49 = tpu.memref_squeeze %dma_start3A_48 : memref<1x80xi32, #tpu.memory_space<vmem>> -> memref<80xi32, #tpu.memory_space<vmem>>
      %dma_start3A_50 = arith.constant 0 : i32
      %dma_start3A_51 = arith.constant 0 : i32
      %dma_start3A_52 = tpu.memref_slice %arg11[%dma_start3A_50, %dma_start3A_51] : memref<10240x128xf32, #tpu.memory_space<vmem_shared>> -> memref<10240x128xf32, #tpu.memory_space<vmem_shared>>
      tpu.enqueue_indirect_dma source(%arg9 : memref<80x128xf32, #tpu.memory_space<vmem>>) target(%dma_start3A_52 : memref<10240x128xf32, #tpu.memory_space<vmem_shared>>) offsets(%dma_start3A_49 : memref<80xi32, #tpu.memory_space<vmem>>) semaphore(%run_scoped3A_46 : memref<!tpu.dma_semaphore, #tpu.memory_space<semaphore_mem>>) {add = true}
      %dma_wait3A_53 = arith.constant 0 : i32
      %dma_wait3A_54 = tpu.memref_slice %arg8[%run_scoped3A, %dma_wait3A_53] : memref<125x80xi32, #tpu.memory_space<vmem>> -> memref<1x80xi32, #tpu.memory_space<vmem>>
      %dma_wait3A_55 = tpu.memref_squeeze %dma_wait3A_54 : memref<1x80xi32, #tpu.memory_space<vmem>> -> memref<80xi32, #tpu.memory_space<vmem>>
      %dma_wait3A_56 = arith.constant 0 : i32
      %dma_wait3A_57 = arith.constant 0 : i32
      %dma_wait3A_58 = tpu.memref_slice %arg11[%dma_wait3A_56, %dma_wait3A_57] : memref<10240x128xf32, #tpu.memory_space<vmem_shared>> -> memref<10240x128xf32, #tpu.memory_space<vmem_shared>>
      tpu.wait_indirect_dma semaphore(%run_scoped3A_46 : memref<!tpu.dma_semaphore, #tpu.memory_space<semaphore_mem>>) src(%arg9 : memref<80x128xf32, #tpu.memory_space<vmem>>) dst(%dma_wait3A_58 : memref<10240x128xf32, #tpu.memory_space<vmem_shared>>)
      tpu.yield
    }) : () -> ()
    %dma_start3A_21 = arith.constant 9920 : i32
    %dma_start3A_22 = tpu.memref_slice %arg7[%dma_start3A_21] : memref<10000xi32, #tpu.memory_space<vmem>> -> memref<80xi32, #tpu.memory_space<vmem>>
    %dma_start3A_23 = arith.constant 0 : i32
    %dma_start3A_24 = arith.constant 0 : i32
    %dma_start3A_25 = tpu.memref_slice %arg2[%dma_start3A_23, %dma_start3A_24] : memref<10000x128xf32, #tpu.memory_space<hbm>> -> memref<10000x128xf32, #tpu.memory_space<hbm>>
    tpu.enqueue_indirect_dma source(%dma_start3A_25 : memref<10000x128xf32, #tpu.memory_space<hbm>>) target(%arg9 : memref<80x128xf32, #tpu.memory_space<vmem>>) offsets(%dma_start3A_22 : memref<80xi32, #tpu.memory_space<vmem>>) semaphore(%arg12 : memref<!tpu.dma_semaphore, #tpu.memory_space<semaphore_mem>>)
    %dma_wait3A_26 = arith.constant 0 : i32
    %dma_wait3A_27 = arith.constant 0 : i32
    %dma_wait3A_28 = tpu.memref_slice %arg2[%dma_wait3A_26, %dma_wait3A_27] : memref<10000x128xf32, #tpu.memory_space<hbm>> -> memref<80x128xf32, #tpu.memory_space<hbm>>
    %dma_wait3A_29 = arith.constant 0 : i32
    %dma_wait3A_30 = arith.constant 0 : i32
    %dma_wait3A_31 = tpu.memref_slice %arg2[%dma_wait3A_29, %dma_wait3A_30] : memref<10000x128xf32, #tpu.memory_space<hbm>> -> memref<80x128xf32, #tpu.memory_space<hbm>>
    tpu.wait_dma2 semaphore(%arg13 : memref<!tpu.dma_semaphore, #tpu.memory_space<semaphore_mem>>) src(%dma_wait3A_31 : memref<80x128xf32, #tpu.memory_space<hbm>>) dst(%arg10 : memref<80x128xf32, #tpu.memory_space<vmem>>)
    %run_scoped3A_32 = arith.constant 123 : i32
    "tpu.region"() ({
      %run_scoped3A_46 = tpu.sem_alloc : memref<!tpu.dma_semaphore, #tpu.memory_space<semaphore_mem>>
      %dma_start3A_47 = arith.constant 0 : i32
      %dma_start3A_48 = tpu.memref_slice %arg8[%run_scoped3A_32, %dma_start3A_47] : memref<125x80xi32, #tpu.memory_space<vmem>> -> memref<1x80xi32, #tpu.memory_space<vmem>>
      %dma_start3A_49 = tpu.memref_squeeze %dma_start3A_48 : memref<1x80xi32, #tpu.memory_space<vmem>> -> memref<80xi32, #tpu.memory_space<vmem>>
      %dma_start3A_50 = arith.constant 0 : i32
      %dma_start3A_51 = arith.constant 0 : i32
      %dma_start3A_52 = tpu.memref_slice %arg11[%dma_start3A_50, %dma_start3A_51] : memref<10240x128xf32, #tpu.memory_space<vmem_shared>> -> memref<10240x128xf32, #tpu.memory_space<vmem_shared>>
      tpu.enqueue_indirect_dma source(%arg10 : memref<80x128xf32, #tpu.memory_space<vmem>>) target(%dma_start3A_52 : memref<10240x128xf32, #tpu.memory_space<vmem_shared>>) offsets(%dma_start3A_49 : memref<80xi32, #tpu.memory_space<vmem>>) semaphore(%run_scoped3A_46 : memref<!tpu.dma_semaphore, #tpu.memory_space<semaphore_mem>>) {add = true}
      %dma_wait3A_53 = arith.constant 0 : i32
      %dma_wait3A_54 = tpu.memref_slice %arg8[%run_scoped3A_32, %dma_wait3A_53] : memref<125x80xi32, #tpu.memory_space<vmem>> -> memref<1x80xi32, #tpu.memory_space<vmem>>
      %dma_wait3A_55 = tpu.memref_squeeze %dma_wait3A_54 : memref<1x80xi32, #tpu.memory_space<vmem>> -> memref<80xi32, #tpu.memory_space<vmem>>
      %dma_wait3A_56 = arith.constant 0 : i32
      %dma_wait3A_57 = arith.constant 0 : i32
      %dma_wait3A_58 = tpu.memref_slice %arg11[%dma_wait3A_56, %dma_wait3A_57] : memref<10240x128xf32, #tpu.memory_space<vmem_shared>> -> memref<10240x128xf32, #tpu.memory_space<vmem_shared>>
      tpu.wait_indirect_dma semaphore(%run_scoped3A_46 : memref<!tpu.dma_semaphore, #tpu.memory_space<semaphore_mem>>) src(%arg10 : memref<80x128xf32, #tpu.memory_space<vmem>>) dst(%dma_wait3A_58 : memref<10240x128xf32, #tpu.memory_space<vmem_shared>>)
      tpu.yield
    }) : () -> ()
    %dma_wait3A_33 = arith.constant 0 : i32
    %dma_wait3A_34 = arith.constant 0 : i32
    %dma_wait3A_35 = tpu.memref_slice %arg2[%dma_wait3A_33, %dma_wait3A_34] : memref<10000x128xf32, #tpu.memory_space<hbm>> -> memref<80x128xf32, #tpu.memory_space<hbm>>
    %dma_wait3A_36 = arith.constant 0 : i32
    %dma_wait3A_37 = arith.constant 0 : i32
    %dma_wait3A_38 = tpu.memref_slice %arg2[%dma_wait3A_36, %dma_wait3A_37] : memref<10000x128xf32, #tpu.memory_space<hbm>> -> memref<80x128xf32, #tpu.memory_space<hbm>>
    tpu.wait_dma2 semaphore(%arg12 : memref<!tpu.dma_semaphore, #tpu.memory_space<semaphore_mem>>) src(%dma_wait3A_38 : memref<80x128xf32, #tpu.memory_space<hbm>>) dst(%arg9 : memref<80x128xf32, #tpu.memory_space<vmem>>)
    %run_scoped3A_39 = arith.constant 124 : i32
    "tpu.region"() ({
      %run_scoped3A_46 = tpu.sem_alloc : memref<!tpu.dma_semaphore, #tpu.memory_space<semaphore_mem>>
      %dma_start3A_47 = arith.constant 0 : i32
      %dma_start3A_48 = tpu.memref_slice %arg8[%run_scoped3A_39, %dma_start3A_47] : memref<125x80xi32, #tpu.memory_space<vmem>> -> memref<1x80xi32, #tpu.memory_space<vmem>>
      %dma_start3A_49 = tpu.memref_squeeze %dma_start3A_48 : memref<1x80xi32, #tpu.memory_space<vmem>> -> memref<80xi32, #tpu.memory_space<vmem>>
      %dma_start3A_50 = arith.constant 0 : i32
      %dma_start3A_51 = arith.constant 0 : i32
      %dma_start3A_52 = tpu.memref_slice %arg11[%dma_start3A_50, %dma_start3A_51] : memref<10240x128xf32, #tpu.memory_space<vmem_shared>> -> memref<10240x128xf32, #tpu.memory_space<vmem_shared>>
      tpu.enqueue_indirect_dma source(%arg9 : memref<80x128xf32, #tpu.memory_space<vmem>>) target(%dma_start3A_52 : memref<10240x128xf32, #tpu.memory_space<vmem_shared>>) offsets(%dma_start3A_49 : memref<80xi32, #tpu.memory_space<vmem>>) semaphore(%run_scoped3A_46 : memref<!tpu.dma_semaphore, #tpu.memory_space<semaphore_mem>>) {add = true}
      %dma_wait3A_53 = arith.constant 0 : i32
      %dma_wait3A_54 = tpu.memref_slice %arg8[%run_scoped3A_39, %dma_wait3A_53] : memref<125x80xi32, #tpu.memory_space<vmem>> -> memref<1x80xi32, #tpu.memory_space<vmem>>
      %dma_wait3A_55 = tpu.memref_squeeze %dma_wait3A_54 : memref<1x80xi32, #tpu.memory_space<vmem>> -> memref<80xi32, #tpu.memory_space<vmem>>
      %dma_wait3A_56 = arith.constant 0 : i32
      %dma_wait3A_57 = arith.constant 0 : i32
      %dma_wait3A_58 = tpu.memref_slice %arg11[%dma_wait3A_56, %dma_wait3A_57] : memref<10240x128xf32, #tpu.memory_space<vmem_shared>> -> memref<10240x128xf32, #tpu.memory_space<vmem_shared>>
      tpu.wait_indirect_dma semaphore(%run_scoped3A_46 : memref<!tpu.dma_semaphore, #tpu.memory_space<semaphore_mem>>) src(%arg9 : memref<80x128xf32, #tpu.memory_space<vmem>>) dst(%dma_wait3A_58 : memref<10240x128xf32, #tpu.memory_space<vmem_shared>>)
      tpu.yield
    }) : () -> ()
    %barrier3A_40 = arith.constant 0 : index
    tpu.barrier barrier_id(%barrier3A_40)
    %mul3A_41 = arith.constant 10240 : i32
    %mul3A_42 = arith.muli %arg0, %mul3A_41 : i32
    %mul3A_43 = arith.constant 640 : i32
    %mul3A_44 = arith.muli %arg1, %mul3A_43 : i32
    %add3A_45 = arith.addi %mul3A_42, %mul3A_44 : i32
    "tpu.region"() ({
      %run_scoped3A_46 = tpu.sem_alloc : memref<!tpu.dma_semaphore, #tpu.memory_space<semaphore_mem>>
      %dma_start3A_47 = arith.constant 0 : i32
      %dma_start3A_48 = tpu.memref_slice %arg6[%add3A_45, %dma_start3A_47] : memref<20480x128xf32, #tpu.memory_space<hbm>> -> memref<640x128xf32, #tpu.memory_space<hbm>>
      %dma_start3A_49 = arith.constant 0 : i32
      %dma_start3A_50 = tpu.memref_slice %arg11[%mul3A_2, %dma_start3A_49] : memref<10240x128xf32, #tpu.memory_space<vmem_shared>> -> memref<640x128xf32, #tpu.memory_space<vmem_shared>>
      tpu.enqueue_dma source(%dma_start3A_50 : memref<640x128xf32, #tpu.memory_space<vmem_shared>>) target(%dma_start3A_48 : memref<640x128xf32, #tpu.memory_space<hbm>>) target_semaphore(%run_scoped3A_46 : memref<!tpu.dma_semaphore, #tpu.memory_space<semaphore_mem>>)
      %dma_wait3A_51 = arith.constant 0 : i32
      %dma_wait3A_52 = tpu.memref_slice %arg6[%add3A_45, %dma_wait3A_51] : memref<20480x128xf32, #tpu.memory_space<hbm>> -> memref<640x128xf32, #tpu.memory_space<hbm>>
      %dma_wait3A_53 = arith.constant 0 : i32
      %dma_wait3A_54 = tpu.memref_slice %arg11[%mul3A_2, %dma_wait3A_53] : memref<10240x128xf32, #tpu.memory_space<vmem_shared>> -> memref<640x128xf32, #tpu.memory_space<vmem_shared>>
      tpu.wait_dma2 semaphore(%run_scoped3A_46 : memref<!tpu.dma_semaphore, #tpu.memory_space<semaphore_mem>>) src(%dma_wait3A_54 : memref<640x128xf32, #tpu.memory_space<vmem_shared>>) dst(%dma_wait3A_52 : memref<640x128xf32, #tpu.memory_space<hbm>>)
      tpu.yield
    }) : () -> ()
    return
  }
}

#map = affine_map<(d0, d1) -> (0, 0)>
#map1 = affine_map<(d0, d1) -> (0, 0, 0)>
module attributes {stable_mosaic.version = 14 : i64} {
  func.func @_sc_aggregate_body(%arg0: i32, %arg1: i32, %arg2: memref<10000x128xf32, #tpu.memory_space<hbm>>, %arg3: memref<32x10000xi32, #tpu.memory_space<hbm>>, %arg4: memref<32x125x80xi32, #tpu.memory_space<hbm>>, %arg5: memref<10240x128xf32, #tpu.memory_space<hbm>>, %arg6: memref<20480x128xf32, #tpu.memory_space<hbm>>, %arg7: memref<10000xi32, #tpu.memory_space<vmem>>, %arg8: memref<125x80xi32, #tpu.memory_space<vmem>>, %arg9: memref<80x128xf32, #tpu.memory_space<vmem>>, %arg10: memref<80x128xf32, #tpu.memory_space<vmem>>, %arg11: memref<10240x128xf32, #tpu.memory_space<vmem_shared>>, %arg12: memref<!tpu.dma_semaphore, #tpu.memory_space<semaphore_mem>>, %arg13: memref<!tpu.dma_semaphore, #tpu.memory_space<semaphore_mem>>) attributes {dimension_semantics = [#tpu.dimension_semantics<core_parallel>, #tpu.dimension_semantics<subcore_parallel>], iteration_bounds = array<i64: 2, 16>, scalar_prefetch = 0 : i64, scratch_operands = 7 : i64, tpu.core_type = #tpu.core_type<sc_vector_subcore>, window_params = [{transform_indices = #map}, {transform_indices = #map}, {transform_indices = #map1}, {transform_indices = #map}, {transform_indices = #map}]} {
    %mul3A = arith.constant 2 : i32
    %mul3A_0 = arith.muli %arg1, %mul3A : i32
    %add3A = arith.addi %mul3A_0, %arg0 : i32
    %mul3A_1 = arith.constant 640 : i32
    %mul3A_2 = arith.muli %arg1, %mul3A_1 : i32
    "tpu.region"() ({
      %run_scoped3A_46 = tpu.sem_alloc : memref<!tpu.dma_semaphore, #tpu.memory_space<semaphore_mem>>
      %dma_start3A_47 = arith.constant 0 : i32
      %dma_start3A_48 = tpu.memref_slice %arg3[%add3A, %dma_start3A_47] : memref<32x10000xi32, #tpu.memory_space<hbm>> -> memref<1x10000xi32, #tpu.memory_space<hbm>>
      %dma_start3A_49 = tpu.memref_squeeze %dma_start3A_48 : memref<1x10000xi32, #tpu.memory_space<hbm>> -> memref<10000xi32, #tpu.memory_space<hbm>>
      %dma_start3A_50 = arith.constant 0 : i32
      %dma_start3A_51 = tpu.memref_slice %arg3[%add3A, %dma_start3A_50] : memref<32x10000xi32, #tpu.memory_space<hbm>> -> memref<1x10000xi32, #tpu.memory_space<hbm>>
      %dma_start3A_52 = tpu.memref_squeeze %dma_start3A_51 : memref<1x10000xi32, #tpu.memory_space<hbm>> -> memref<10000xi32, #tpu.memory_space<hbm>>
      tpu.enqueue_dma source(%dma_start3A_52 : memref<10000xi32, #tpu.memory_space<hbm>>) target(%arg7 : memref<10000xi32, #tpu.memory_space<vmem>>) target_semaphore(%run_scoped3A_46 : memref<!tpu.dma_semaphore, #tpu.memory_space<semaphore_mem>>)
      %dma_wait3A_53 = arith.constant 0 : i32
      %dma_wait3A_54 = tpu.memref_slice %arg3[%add3A, %dma_wait3A_53] : memref<32x10000xi32, #tpu.memory_space<hbm>> -> memref<1x10000xi32, #tpu.memory_space<hbm>>
      %dma_wait3A_55 = tpu.memref_squeeze %dma_wait3A_54 : memref<1x10000xi32, #tpu.memory_space<hbm>> -> memref<10000xi32, #tpu.memory_space<hbm>>
      %dma_wait3A_56 = arith.constant 0 : i32
      %dma_wait3A_57 = tpu.memref_slice %arg3[%add3A, %dma_wait3A_56] : memref<32x10000xi32, #tpu.memory_space<hbm>> -> memref<1x10000xi32, #tpu.memory_space<hbm>>
      %dma_wait3A_58 = tpu.memref_squeeze %dma_wait3A_57 : memref<1x10000xi32, #tpu.memory_space<hbm>> -> memref<10000xi32, #tpu.memory_space<hbm>>
      tpu.wait_dma2 semaphore(%run_scoped3A_46 : memref<!tpu.dma_semaphore, #tpu.memory_space<semaphore_mem>>) src(%dma_wait3A_58 : memref<10000xi32, #tpu.memory_space<hbm>>) dst(%arg7 : memref<10000xi32, #tpu.memory_space<vmem>>)
      tpu.yield
    }) : () -> ()
    "tpu.region"() ({
      %run_scoped3A_46 = tpu.sem_alloc : memref<!tpu.dma_semaphore, #tpu.memory_space<semaphore_mem>>
      %dma_start3A_47 = arith.constant 0 : i32
      %dma_start3A_48 = arith.constant 0 : i32
      %dma_start3A_49 = tpu.memref_slice %arg4[%add3A, %dma_start3A_47, %dma_start3A_48] : memref<32x125x80xi32, #tpu.memory_space<hbm>> -> memref<1x125x80xi32, #tpu.memory_space<hbm>>
      %dma_start3A_50 = tpu.memref_squeeze %dma_start3A_49 : memref<1x125x80xi32, #tpu.memory_space<hbm>> -> memref<125x80xi32, #tpu.memory_space<hbm>>
      %dma_start3A_51 = arith.constant 0 : i32
      %dma_start3A_52 = arith.constant 0 : i32
      %dma_start3A_53 = tpu.memref_slice %arg4[%add3A, %dma_start3A_51, %dma_start3A_52] : memref<32x125x80xi32, #tpu.memory_space<hbm>> -> memref<1x125x80xi32, #tpu.memory_space<hbm>>
      %dma_start3A_54 = tpu.memref_squeeze %dma_start3A_53 : memref<1x125x80xi32, #tpu.memory_space<hbm>> -> memref<125x80xi32, #tpu.memory_space<hbm>>
      tpu.enqueue_dma source(%dma_start3A_54 : memref<125x80xi32, #tpu.memory_space<hbm>>) target(%arg8 : memref<125x80xi32, #tpu.memory_space<vmem>>) target_semaphore(%run_scoped3A_46 : memref<!tpu.dma_semaphore, #tpu.memory_space<semaphore_mem>>)
      %dma_wait3A_55 = arith.constant 0 : i32
      %dma_wait3A_56 = arith.constant 0 : i32
      %dma_wait3A_57 = tpu.memref_slice %arg4[%add3A, %dma_wait3A_55, %dma_wait3A_56] : memref<32x125x80xi32, #tpu.memory_space<hbm>> -> memref<1x125x80xi32, #tpu.memory_space<hbm>>
      %dma_wait3A_58 = tpu.memref_squeeze %dma_wait3A_57 : memref<1x125x80xi32, #tpu.memory_space<hbm>> -> memref<125x80xi32, #tpu.memory_space<hbm>>
      %dma_wait3A_59 = arith.constant 0 : i32
      %dma_wait3A_60 = arith.constant 0 : i32
      %dma_wait3A_61 = tpu.memref_slice %arg4[%add3A, %dma_wait3A_59, %dma_wait3A_60] : memref<32x125x80xi32, #tpu.memory_space<hbm>> -> memref<1x125x80xi32, #tpu.memory_space<hbm>>
      %dma_wait3A_62 = tpu.memref_squeeze %dma_wait3A_61 : memref<1x125x80xi32, #tpu.memory_space<hbm>> -> memref<125x80xi32, #tpu.memory_space<hbm>>
      tpu.wait_dma2 semaphore(%run_scoped3A_46 : memref<!tpu.dma_semaphore, #tpu.memory_space<semaphore_mem>>) src(%dma_wait3A_62 : memref<125x80xi32, #tpu.memory_space<hbm>>) dst(%arg8 : memref<125x80xi32, #tpu.memory_space<vmem>>)
      tpu.yield
    }) : () -> ()
    "tpu.region"() ({
      %run_scoped3A_46 = tpu.sem_alloc : memref<!tpu.dma_semaphore, #tpu.memory_space<semaphore_mem>>
      %dma_start3A_47 = arith.constant 0 : i32
      %dma_start3A_48 = tpu.memref_slice %arg11[%mul3A_2, %dma_start3A_47] : memref<10240x128xf32, #tpu.memory_space<vmem_shared>> -> memref<640x128xf32, #tpu.memory_space<vmem_shared>>
      %dma_start3A_49 = arith.constant 0 : i32
      %dma_start3A_50 = tpu.memref_slice %arg5[%mul3A_2, %dma_start3A_49] : memref<10240x128xf32, #tpu.memory_space<hbm>> -> memref<640x128xf32, #tpu.memory_space<hbm>>
      tpu.enqueue_dma source(%dma_start3A_50 : memref<640x128xf32, #tpu.memory_space<hbm>>) target(%dma_start3A_48 : memref<640x128xf32, #tpu.memory_space<vmem_shared>>) target_semaphore(%run_scoped3A_46 : memref<!tpu.dma_semaphore, #tpu.memory_space<semaphore_mem>>)
      %dma_wait3A_51 = arith.constant 0 : i32
      %dma_wait3A_52 = tpu.memref_slice %arg11[%mul3A_2, %dma_wait3A_51] : memref<10240x128xf32, #tpu.memory_space<vmem_shared>> -> memref<640x128xf32, #tpu.memory_space<vmem_shared>>
      %dma_wait3A_53 = arith.constant 0 : i32
      %dma_wait3A_54 = tpu.memref_slice %arg5[%mul3A_2, %dma_wait3A_53] : memref<10240x128xf32, #tpu.memory_space<hbm>> -> memref<640x128xf32, #tpu.memory_space<hbm>>
      tpu.wait_dma2 semaphore(%run_scoped3A_46 : memref<!tpu.dma_semaphore, #tpu.memory_space<semaphore_mem>>) src(%dma_wait3A_54 : memref<640x128xf32, #tpu.memory_space<hbm>>) dst(%dma_wait3A_52 : memref<640x128xf32, #tpu.memory_space<vmem_shared>>)
      tpu.yield
    }) : () -> ()
    %barrier3A = arith.constant 0 : index
    tpu.barrier barrier_id(%barrier3A)
    %dma_start3A = arith.constant 0 : i32
    %dma_start3A_3 = tpu.memref_slice %arg7[%dma_start3A] : memref<10000xi32, #tpu.memory_space<vmem>> -> memref<80xi32, #tpu.memory_space<vmem>>
    %dma_start3A_4 = arith.constant 0 : i32
    %dma_start3A_5 = arith.constant 0 : i32
    %dma_start3A_6 = tpu.memref_slice %arg2[%dma_start3A_4, %dma_start3A_5] : memref<10000x128xf32, #tpu.memory_space<hbm>> -> memref<10000x128xf32, #tpu.memory_space<hbm>>
    tpu.enqueue_indirect_dma source(%dma_start3A_6 : memref<10000x128xf32, #tpu.memory_space<hbm>>) target(%arg9 : memref<80x128xf32, #tpu.memory_space<vmem>>) offsets(%dma_start3A_3 : memref<80xi32, #tpu.memory_space<vmem>>) semaphore(%arg12 : memref<!tpu.dma_semaphore, #tpu.memory_space<semaphore_mem>>)
    %dma_start3A_7 = arith.constant 80 : i32
    %dma_start3A_8 = tpu.memref_slice %arg7[%dma_start3A_7] : memref<10000xi32, #tpu.memory_space<vmem>> -> memref<80xi32, #tpu.memory_space<vmem>>
    %dma_start3A_9 = arith.constant 0 : i32
    %dma_start3A_10 = arith.constant 0 : i32
    %dma_start3A_11 = tpu.memref_slice %arg2[%dma_start3A_9, %dma_start3A_10] : memref<10000x128xf32, #tpu.memory_space<hbm>> -> memref<10000x128xf32, #tpu.memory_space<hbm>>
    tpu.enqueue_indirect_dma source(%dma_start3A_11 : memref<10000x128xf32, #tpu.memory_space<hbm>>) target(%arg10 : memref<80x128xf32, #tpu.memory_space<vmem>>) offsets(%dma_start3A_8 : memref<80xi32, #tpu.memory_space<vmem>>) semaphore(%arg13 : memref<!tpu.dma_semaphore, #tpu.memory_space<semaphore_mem>>)
    %scan3A = arith.constant 0 : i32
    %scan3A_12 = arith.constant 61 : i32
    %scan3A_13 = arith.addi %scan3A, %scan3A_12 : i32
    %scan3A_14 = arith.constant 1 : i32
    scf.for %scan3A_46 = %scan3A to %scan3A_13 step %scan3A_14  : i32 {
      %mul3A_47 = arith.constant 1 : i32
      %mul3A_48 = arith.muli %scan3A_46, %mul3A_47 : i32
      %add3A_49 = arith.constant 0 : i32
      %add3A_50 = arith.addi %add3A_49, %mul3A_48 : i32
      %mul3A_51 = arith.constant 2 : i32
      %mul3A_52 = arith.muli %mul3A_51, %add3A_50 : i32
      %dma_wait3A_53 = arith.constant 0 : i32
      %dma_wait3A_54 = arith.constant 0 : i32
      %dma_wait3A_55 = tpu.memref_slice %arg2[%dma_wait3A_53, %dma_wait3A_54] : memref<10000x128xf32, #tpu.memory_space<hbm>> -> memref<80x128xf32, #tpu.memory_space<hbm>>
      %dma_wait3A_56 = arith.constant 0 : i32
      %dma_wait3A_57 = arith.constant 0 : i32
      %dma_wait3A_58 = tpu.memref_slice %arg2[%dma_wait3A_56, %dma_wait3A_57] : memref<10000x128xf32, #tpu.memory_space<hbm>> -> memref<80x128xf32, #tpu.memory_space<hbm>>
      tpu.wait_dma2 semaphore(%arg12 : memref<!tpu.dma_semaphore, #tpu.memory_space<semaphore_mem>>) src(%dma_wait3A_58 : memref<80x128xf32, #tpu.memory_space<hbm>>) dst(%arg9 : memref<80x128xf32, #tpu.memory_space<vmem>>)
      "tpu.region"() ({
        %run_scoped3A_83 = tpu.sem_alloc : memref<!tpu.dma_semaphore, #tpu.memory_space<semaphore_mem>>
        %dma_start3A_84 = arith.constant 0 : i32
        %dma_start3A_85 = tpu.memref_slice %arg8[%mul3A_52, %dma_start3A_84] : memref<125x80xi32, #tpu.memory_space<vmem>> -> memref<1x80xi32, #tpu.memory_space<vmem>>
        %dma_start3A_86 = tpu.memref_squeeze %dma_start3A_85 : memref<1x80xi32, #tpu.memory_space<vmem>> -> memref<80xi32, #tpu.memory_space<vmem>>
        %dma_start3A_87 = arith.constant 0 : i32
        %dma_start3A_88 = arith.constant 0 : i32
        %dma_start3A_89 = tpu.memref_slice %arg11[%dma_start3A_87, %dma_start3A_88] : memref<10240x128xf32, #tpu.memory_space<vmem_shared>> -> memref<10240x128xf32, #tpu.memory_space<vmem_shared>>
        tpu.enqueue_indirect_dma source(%arg9 : memref<80x128xf32, #tpu.memory_space<vmem>>) target(%dma_start3A_89 : memref<10240x128xf32, #tpu.memory_space<vmem_shared>>) offsets(%dma_start3A_86 : memref<80xi32, #tpu.memory_space<vmem>>) semaphore(%run_scoped3A_83 : memref<!tpu.dma_semaphore, #tpu.memory_space<semaphore_mem>>) {add = true}
        %dma_wait3A_90 = arith.constant 0 : i32
        %dma_wait3A_91 = tpu.memref_slice %arg8[%mul3A_52, %dma_wait3A_90] : memref<125x80xi32, #tpu.memory_space<vmem>> -> memref<1x80xi32, #tpu.memory_space<vmem>>
        %dma_wait3A_92 = tpu.memref_squeeze %dma_wait3A_91 : memref<1x80xi32, #tpu.memory_space<vmem>> -> memref<80xi32, #tpu.memory_space<vmem>>
        %dma_wait3A_93 = arith.constant 0 : i32
        %dma_wait3A_94 = arith.constant 0 : i32
        %dma_wait3A_95 = tpu.memref_slice %arg11[%dma_wait3A_93, %dma_wait3A_94] : memref<10240x128xf32, #tpu.memory_space<vmem_shared>> -> memref<10240x128xf32, #tpu.memory_space<vmem_shared>>
        tpu.wait_indirect_dma semaphore(%run_scoped3A_83 : memref<!tpu.dma_semaphore, #tpu.memory_space<semaphore_mem>>) src(%arg9 : memref<80x128xf32, #tpu.memory_space<vmem>>) dst(%dma_wait3A_95 : memref<10240x128xf32, #tpu.memory_space<vmem_shared>>)
        tpu.yield
      }) : () -> ()
      %add3A_59 = arith.constant 2 : i32
      %add3A_60 = arith.addi %mul3A_52, %add3A_59 : i32
      %mul3A_61 = arith.constant 80 : i32
      %mul3A_62 = arith.muli %add3A_60, %mul3A_61 : i32
      %dma_start3A_63 = tpu.memref_slice %arg7[%mul3A_62] : memref<10000xi32, #tpu.memory_space<vmem>> -> memref<80xi32, #tpu.memory_space<vmem>>
      %dma_start3A_64 = arith.constant 0 : i32
      %dma_start3A_65 = arith.constant 0 : i32
      %dma_start3A_66 = tpu.memref_slice %arg2[%dma_start3A_64, %dma_start3A_65] : memref<10000x128xf32, #tpu.memory_space<hbm>> -> memref<10000x128xf32, #tpu.memory_space<hbm>>
      tpu.enqueue_indirect_dma source(%dma_start3A_66 : memref<10000x128xf32, #tpu.memory_space<hbm>>) target(%arg9 : memref<80x128xf32, #tpu.memory_space<vmem>>) offsets(%dma_start3A_63 : memref<80xi32, #tpu.memory_space<vmem>>) semaphore(%arg12 : memref<!tpu.dma_semaphore, #tpu.memory_space<semaphore_mem>>)
      %dma_wait3A_67 = arith.constant 0 : i32
      %dma_wait3A_68 = arith.constant 0 : i32
      %dma_wait3A_69 = tpu.memref_slice %arg2[%dma_wait3A_67, %dma_wait3A_68] : memref<10000x128xf32, #tpu.memory_space<hbm>> -> memref<80x128xf32, #tpu.memory_space<hbm>>
      %dma_wait3A_70 = arith.constant 0 : i32
      %dma_wait3A_71 = arith.constant 0 : i32
      %dma_wait3A_72 = tpu.memref_slice %arg2[%dma_wait3A_70, %dma_wait3A_71] : memref<10000x128xf32, #tpu.memory_space<hbm>> -> memref<80x128xf32, #tpu.memory_space<hbm>>
      tpu.wait_dma2 semaphore(%arg13 : memref<!tpu.dma_semaphore, #tpu.memory_space<semaphore_mem>>) src(%dma_wait3A_72 : memref<80x128xf32, #tpu.memory_space<hbm>>) dst(%arg10 : memref<80x128xf32, #tpu.memory_space<vmem>>)
      %add3A_73 = arith.constant 1 : i32
      %add3A_74 = arith.addi %mul3A_52, %add3A_73 : i32
      "tpu.region"() ({
        %run_scoped3A_83 = tpu.sem_alloc : memref<!tpu.dma_semaphore, #tpu.memory_space<semaphore_mem>>
        %dma_start3A_84 = arith.constant 0 : i32
        %dma_start3A_85 = tpu.memref_slice %arg8[%add3A_74, %dma_start3A_84] : memref<125x80xi32, #tpu.memory_space<vmem>> -> memref<1x80xi32, #tpu.memory_space<vmem>>
        %dma_start3A_86 = tpu.memref_squeeze %dma_start3A_85 : memref<1x80xi32, #tpu.memory_space<vmem>> -> memref<80xi32, #tpu.memory_space<vmem>>
        %dma_start3A_87 = arith.constant 0 : i32
        %dma_start3A_88 = arith.constant 0 : i32
        %dma_start3A_89 = tpu.memref_slice %arg11[%dma_start3A_87, %dma_start3A_88] : memref<10240x128xf32, #tpu.memory_space<vmem_shared>> -> memref<10240x128xf32, #tpu.memory_space<vmem_shared>>
        tpu.enqueue_indirect_dma source(%arg10 : memref<80x128xf32, #tpu.memory_space<vmem>>) target(%dma_start3A_89 : memref<10240x128xf32, #tpu.memory_space<vmem_shared>>) offsets(%dma_start3A_86 : memref<80xi32, #tpu.memory_space<vmem>>) semaphore(%run_scoped3A_83 : memref<!tpu.dma_semaphore, #tpu.memory_space<semaphore_mem>>) {add = true}
        %dma_wait3A_90 = arith.constant 0 : i32
        %dma_wait3A_91 = tpu.memref_slice %arg8[%add3A_74, %dma_wait3A_90] : memref<125x80xi32, #tpu.memory_space<vmem>> -> memref<1x80xi32, #tpu.memory_space<vmem>>
        %dma_wait3A_92 = tpu.memref_squeeze %dma_wait3A_91 : memref<1x80xi32, #tpu.memory_space<vmem>> -> memref<80xi32, #tpu.memory_space<vmem>>
        %dma_wait3A_93 = arith.constant 0 : i32
        %dma_wait3A_94 = arith.constant 0 : i32
        %dma_wait3A_95 = tpu.memref_slice %arg11[%dma_wait3A_93, %dma_wait3A_94] : memref<10240x128xf32, #tpu.memory_space<vmem_shared>> -> memref<10240x128xf32, #tpu.memory_space<vmem_shared>>
        tpu.wait_indirect_dma semaphore(%run_scoped3A_83 : memref<!tpu.dma_semaphore, #tpu.memory_space<semaphore_mem>>) src(%arg10 : memref<80x128xf32, #tpu.memory_space<vmem>>) dst(%dma_wait3A_95 : memref<10240x128xf32, #tpu.memory_space<vmem_shared>>)
        tpu.yield
      }) : () -> ()
      %add3A_75 = arith.constant 3 : i32
      %add3A_76 = arith.addi %mul3A_52, %add3A_75 : i32
      %mul3A_77 = arith.constant 80 : i32
      %mul3A_78 = arith.muli %add3A_76, %mul3A_77 : i32
      %dma_start3A_79 = tpu.memref_slice %arg7[%mul3A_78] : memref<10000xi32, #tpu.memory_space<vmem>> -> memref<80xi32, #tpu.memory_space<vmem>>
      %dma_start3A_80 = arith.constant 0 : i32
      %dma_start3A_81 = arith.constant 0 : i32
      %dma_start3A_82 = tpu.memref_slice %arg2[%dma_start3A_80, %dma_start3A_81] : memref<10000x128xf32, #tpu.memory_space<hbm>> -> memref<10000x128xf32, #tpu.memory_space<hbm>>
      tpu.enqueue_indirect_dma source(%dma_start3A_82 : memref<10000x128xf32, #tpu.memory_space<hbm>>) target(%arg10 : memref<80x128xf32, #tpu.memory_space<vmem>>) offsets(%dma_start3A_79 : memref<80xi32, #tpu.memory_space<vmem>>) semaphore(%arg13 : memref<!tpu.dma_semaphore, #tpu.memory_space<semaphore_mem>>)
    }
    %scan3A_15 = arith.constant 61 : i32
    %dma_wait3A = arith.constant 0 : i32
    %dma_wait3A_16 = arith.constant 0 : i32
    %dma_wait3A_17 = tpu.memref_slice %arg2[%dma_wait3A, %dma_wait3A_16] : memref<10000x128xf32, #tpu.memory_space<hbm>> -> memref<80x128xf32, #tpu.memory_space<hbm>>
    %dma_wait3A_18 = arith.constant 0 : i32
    %dma_wait3A_19 = arith.constant 0 : i32
    %dma_wait3A_20 = tpu.memref_slice %arg2[%dma_wait3A_18, %dma_wait3A_19] : memref<10000x128xf32, #tpu.memory_space<hbm>> -> memref<80x128xf32, #tpu.memory_space<hbm>>
    tpu.wait_dma2 semaphore(%arg12 : memref<!tpu.dma_semaphore, #tpu.memory_space<semaphore_mem>>) src(%dma_wait3A_20 : memref<80x128xf32, #tpu.memory_space<hbm>>) dst(%arg9 : memref<80x128xf32, #tpu.memory_space<vmem>>)
    %run_scoped3A = arith.constant 122 : i32
    "tpu.region"() ({
      %run_scoped3A_46 = tpu.sem_alloc : memref<!tpu.dma_semaphore, #tpu.memory_space<semaphore_mem>>
      %dma_start3A_47 = arith.constant 0 : i32
      %dma_start3A_48 = tpu.memref_slice %arg8[%run_scoped3A, %dma_start3A_47] : memref<125x80xi32, #tpu.memory_space<vmem>> -> memref<1x80xi32, #tpu.memory_space<vmem>>
      %dma_start3A_49 = tpu.memref_squeeze %dma_start3A_48 : memref<1x80xi32, #tpu.memory_space<vmem>> -> memref<80xi32, #tpu.memory_space<vmem>>
      %dma_start3A_50 = arith.constant 0 : i32
      %dma_start3A_51 = arith.constant 0 : i32
      %dma_start3A_52 = tpu.memref_slice %arg11[%dma_start3A_50, %dma_start3A_51] : memref<10240x128xf32, #tpu.memory_space<vmem_shared>> -> memref<10240x128xf32, #tpu.memory_space<vmem_shared>>
      tpu.enqueue_indirect_dma source(%arg9 : memref<80x128xf32, #tpu.memory_space<vmem>>) target(%dma_start3A_52 : memref<10240x128xf32, #tpu.memory_space<vmem_shared>>) offsets(%dma_start3A_49 : memref<80xi32, #tpu.memory_space<vmem>>) semaphore(%run_scoped3A_46 : memref<!tpu.dma_semaphore, #tpu.memory_space<semaphore_mem>>) {add = true}
      %dma_wait3A_53 = arith.constant 0 : i32
      %dma_wait3A_54 = tpu.memref_slice %arg8[%run_scoped3A, %dma_wait3A_53] : memref<125x80xi32, #tpu.memory_space<vmem>> -> memref<1x80xi32, #tpu.memory_space<vmem>>
      %dma_wait3A_55 = tpu.memref_squeeze %dma_wait3A_54 : memref<1x80xi32, #tpu.memory_space<vmem>> -> memref<80xi32, #tpu.memory_space<vmem>>
      %dma_wait3A_56 = arith.constant 0 : i32
      %dma_wait3A_57 = arith.constant 0 : i32
      %dma_wait3A_58 = tpu.memref_slice %arg11[%dma_wait3A_56, %dma_wait3A_57] : memref<10240x128xf32, #tpu.memory_space<vmem_shared>> -> memref<10240x128xf32, #tpu.memory_space<vmem_shared>>
      tpu.wait_indirect_dma semaphore(%run_scoped3A_46 : memref<!tpu.dma_semaphore, #tpu.memory_space<semaphore_mem>>) src(%arg9 : memref<80x128xf32, #tpu.memory_space<vmem>>) dst(%dma_wait3A_58 : memref<10240x128xf32, #tpu.memory_space<vmem_shared>>)
      tpu.yield
    }) : () -> ()
    %dma_start3A_21 = arith.constant 9920 : i32
    %dma_start3A_22 = tpu.memref_slice %arg7[%dma_start3A_21] : memref<10000xi32, #tpu.memory_space<vmem>> -> memref<80xi32, #tpu.memory_space<vmem>>
    %dma_start3A_23 = arith.constant 0 : i32
    %dma_start3A_24 = arith.constant 0 : i32
    %dma_start3A_25 = tpu.memref_slice %arg2[%dma_start3A_23, %dma_start3A_24] : memref<10000x128xf32, #tpu.memory_space<hbm>> -> memref<10000x128xf32, #tpu.memory_space<hbm>>
    tpu.enqueue_indirect_dma source(%dma_start3A_25 : memref<10000x128xf32, #tpu.memory_space<hbm>>) target(%arg9 : memref<80x128xf32, #tpu.memory_space<vmem>>) offsets(%dma_start3A_22 : memref<80xi32, #tpu.memory_space<vmem>>) semaphore(%arg12 : memref<!tpu.dma_semaphore, #tpu.memory_space<semaphore_mem>>)
    %dma_wait3A_26 = arith.constant 0 : i32
    %dma_wait3A_27 = arith.constant 0 : i32
    %dma_wait3A_28 = tpu.memref_slice %arg2[%dma_wait3A_26, %dma_wait3A_27] : memref<10000x128xf32, #tpu.memory_space<hbm>> -> memref<80x128xf32, #tpu.memory_space<hbm>>
    %dma_wait3A_29 = arith.constant 0 : i32
    %dma_wait3A_30 = arith.constant 0 : i32
    %dma_wait3A_31 = tpu.memref_slice %arg2[%dma_wait3A_29, %dma_wait3A_30] : memref<10000x128xf32, #tpu.memory_space<hbm>> -> memref<80x128xf32, #tpu.memory_space<hbm>>
    tpu.wait_dma2 semaphore(%arg13 : memref<!tpu.dma_semaphore, #tpu.memory_space<semaphore_mem>>) src(%dma_wait3A_31 : memref<80x128xf32, #tpu.memory_space<hbm>>) dst(%arg10 : memref<80x128xf32, #tpu.memory_space<vmem>>)
    %run_scoped3A_32 = arith.constant 123 : i32
    "tpu.region"() ({
      %run_scoped3A_46 = tpu.sem_alloc : memref<!tpu.dma_semaphore, #tpu.memory_space<semaphore_mem>>
      %dma_start3A_47 = arith.constant 0 : i32
      %dma_start3A_48 = tpu.memref_slice %arg8[%run_scoped3A_32, %dma_start3A_47] : memref<125x80xi32, #tpu.memory_space<vmem>> -> memref<1x80xi32, #tpu.memory_space<vmem>>
      %dma_start3A_49 = tpu.memref_squeeze %dma_start3A_48 : memref<1x80xi32, #tpu.memory_space<vmem>> -> memref<80xi32, #tpu.memory_space<vmem>>
      %dma_start3A_50 = arith.constant 0 : i32
      %dma_start3A_51 = arith.constant 0 : i32
      %dma_start3A_52 = tpu.memref_slice %arg11[%dma_start3A_50, %dma_start3A_51] : memref<10240x128xf32, #tpu.memory_space<vmem_shared>> -> memref<10240x128xf32, #tpu.memory_space<vmem_shared>>
      tpu.enqueue_indirect_dma source(%arg10 : memref<80x128xf32, #tpu.memory_space<vmem>>) target(%dma_start3A_52 : memref<10240x128xf32, #tpu.memory_space<vmem_shared>>) offsets(%dma_start3A_49 : memref<80xi32, #tpu.memory_space<vmem>>) semaphore(%run_scoped3A_46 : memref<!tpu.dma_semaphore, #tpu.memory_space<semaphore_mem>>) {add = true}
      %dma_wait3A_53 = arith.constant 0 : i32
      %dma_wait3A_54 = tpu.memref_slice %arg8[%run_scoped3A_32, %dma_wait3A_53] : memref<125x80xi32, #tpu.memory_space<vmem>> -> memref<1x80xi32, #tpu.memory_space<vmem>>
      %dma_wait3A_55 = tpu.memref_squeeze %dma_wait3A_54 : memref<1x80xi32, #tpu.memory_space<vmem>> -> memref<80xi32, #tpu.memory_space<vmem>>
      %dma_wait3A_56 = arith.constant 0 : i32
      %dma_wait3A_57 = arith.constant 0 : i32
      %dma_wait3A_58 = tpu.memref_slice %arg11[%dma_wait3A_56, %dma_wait3A_57] : memref<10240x128xf32, #tpu.memory_space<vmem_shared>> -> memref<10240x128xf32, #tpu.memory_space<vmem_shared>>
      tpu.wait_indirect_dma semaphore(%run_scoped3A_46 : memref<!tpu.dma_semaphore, #tpu.memory_space<semaphore_mem>>) src(%arg10 : memref<80x128xf32, #tpu.memory_space<vmem>>) dst(%dma_wait3A_58 : memref<10240x128xf32, #tpu.memory_space<vmem_shared>>)
      tpu.yield
    }) : () -> ()
    %dma_wait3A_33 = arith.constant 0 : i32
    %dma_wait3A_34 = arith.constant 0 : i32
    %dma_wait3A_35 = tpu.memref_slice %arg2[%dma_wait3A_33, %dma_wait3A_34] : memref<10000x128xf32, #tpu.memory_space<hbm>> -> memref<80x128xf32, #tpu.memory_space<hbm>>
    %dma_wait3A_36 = arith.constant 0 : i32
    %dma_wait3A_37 = arith.constant 0 : i32
    %dma_wait3A_38 = tpu.memref_slice %arg2[%dma_wait3A_36, %dma_wait3A_37] : memref<10000x128xf32, #tpu.memory_space<hbm>> -> memref<80x128xf32, #tpu.memory_space<hbm>>
    tpu.wait_dma2 semaphore(%arg12 : memref<!tpu.dma_semaphore, #tpu.memory_space<semaphore_mem>>) src(%dma_wait3A_38 : memref<80x128xf32, #tpu.memory_space<hbm>>) dst(%arg9 : memref<80x128xf32, #tpu.memory_space<vmem>>)
    %run_scoped3A_39 = arith.constant 124 : i32
    "tpu.region"() ({
      %run_scoped3A_46 = tpu.sem_alloc : memref<!tpu.dma_semaphore, #tpu.memory_space<semaphore_mem>>
      %dma_start3A_47 = arith.constant 0 : i32
      %dma_start3A_48 = tpu.memref_slice %arg8[%run_scoped3A_39, %dma_start3A_47] : memref<125x80xi32, #tpu.memory_space<vmem>> -> memref<1x80xi32, #tpu.memory_space<vmem>>
      %dma_start3A_49 = tpu.memref_squeeze %dma_start3A_48 : memref<1x80xi32, #tpu.memory_space<vmem>> -> memref<80xi32, #tpu.memory_space<vmem>>
      %dma_start3A_50 = arith.constant 0 : i32
      %dma_start3A_51 = arith.constant 0 : i32
      %dma_start3A_52 = tpu.memref_slice %arg11[%dma_start3A_50, %dma_start3A_51] : memref<10240x128xf32, #tpu.memory_space<vmem_shared>> -> memref<10240x128xf32, #tpu.memory_space<vmem_shared>>
      tpu.enqueue_indirect_dma source(%arg9 : memref<80x128xf32, #tpu.memory_space<vmem>>) target(%dma_start3A_52 : memref<10240x128xf32, #tpu.memory_space<vmem_shared>>) offsets(%dma_start3A_49 : memref<80xi32, #tpu.memory_space<vmem>>) semaphore(%run_scoped3A_46 : memref<!tpu.dma_semaphore, #tpu.memory_space<semaphore_mem>>) {add = true}
      %dma_wait3A_53 = arith.constant 0 : i32
      %dma_wait3A_54 = tpu.memref_slice %arg8[%run_scoped3A_39, %dma_wait3A_53] : memref<125x80xi32, #tpu.memory_space<vmem>> -> memref<1x80xi32, #tpu.memory_space<vmem>>
      %dma_wait3A_55 = tpu.memref_squeeze %dma_wait3A_54 : memref<1x80xi32, #tpu.memory_space<vmem>> -> memref<80xi32, #tpu.memory_space<vmem>>
      %dma_wait3A_56 = arith.constant 0 : i32
      %dma_wait3A_57 = arith.constant 0 : i32
      %dma_wait3A_58 = tpu.memref_slice %arg11[%dma_wait3A_56, %dma_wait3A_57] : memref<10240x128xf32, #tpu.memory_space<vmem_shared>> -> memref<10240x128xf32, #tpu.memory_space<vmem_shared>>
      tpu.wait_indirect_dma semaphore(%run_scoped3A_46 : memref<!tpu.dma_semaphore, #tpu.memory_space<semaphore_mem>>) src(%arg9 : memref<80x128xf32, #tpu.memory_space<vmem>>) dst(%dma_wait3A_58 : memref<10240x128xf32, #tpu.memory_space<vmem_shared>>)
      tpu.yield
    }) : () -> ()
    %barrier3A_40 = arith.constant 0 : index
    tpu.barrier barrier_id(%barrier3A_40)
    %mul3A_41 = arith.constant 10240 : i32
    %mul3A_42 = arith.muli %arg0, %mul3A_41 : i32
    %mul3A_43 = arith.constant 640 : i32
    %mul3A_44 = arith.muli %arg1, %mul3A_43 : i32
    %add3A_45 = arith.addi %mul3A_42, %mul3A_44 : i32
    "tpu.region"() ({
      %run_scoped3A_46 = tpu.sem_alloc : memref<!tpu.dma_semaphore, #tpu.memory_space<semaphore_mem>>
      %dma_start3A_47 = arith.constant 0 : i32
      %dma_start3A_48 = tpu.memref_slice %arg6[%add3A_45, %dma_start3A_47] : memref<20480x128xf32, #tpu.memory_space<hbm>> -> memref<640x128xf32, #tpu.memory_space<hbm>>
      %dma_start3A_49 = arith.constant 0 : i32
      %dma_start3A_50 = tpu.memref_slice %arg11[%mul3A_2, %dma_start3A_49] : memref<10240x128xf32, #tpu.memory_space<vmem_shared>> -> memref<640x128xf32, #tpu.memory_space<vmem_shared>>
      tpu.enqueue_dma source(%dma_start3A_50 : memref<640x128xf32, #tpu.memory_space<vmem_shared>>) target(%dma_start3A_48 : memref<640x128xf32, #tpu.memory_space<hbm>>) target_semaphore(%run_scoped3A_46 : memref<!tpu.dma_semaphore, #tpu.memory_space<semaphore_mem>>)
      %dma_wait3A_51 = arith.constant 0 : i32
      %dma_wait3A_52 = tpu.memref_slice %arg6[%add3A_45, %dma_wait3A_51] : memref<20480x128xf32, #tpu.memory_space<hbm>> -> memref<640x128xf32, #tpu.memory_space<hbm>>
      %dma_wait3A_53 = arith.constant 0 : i32
      %dma_wait3A_54 = tpu.memref_slice %arg11[%mul3A_2, %dma_wait3A_53] : memref<10240x128xf32, #tpu.memory_space<vmem_shared>> -> memref<640x128xf32, #tpu.memory_space<vmem_shared>>
      tpu.wait_dma2 semaphore(%run_scoped3A_46 : memref<!tpu.dma_semaphore, #tpu.memory_space<semaphore_mem>>) src(%dma_wait3A_54 : memref<640x128xf32, #tpu.memory_space<vmem_shared>>) dst(%dma_wait3A_52 : memref<640x128xf32, #tpu.memory_space<hbm>>)
      tpu.yield
    }) : () -> ()
    return
  }
}

module attributes {stable_mosaic.version = 14 : i64} {
  func.func @_embed_body(%arg0: i32, %arg1: memref<2000x128xf32, #tpu.memory_space<vmem>>, %arg2: memref<128x128xf32, #tpu.memory_space<vmem>>, %arg3: memref<1x128xf32, #tpu.memory_space<vmem>>, %arg4: memref<2000x1xf32, #tpu.memory_space<vmem>>, %arg5: memref<2000x1xf32, #tpu.memory_space<vmem>>, %arg6: memref<2000x1xf32, #tpu.memory_space<vmem>>, %arg7: memref<128x128xf32, #tpu.memory_space<vmem>>, %arg8: memref<2000x128xf32, #tpu.memory_space<vmem>>, %arg9: memref<2000x128xf32, #tpu.memory_space<vmem>>, %arg10: memref<2000x128xf32, #tpu.memory_space<vmem>>, %arg11: memref<2000x128xf32, #tpu.memory_space<vmem>>, %arg12: memref<2000x128xf32, #tpu.memory_space<vmem>>) attributes {dimension_semantics = [#tpu.dimension_semantics<arbitrary>], iteration_bounds = array<i64: 5>, scalar_prefetch = 0 : i64, scratch_operands = 0 : i64, tpu.core_type = #tpu.core_type<tc>, window_params = [{transform_indices = @transform_0, window_bounds = array<i64: 2000, 128>}, {pipeline_mode = #tpu.pipeline_mode<synchronous>, transform_indices = @transform_1, window_bounds = array<i64: 128, 128>}, {pipeline_mode = #tpu.pipeline_mode<synchronous>, transform_indices = @transform_2, window_bounds = array<i64: 1, 128>}, {transform_indices = @transform_3, window_bounds = array<i64: 2000, 1>}, {transform_indices = @transform_4, window_bounds = array<i64: 2000, 1>}, {transform_indices = @transform_5, window_bounds = array<i64: 2000, 1>}, {pipeline_mode = #tpu.pipeline_mode<synchronous>, transform_indices = @transform_6, window_bounds = array<i64: 128, 128>}, {transform_indices = @transform_7, window_bounds = array<i64: 2000, 128>}, {transform_indices = @transform_8, window_bounds = array<i64: 2000, 128>}, {transform_indices = @transform_9, window_bounds = array<i64: 2000, 128>}, {transform_indices = @transform_10, window_bounds = array<i64: 2000, 128>}, {transform_indices = @transform_11, window_bounds = array<i64: 2000, 128>}]} {
    %get3A = arith.constant 0 : index
    %get3A_0 = arith.constant 0 : index
    %get3A_1 = vector.load %arg4[%get3A, %get3A_0] : memref<2000x1xf32, #tpu.memory_space<vmem>>, vector<2000x1xf32>
    %get3A_2 = arith.constant 0 : index
    %get3A_3 = arith.constant 0 : index
    %get3A_4 = vector.load %arg5[%get3A_2, %get3A_3] : memref<2000x1xf32, #tpu.memory_space<vmem>>, vector<2000x1xf32>
    %gt3A = arith.constant 0.000000e+00 : f32
    %gt3A_5 = vector.broadcast %gt3A : f32 to vector<2000x1xf32>
    %gt3A_6 = arith.cmpf ogt, %get3A_1, %gt3A_5 : vector<2000x1xf32>
    %rsqrt3A = math.rsqrt %get3A_1 : vector<2000x1xf32>
    %jit3A = arith.constant 0.000000e+00 : f32
    %broadcast_in_dim3A = vector.broadcast %jit3A : f32 to vector<2000x1xf32>
    %select_n3A = arith.select %gt3A_6, %rsqrt3A, %broadcast_in_dim3A : vector<2000x1xi1>, vector<2000x1xf32>
    %gt3A_7 = arith.constant 0.000000e+00 : f32
    %gt3A_8 = vector.broadcast %gt3A_7 : f32 to vector<2000x1xf32>
    %gt3A_9 = arith.cmpf ogt, %get3A_4, %gt3A_8 : vector<2000x1xf32>
    %rsqrt3A_10 = math.rsqrt %get3A_4 : vector<2000x1xf32>
    %jit3A_11 = arith.constant 0.000000e+00 : f32
    %broadcast_in_dim3A_12 = vector.broadcast %jit3A_11 : f32 to vector<2000x1xf32>
    %select_n3A_13 = arith.select %gt3A_9, %rsqrt3A_10, %broadcast_in_dim3A_12 : vector<2000x1xi1>, vector<2000x1xf32>
    %get3A_14 = arith.constant 0 : index
    %get3A_15 = arith.constant 0 : index
    %get3A_16 = vector.load %arg6[%get3A_14, %get3A_15] : memref<2000x1xf32, #tpu.memory_space<vmem>>, vector<2000x1xf32>
    %broadcast_in_dim3A_17 = vector.shape_cast %select_n3A : vector<2000x1xf32> to vector<2000x1xf32>
    %broadcast_in_dim3A_18 = vector.broadcast %broadcast_in_dim3A_17 : vector<2000x1xf32> to vector<2000x128xf32>
    %swap3A = arith.constant 0 : index
    %swap3A_19 = arith.constant 0 : index
    %swap3A_20 = vector.load %arg10[%swap3A, %swap3A_19] : memref<2000x128xf32, #tpu.memory_space<vmem>>, vector<2000x128xf32>
    tpu.vector_store %arg10[%swap3A, %swap3A_19], %broadcast_in_dim3A_18 {strides = array<i32>} : memref<2000x128xf32, #tpu.memory_space<vmem>>, vector<2000x128xf32>,
    %mul3A = arith.mulf %select_n3A_13, %get3A_16 : vector<2000x1xf32>
    %broadcast_in_dim3A_21 = vector.shape_cast %mul3A : vector<2000x1xf32> to vector<2000x1xf32>
    %broadcast_in_dim3A_22 = vector.broadcast %broadcast_in_dim3A_21 : vector<2000x1xf32> to vector<2000x128xf32>
    %swap3A_23 = arith.constant 0 : index
    %swap3A_24 = arith.constant 0 : index
    %swap3A_25 = vector.load %arg11[%swap3A_23, %swap3A_24] : memref<2000x128xf32, #tpu.memory_space<vmem>>, vector<2000x128xf32>
    tpu.vector_store %arg11[%swap3A_23, %swap3A_24], %broadcast_in_dim3A_22 {strides = array<i32>} : memref<2000x128xf32, #tpu.memory_space<vmem>>, vector<2000x128xf32>,
    %broadcast_in_dim3A_26 = vector.shape_cast %get3A_16 : vector<2000x1xf32> to vector<2000x1xf32>
    %broadcast_in_dim3A_27 = vector.broadcast %broadcast_in_dim3A_26 : vector<2000x1xf32> to vector<2000x128xf32>
    %swap3A_28 = arith.constant 0 : index
    %swap3A_29 = arith.constant 0 : index
    %swap3A_30 = vector.load %arg12[%swap3A_28, %swap3A_29] : memref<2000x128xf32, #tpu.memory_space<vmem>>, vector<2000x128xf32>
    tpu.vector_store %arg12[%swap3A_28, %swap3A_29], %broadcast_in_dim3A_27 {strides = array<i32>} : memref<2000x128xf32, #tpu.memory_space<vmem>>, vector<2000x128xf32>,
    %get3A_31 = arith.constant 0 : index
    %get3A_32 = arith.constant 0 : index
    %get3A_33 = vector.load %arg1[%get3A_31, %get3A_32] : memref<2000x128xf32, #tpu.memory_space<vmem>>, vector<2000x128xf32>
    %get3A_34 = arith.constant 0 : index
    %get3A_35 = arith.constant 0 : index
    %get3A_36 = vector.load %arg2[%get3A_34, %get3A_35] : memref<128x128xf32, #tpu.memory_space<vmem>>, vector<128x128xf32>
    %dot_general3A = arith.constant dense<0.000000e+00> : vector<2000x128xf32>
    %dot_general3A_37 = tpu.matmul %get3A_33, %get3A_36, %dot_general3A {dimension_numbers = #tpu.dot_dimension_numbers<[1], [0], [0], [1], [0, 0, 1, 1], [], []>, transpose_lhs_hint = false} : vector<2000x128xf32>, vector<128x128xf32>, vector<2000x128xf32> -> vector<2000x128xf32>
    %get3A_38 = arith.constant 0 : index
    %get3A_39 = arith.constant 0 : index
    %get3A_40 = vector.load %arg3[%get3A_38, %get3A_39] : memref<1x128xf32, #tpu.memory_space<vmem>>, vector<1x128xf32>
    %add3A = vector.broadcast %get3A_40 : vector<1x128xf32> to vector<2000x128xf32>
    %add3A_41 = arith.addf %dot_general3A_37, %add3A : vector<2000x128xf32>
    %swap3A_42 = arith.constant 0 : index
    %swap3A_43 = arith.constant 0 : index
    %swap3A_44 = vector.load %arg8[%swap3A_42, %swap3A_43] : memref<2000x128xf32, #tpu.memory_space<vmem>>, vector<2000x128xf32>
    tpu.vector_store %arg8[%swap3A_42, %swap3A_43], %add3A_41 {strides = array<i32>} : memref<2000x128xf32, #tpu.memory_space<vmem>>, vector<2000x128xf32>,
    %mul3A_45 = arith.mulf %add3A_41, %broadcast_in_dim3A_18 : vector<2000x128xf32>
    %get3A_46 = arith.constant 0 : index
    %get3A_47 = arith.constant 0 : index
    %get3A_48 = vector.load %arg7[%get3A_46, %get3A_47] : memref<128x128xf32, #tpu.memory_space<vmem>>, vector<128x128xf32>
    %dot_general3A_49 = arith.constant dense<0.000000e+00> : vector<2000x128xf32>
    %dot_general3A_50 = tpu.matmul %mul3A_45, %get3A_48, %dot_general3A_49 {dimension_numbers = #tpu.dot_dimension_numbers<[1], [0], [0], [1], [0, 0, 1, 1], [], []>, transpose_lhs_hint = false} : vector<2000x128xf32>, vector<128x128xf32>, vector<2000x128xf32> -> vector<2000x128xf32>
    %swap3A_51 = arith.constant 0 : index
    %swap3A_52 = arith.constant 0 : index
    %swap3A_53 = vector.load %arg9[%swap3A_51, %swap3A_52] : memref<2000x128xf32, #tpu.memory_space<vmem>>, vector<2000x128xf32>
    tpu.vector_store %arg9[%swap3A_51, %swap3A_52], %dot_general3A_50 {strides = array<i32>} : memref<2000x128xf32, #tpu.memory_space<vmem>>, vector<2000x128xf32>,
    return
  }
  func.func @transform_0(%arg0: i32) -> (i32, i32) {
    %c0_i32 = arith.constant 0 : i32
    %c0_i32_0 = arith.constant 0 : i32
    return %arg0, %c0_i32 : i32, i32
  }
  func.func @transform_1(%arg0: i32) -> (i32, i32) {
    %c0_i32 = arith.constant 0 : i32
    %c0_i32_0 = arith.constant 0 : i32
    %c0_i32_1 = arith.constant 0 : i32
    return %c0_i32, %c0_i32_0 : i32, i32
  }
  func.func @transform_2(%arg0: i32) -> (i32, i32) {
    %c0_i32 = arith.constant 0 : i32
    %c0_i32_0 = arith.constant 0 : i32
    %c0_i32_1 = arith.constant 0 : i32
    return %c0_i32, %c0_i32_0 : i32, i32
  }
  func.func @transform_3(%arg0: i32) -> (i32, i32) {
    %c0_i32 = arith.constant 0 : i32
    %c0_i32_0 = arith.constant 0 : i32
    return %arg0, %c0_i32 : i32, i32
  }
  func.func @transform_4(%arg0: i32) -> (i32, i32) {
    %c0_i32 = arith.constant 0 : i32
    %c0_i32_0 = arith.constant 0 : i32
    return %arg0, %c0_i32 : i32, i32
  }
  func.func @transform_5(%arg0: i32) -> (i32, i32) {
    %c0_i32 = arith.constant 0 : i32
    %c0_i32_0 = arith.constant 0 : i32
    return %arg0, %c0_i32 : i32, i32
  }
  func.func @transform_6(%arg0: i32) -> (i32, i32) {
    %c0_i32 = arith.constant 0 : i32
    %c0_i32_0 = arith.constant 0 : i32
    %c0_i32_1 = arith.constant 0 : i32
    return %c0_i32, %c0_i32_0 : i32, i32
  }
  func.func @transform_7(%arg0: i32) -> (i32, i32) {
    %c0_i32 = arith.constant 0 : i32
    %c0_i32_0 = arith.constant 0 : i32
    return %arg0, %c0_i32 : i32, i32
  }
  func.func @transform_8(%arg0: i32) -> (i32, i32) {
    %c0_i32 = arith.constant 0 : i32
    %c0_i32_0 = arith.constant 0 : i32
    return %arg0, %c0_i32 : i32, i32
  }
  func.func @transform_9(%arg0: i32) -> (i32, i32) {
    %c0_i32 = arith.constant 0 : i32
    %c0_i32_0 = arith.constant 0 : i32
    return %arg0, %c0_i32 : i32, i32
  }
  func.func @transform_10(%arg0: i32) -> (i32, i32) {
    %c0_i32 = arith.constant 0 : i32
    %c0_i32_0 = arith.constant 0 : i32
    return %arg0, %c0_i32 : i32, i32
  }
  func.func @transform_11(%arg0: i32) -> (i32, i32) {
    %c0_i32 = arith.constant 0 : i32
    %c0_i32_0 = arith.constant 0 : i32
    return %arg0, %c0_i32 : i32, i32
  }
}

module attributes {stable_mosaic.version = 14 : i64} {
  func.func @_layer_mid_body(%arg0: i32, %arg1: i32, %arg2: memref<2000x128xf32, #tpu.memory_space<vmem>>, %arg3: memref<2000x128xf32, #tpu.memory_space<vmem>>, %arg4: memref<2000x128xf32, #tpu.memory_space<vmem>>, %arg5: memref<2000x128xf32, #tpu.memory_space<vmem>>, %arg6: memref<1x128xf32, #tpu.memory_space<vmem>>, %arg7: memref<1x128xf32, #tpu.memory_space<vmem>>, %arg8: memref<1x128xf32, #tpu.memory_space<vmem>>, %arg9: memref<2000x128xf32, #tpu.memory_space<vmem>>, %arg10: memref<2000x128xf32, #tpu.memory_space<vmem>>, %arg11: memref<128x128xf32, #tpu.memory_space<vmem>>, %arg12: memref<2000x128xf32, #tpu.memory_space<vmem>>, %arg13: memref<2000x128xf32, #tpu.memory_space<vmem>>, %arg14: memref<10000x128xf32, #tpu.memory_space<vmem>>, %arg15: memref<2x128xf32, #tpu.memory_space<vmem>>) attributes {dimension_semantics = [#tpu.dimension_semantics<arbitrary>, #tpu.dimension_semantics<arbitrary>], iteration_bounds = array<i64: 2, 5>, scalar_prefetch = 0 : i64, scratch_operands = 2 : i64, tpu.core_type = #tpu.core_type<tc>, window_params = [{transform_indices = @transform_0, window_bounds = array<i64: 2000, 128>}, {transform_indices = @transform_1, window_bounds = array<i64: 2000, 128>}, {transform_indices = @transform_2, window_bounds = array<i64: 2000, 128>}, {transform_indices = @transform_3, window_bounds = array<i64: 2000, 128>}, {pipeline_mode = #tpu.pipeline_mode<synchronous>, transform_indices = @transform_4, window_bounds = array<i64: 1, 128>}, {pipeline_mode = #tpu.pipeline_mode<synchronous>, transform_indices = @transform_5, window_bounds = array<i64: 1, 128>}, {pipeline_mode = #tpu.pipeline_mode<synchronous>, transform_indices = @transform_6, window_bounds = array<i64: 1, 128>}, {transform_indices = @transform_7, window_bounds = array<i64: 2000, 128>}, {transform_indices = @transform_8, window_bounds = array<i64: 2000, 128>}, {pipeline_mode = #tpu.pipeline_mode<synchronous>, transform_indices = @transform_9, window_bounds = array<i64: 128, 128>}, {transform_indices = @transform_10, window_bounds = array<i64: 2000, 128>}, {transform_indices = @transform_11, window_bounds = array<i64: 2000, 128>}]} {
    %eq3A = arith.constant 0 : i32
    %eq3A_0 = arith.cmpi eq, %arg0, %eq3A : i32
    %convert_element_type3A = arith.extui %eq3A_0 : i1 to i32
    %cond3A = arith.constant 0 : i32
    %cond3A_1 = arith.cmpi ne, %convert_element_type3A, %cond3A : i32
    scf.if %cond3A_1 {
      %get3A = arith.constant 0 : index
      %get3A_7 = arith.constant 0 : index
      %get3A_8 = vector.load %arg2[%get3A, %get3A_7] : memref<2000x128xf32, #tpu.memory_space<vmem>>, vector<2000x128xf32>
      %get3A_9 = arith.constant 0 : index
      %get3A_10 = arith.constant 0 : index
      %get3A_11 = vector.load %arg3[%get3A_9, %get3A_10] : memref<2000x128xf32, #tpu.memory_space<vmem>>, vector<2000x128xf32>
      %add3A = arith.addf %get3A_8, %get3A_11 : vector<2000x128xf32>
      %get3A_12 = arith.constant 0 : index
      %get3A_13 = arith.constant 0 : index
      %get3A_14 = vector.load %arg4[%get3A_12, %get3A_13] : memref<2000x128xf32, #tpu.memory_space<vmem>>, vector<2000x128xf32>
      %mul3A = arith.mulf %add3A, %get3A_14 : vector<2000x128xf32>
      %get3A_15 = arith.constant 0 : index
      %get3A_16 = arith.constant 0 : index
      %get3A_17 = vector.load %arg6[%get3A_15, %get3A_16] : memref<1x128xf32, #tpu.memory_space<vmem>>, vector<1x128xf32>
      %get3A_18 = arith.constant 0 : index
      %get3A_19 = arith.constant 0 : index
      %get3A_20 = vector.load %arg5[%get3A_18, %get3A_19] : memref<2000x128xf32, #tpu.memory_space<vmem>>, vector<2000x128xf32>
      %mul3A_21 = vector.broadcast %get3A_17 : vector<1x128xf32> to vector<2000x128xf32>
      %mul3A_22 = arith.mulf %mul3A_21, %get3A_20 : vector<2000x128xf32>
      %add3A_23 = arith.addf %mul3A, %mul3A_22 : vector<2000x128xf32>
      %mul3A_24 = arith.constant 2000 : i32
      %mul3A_25 = arith.muli %arg1, %mul3A_24 : i32
      %swap3A = arith.index_cast %mul3A_25 : i32 to index
      %swap3A_26 = arith.constant 0 : index
      %swap3A_27 = vector.load %arg14[%swap3A, %swap3A_26] : memref<10000x128xf32, #tpu.memory_space<vmem>>, vector<2000x128xf32>
      tpu.vector_store %arg14[%swap3A, %swap3A_26], %add3A_23 {strides = array<i32>} : memref<10000x128xf32, #tpu.memory_space<vmem>>, vector<2000x128xf32>,
      %eq3A_28 = arith.constant 0 : i32
      %eq3A_29 = arith.cmpi eq, %arg1, %eq3A_28 : i32
      %convert_element_type3A_30 = arith.extui %eq3A_29 : i1 to i32
      %cond3A_31 = arith.constant 0 : i32
      %cond3A_32 = arith.cmpi ne, %convert_element_type3A_30, %cond3A_31 : i32
      scf.if %cond3A_32 {
        %broadcast_in_dim3A_52 = arith.constant 0.000000e+00 : f32
        %broadcast_in_dim3A_53 = vector.broadcast %broadcast_in_dim3A_52 : f32 to vector<2x128xf32>
        %swap3A_54 = arith.constant 0 : index
        %swap3A_55 = arith.constant 0 : index
        %swap3A_56 = vector.load %arg15[%swap3A_54, %swap3A_55] : memref<2x128xf32, #tpu.memory_space<vmem>>, vector<2x128xf32>
        tpu.vector_store %arg15[%swap3A_54, %swap3A_55], %broadcast_in_dim3A_53 {strides = array<i32>} : memref<2x128xf32, #tpu.memory_space<vmem>>, vector<2x128xf32>,
      } else {
      }
      %get3A_33 = arith.constant 0 : index
      %get3A_34 = arith.constant 0 : index
      %get3A_35 = vector.load %arg15[%get3A_33, %get3A_34] : memref<2x128xf32, #tpu.memory_space<vmem>>, vector<1x128xf32>
      %reduce_sum3A = arith.constant dense<0.000000e+00> : vector<128xf32>
      %reduce_sum3A_36 = vector.multi_reduction <add>, %add3A_23, %reduce_sum3A [0] : vector<2000x128xf32> to vector<128xf32>
      %broadcast_in_dim3A = vector.shape_cast %reduce_sum3A_36 : vector<128xf32> to vector<1x128xf32>
      %add3A_37 = arith.addf %get3A_35, %broadcast_in_dim3A : vector<1x128xf32>
      %swap3A_38 = arith.constant 0 : index
      %swap3A_39 = arith.constant 0 : index
      %swap3A_40 = vector.load %arg15[%swap3A_38, %swap3A_39] : memref<2x128xf32, #tpu.memory_space<vmem>>, vector<1x128xf32>
      tpu.vector_store %arg15[%swap3A_38, %swap3A_39], %add3A_37 {strides = array<i32>} : memref<2x128xf32, #tpu.memory_space<vmem>>, vector<1x128xf32>,
      %get3A_41 = arith.constant 1 : index
      %get3A_42 = arith.constant 0 : index
      %get3A_43 = vector.load %arg15[%get3A_41, %get3A_42] : memref<2x128xf32, #tpu.memory_space<vmem>>, vector<1x128xf32>
      %mul3A_44 = arith.mulf %add3A_23, %add3A_23 : vector<2000x128xf32>
      %reduce_sum3A_45 = arith.constant dense<0.000000e+00> : vector<128xf32>
      %reduce_sum3A_46 = vector.multi_reduction <add>, %mul3A_44, %reduce_sum3A_45 [0] : vector<2000x128xf32> to vector<128xf32>
      %broadcast_in_dim3A_47 = vector.shape_cast %reduce_sum3A_46 : vector<128xf32> to vector<1x128xf32>
      %add3A_48 = arith.addf %get3A_43, %broadcast_in_dim3A_47 : vector<1x128xf32>
      %swap3A_49 = arith.constant 1 : index
      %swap3A_50 = arith.constant 0 : index
      %swap3A_51 = vector.load %arg15[%swap3A_49, %swap3A_50] : memref<2x128xf32, #tpu.memory_space<vmem>>, vector<1x128xf32>
      tpu.vector_store %arg15[%swap3A_49, %swap3A_50], %add3A_48 {strides = array<i32>} : memref<2x128xf32, #tpu.memory_space<vmem>>, vector<1x128xf32>,
    } else {
    }
    %eq3A_2 = arith.constant 1 : i32
    %eq3A_3 = arith.cmpi eq, %arg0, %eq3A_2 : i32
    %convert_element_type3A_4 = arith.extui %eq3A_3 : i1 to i32
    %cond3A_5 = arith.constant 0 : i32
    %cond3A_6 = arith.cmpi ne, %convert_element_type3A_4, %cond3A_5 : i32
    scf.if %cond3A_6 {
      %get3A = arith.constant 0 : index
      %get3A_7 = arith.constant 0 : index
      %get3A_8 = vector.load %arg15[%get3A, %get3A_7] : memref<2x128xf32, #tpu.memory_space<vmem>>, vector<1x128xf32>
      %mul3A = arith.constant 9.99999974E-5 : f32
      %mul3A_9 = vector.broadcast %mul3A : f32 to vector<1x128xf32>
      %mul3A_10 = arith.mulf %get3A_8, %mul3A_9 : vector<1x128xf32>
      %get3A_11 = arith.constant 1 : index
      %get3A_12 = arith.constant 0 : index
      %get3A_13 = vector.load %arg15[%get3A_11, %get3A_12] : memref<2x128xf32, #tpu.memory_space<vmem>>, vector<1x128xf32>
      %mul3A_14 = arith.constant 9.99999974E-5 : f32
      %mul3A_15 = vector.broadcast %mul3A_14 : f32 to vector<1x128xf32>
      %mul3A_16 = arith.mulf %get3A_13, %mul3A_15 : vector<1x128xf32>
      %mul3A_17 = arith.mulf %mul3A_10, %mul3A_10 : vector<1x128xf32>
      %sub3A = arith.subf %mul3A_16, %mul3A_17 : vector<1x128xf32>
      %add3A = arith.constant 9.99999974E-6 : f32
      %add3A_18 = vector.broadcast %add3A : f32 to vector<1x128xf32>
      %add3A_19 = arith.addf %sub3A, %add3A_18 : vector<1x128xf32>
      %rsqrt3A = math.rsqrt %add3A_19 : vector<1x128xf32>
      %mul3A_20 = arith.constant 2000 : i32
      %mul3A_21 = arith.muli %arg1, %mul3A_20 : i32
      %get3A_22 = arith.index_cast %mul3A_21 : i32 to index
      %get3A_23 = arith.constant 0 : index
      %get3A_24 = vector.load %arg14[%get3A_22, %get3A_23] : memref<10000x128xf32, #tpu.memory_space<vmem>>, vector<2000x128xf32>
      %sub3A_25 = vector.broadcast %mul3A_10 : vector<1x128xf32> to vector<2000x128xf32>
      %sub3A_26 = arith.subf %get3A_24, %sub3A_25 : vector<2000x128xf32>
      %mul3A_27 = vector.broadcast %rsqrt3A : vector<1x128xf32> to vector<2000x128xf32>
      %mul3A_28 = arith.mulf %sub3A_26, %mul3A_27 : vector<2000x128xf32>
      %get3A_29 = arith.constant 0 : index
      %get3A_30 = arith.constant 0 : index
      %get3A_31 = vector.load %arg7[%get3A_29, %get3A_30] : memref<1x128xf32, #tpu.memory_space<vmem>>, vector<1x128xf32>
      %mul3A_32 = vector.broadcast %get3A_31 : vector<1x128xf32> to vector<2000x128xf32>
      %mul3A_33 = arith.mulf %mul3A_28, %mul3A_32 : vector<2000x128xf32>
      %get3A_34 = arith.constant 0 : index
      %get3A_35 = arith.constant 0 : index
      %get3A_36 = vector.load %arg8[%get3A_34, %get3A_35] : memref<1x128xf32, #tpu.memory_space<vmem>>, vector<1x128xf32>
      %add3A_37 = vector.broadcast %get3A_36 : vector<1x128xf32> to vector<2000x128xf32>
      %add3A_38 = arith.addf %mul3A_33, %add3A_37 : vector<2000x128xf32>
      %max3A = arith.constant 0.000000e+00 : f32
      %max3A_39 = vector.broadcast %max3A : f32 to vector<2000x128xf32>
      %max3A_40 = arith.maximumf %add3A_38, %max3A_39 : vector<2000x128xf32>
      %get3A_41 = arith.constant 0 : index
      %get3A_42 = arith.constant 0 : index
      %get3A_43 = vector.load %arg9[%get3A_41, %get3A_42] : memref<2000x128xf32, #tpu.memory_space<vmem>>, vector<2000x128xf32>
      %add3A_44 = arith.addf %max3A_40, %get3A_43 : vector<2000x128xf32>
      %swap3A = arith.constant 0 : index
      %swap3A_45 = arith.constant 0 : index
      %swap3A_46 = vector.load %arg12[%swap3A, %swap3A_45] : memref<2000x128xf32, #tpu.memory_space<vmem>>, vector<2000x128xf32>
      tpu.vector_store %arg12[%swap3A, %swap3A_45], %add3A_44 {strides = array<i32>} : memref<2000x128xf32, #tpu.memory_space<vmem>>, vector<2000x128xf32>,
      %get3A_47 = arith.constant 0 : index
      %get3A_48 = arith.constant 0 : index
      %get3A_49 = vector.load %arg10[%get3A_47, %get3A_48] : memref<2000x128xf32, #tpu.memory_space<vmem>>, vector<2000x128xf32>
      %mul3A_50 = arith.mulf %add3A_44, %get3A_49 : vector<2000x128xf32>
      %get3A_51 = arith.constant 0 : index
      %get3A_52 = arith.constant 0 : index
      %get3A_53 = vector.load %arg11[%get3A_51, %get3A_52] : memref<128x128xf32, #tpu.memory_space<vmem>>, vector<128x128xf32>
      %dot_general3A = arith.constant dense<0.000000e+00> : vector<2000x128xf32>
      %dot_general3A_54 = tpu.matmul %mul3A_50, %get3A_53, %dot_general3A {dimension_numbers = #tpu.dot_dimension_numbers<[1], [0], [0], [1], [0, 0, 1, 1], [], []>, transpose_lhs_hint = false} : vector<2000x128xf32>, vector<128x128xf32>, vector<2000x128xf32> -> vector<2000x128xf32>
      %swap3A_55 = arith.constant 0 : index
      %swap3A_56 = arith.constant 0 : index
      %swap3A_57 = vector.load %arg13[%swap3A_55, %swap3A_56] : memref<2000x128xf32, #tpu.memory_space<vmem>>, vector<2000x128xf32>
      tpu.vector_store %arg13[%swap3A_55, %swap3A_56], %dot_general3A_54 {strides = array<i32>} : memref<2000x128xf32, #tpu.memory_space<vmem>>, vector<2000x128xf32>,
    } else {
    }
    return
  }
  func.func @transform_0(%arg0: i32, %arg1: i32) -> (i32, i32) {
    %sub3A = arith.constant 1 : i32
    %sub3A_0 = arith.subi %sub3A, %arg0 : i32
    %mul3A = arith.muli %sub3A_0, %arg1 : i32
    %c0_i32 = arith.constant 0 : i32
    %c0_i32_1 = arith.constant 0 : i32
    return %mul3A, %c0_i32 : i32, i32
  }
  func.func @transform_1(%arg0: i32, %arg1: i32) -> (i32, i32) {
    %sub3A = arith.constant 1 : i32
    %sub3A_0 = arith.subi %sub3A, %arg0 : i32
    %mul3A = arith.muli %sub3A_0, %arg1 : i32
    %c0_i32 = arith.constant 0 : i32
    %c0_i32_1 = arith.constant 0 : i32
    return %mul3A, %c0_i32 : i32, i32
  }
  func.func @transform_2(%arg0: i32, %arg1: i32) -> (i32, i32) {
    %sub3A = arith.constant 1 : i32
    %sub3A_0 = arith.subi %sub3A, %arg0 : i32
    %mul3A = arith.muli %sub3A_0, %arg1 : i32
    %c0_i32 = arith.constant 0 : i32
    %c0_i32_1 = arith.constant 0 : i32
    return %mul3A, %c0_i32 : i32, i32
  }
  func.func @transform_3(%arg0: i32, %arg1: i32) -> (i32, i32) {
    %sub3A = arith.constant 1 : i32
    %sub3A_0 = arith.subi %sub3A, %arg0 : i32
    %mul3A = arith.muli %sub3A_0, %arg1 : i32
    %c0_i32 = arith.constant 0 : i32
    %c0_i32_1 = arith.constant 0 : i32
    return %mul3A, %c0_i32 : i32, i32
  }
  func.func @transform_4(%arg0: i32, %arg1: i32) -> (i32, i32) {
    %c0_i32 = arith.constant 0 : i32
    %c0_i32_0 = arith.constant 0 : i32
    %c0_i32_1 = arith.constant 0 : i32
    return %c0_i32, %c0_i32_0 : i32, i32
  }
  func.func @transform_5(%arg0: i32, %arg1: i32) -> (i32, i32) {
    %c0_i32 = arith.constant 0 : i32
    %c0_i32_0 = arith.constant 0 : i32
    %c0_i32_1 = arith.constant 0 : i32
    return %c0_i32, %c0_i32_0 : i32, i32
  }
  func.func @transform_6(%arg0: i32, %arg1: i32) -> (i32, i32) {
    %c0_i32 = arith.constant 0 : i32
    %c0_i32_0 = arith.constant 0 : i32
    %c0_i32_1 = arith.constant 0 : i32
    return %c0_i32, %c0_i32_0 : i32, i32
  }
  func.func @transform_7(%arg0: i32, %arg1: i32) -> (i32, i32) {
    %mul3A = arith.muli %arg0, %arg1 : i32
    %c0_i32 = arith.constant 0 : i32
    %c0_i32_0 = arith.constant 0 : i32
    return %mul3A, %c0_i32 : i32, i32
  }
  func.func @transform_8(%arg0: i32, %arg1: i32) -> (i32, i32) {
    %mul3A = arith.muli %arg0, %arg1 : i32
    %c0_i32 = arith.constant 0 : i32
    %c0_i32_0 = arith.constant 0 : i32
    return %mul3A, %c0_i32 : i32, i32
  }
  func.func @transform_9(%arg0: i32, %arg1: i32) -> (i32, i32) {
    %c0_i32 = arith.constant 0 : i32
    %c0_i32_0 = arith.constant 0 : i32
    %c0_i32_1 = arith.constant 0 : i32
    return %c0_i32, %c0_i32_0 : i32, i32
  }
  func.func @transform_10(%arg0: i32, %arg1: i32) -> (i32, i32) {
    %mul3A = arith.muli %arg0, %arg1 : i32
    %c0_i32 = arith.constant 0 : i32
    %c0_i32_0 = arith.constant 0 : i32
    return %mul3A, %c0_i32 : i32, i32
  }
  func.func @transform_11(%arg0: i32, %arg1: i32) -> (i32, i32) {
    %mul3A = arith.muli %arg0, %arg1 : i32
    %c0_i32 = arith.constant 0 : i32
    %c0_i32_0 = arith.constant 0 : i32
    return %mul3A, %c0_i32 : i32, i32
  }
}

module attributes {stable_mosaic.version = 14 : i64} {
  func.func @_layer_last_body(%arg0: i32, %arg1: i32, %arg2: memref<2000x128xf32, #tpu.memory_space<vmem>>, %arg3: memref<2000x128xf32, #tpu.memory_space<vmem>>, %arg4: memref<2000x128xf32, #tpu.memory_space<vmem>>, %arg5: memref<2000x128xf32, #tpu.memory_space<vmem>>, %arg6: memref<1x128xf32, #tpu.memory_space<vmem>>, %arg7: memref<1x128xf32, #tpu.memory_space<vmem>>, %arg8: memref<1x128xf32, #tpu.memory_space<vmem>>, %arg9: memref<2000x128xf32, #tpu.memory_space<vmem>>, %arg10: memref<128x128xf32, #tpu.memory_space<vmem>>, %arg11: memref<1x128xf32, #tpu.memory_space<vmem>>, %arg12: memref<128x10xf32, #tpu.memory_space<vmem>>, %arg13: memref<1x10xf32, #tpu.memory_space<vmem>>, %arg14: memref<1x10xf32, #tpu.memory_space<vmem>>, %arg15: memref<10000x128xf32, #tpu.memory_space<vmem>>, %arg16: memref<2x128xf32, #tpu.memory_space<vmem>>, %arg17: memref<1x128xf32, #tpu.memory_space<vmem>>) attributes {dimension_semantics = [#tpu.dimension_semantics<arbitrary>, #tpu.dimension_semantics<arbitrary>], iteration_bounds = array<i64: 2, 5>, scalar_prefetch = 0 : i64, scratch_operands = 3 : i64, tpu.core_type = #tpu.core_type<tc>, window_params = [{transform_indices = @transform_0, window_bounds = array<i64: 2000, 128>}, {transform_indices = @transform_1, window_bounds = array<i64: 2000, 128>}, {transform_indices = @transform_2, window_bounds = array<i64: 2000, 128>}, {transform_indices = @transform_3, window_bounds = array<i64: 2000, 128>}, {pipeline_mode = #tpu.pipeline_mode<synchronous>, transform_indices = @transform_4, window_bounds = array<i64: 1, 128>}, {pipeline_mode = #tpu.pipeline_mode<synchronous>, transform_indices = @transform_5, window_bounds = array<i64: 1, 128>}, {pipeline_mode = #tpu.pipeline_mode<synchronous>, transform_indices = @transform_6, window_bounds = array<i64: 1, 128>}, {transform_indices = @transform_7, window_bounds = array<i64: 2000, 128>}, {pipeline_mode = #tpu.pipeline_mode<synchronous>, transform_indices = @transform_8, window_bounds = array<i64: 128, 128>}, {pipeline_mode = #tpu.pipeline_mode<synchronous>, transform_indices = @transform_9, window_bounds = array<i64: 1, 128>}, {pipeline_mode = #tpu.pipeline_mode<synchronous>, transform_indices = @transform_10, window_bounds = array<i64: 128, 10>}, {pipeline_mode = #tpu.pipeline_mode<synchronous>, transform_indices = @transform_11, window_bounds = array<i64: 1, 10>}, {pipeline_mode = #tpu.pipeline_mode<synchronous>, transform_indices = @transform_12, window_bounds = array<i64: 1, 10>}]} {
    %eq3A = arith.constant 0 : i32
    %eq3A_0 = arith.cmpi eq, %arg0, %eq3A : i32
    %convert_element_type3A = arith.extui %eq3A_0 : i1 to i32
    %cond3A = arith.constant 0 : i32
    %cond3A_1 = arith.cmpi ne, %convert_element_type3A, %cond3A : i32
    scf.if %cond3A_1 {
      %get3A = arith.constant 0 : index
      %get3A_7 = arith.constant 0 : index
      %get3A_8 = vector.load %arg2[%get3A, %get3A_7] : memref<2000x128xf32, #tpu.memory_space<vmem>>, vector<2000x128xf32>
      %get3A_9 = arith.constant 0 : index
      %get3A_10 = arith.constant 0 : index
      %get3A_11 = vector.load %arg3[%get3A_9, %get3A_10] : memref<2000x128xf32, #tpu.memory_space<vmem>>, vector<2000x128xf32>
      %add3A = arith.addf %get3A_8, %get3A_11 : vector<2000x128xf32>
      %get3A_12 = arith.constant 0 : index
      %get3A_13 = arith.constant 0 : index
      %get3A_14 = vector.load %arg4[%get3A_12, %get3A_13] : memref<2000x128xf32, #tpu.memory_space<vmem>>, vector<2000x128xf32>
      %mul3A = arith.mulf %add3A, %get3A_14 : vector<2000x128xf32>
      %get3A_15 = arith.constant 0 : index
      %get3A_16 = arith.constant 0 : index
      %get3A_17 = vector.load %arg6[%get3A_15, %get3A_16] : memref<1x128xf32, #tpu.memory_space<vmem>>, vector<1x128xf32>
      %get3A_18 = arith.constant 0 : index
      %get3A_19 = arith.constant 0 : index
      %get3A_20 = vector.load %arg5[%get3A_18, %get3A_19] : memref<2000x128xf32, #tpu.memory_space<vmem>>, vector<2000x128xf32>
      %mul3A_21 = vector.broadcast %get3A_17 : vector<1x128xf32> to vector<2000x128xf32>
      %mul3A_22 = arith.mulf %mul3A_21, %get3A_20 : vector<2000x128xf32>
      %add3A_23 = arith.addf %mul3A, %mul3A_22 : vector<2000x128xf32>
      %mul3A_24 = arith.constant 2000 : i32
      %mul3A_25 = arith.muli %arg1, %mul3A_24 : i32
      %swap3A = arith.index_cast %mul3A_25 : i32 to index
      %swap3A_26 = arith.constant 0 : index
      %swap3A_27 = vector.load %arg15[%swap3A, %swap3A_26] : memref<10000x128xf32, #tpu.memory_space<vmem>>, vector<2000x128xf32>
      tpu.vector_store %arg15[%swap3A, %swap3A_26], %add3A_23 {strides = array<i32>} : memref<10000x128xf32, #tpu.memory_space<vmem>>, vector<2000x128xf32>,
      %eq3A_28 = arith.constant 0 : i32
      %eq3A_29 = arith.cmpi eq, %arg1, %eq3A_28 : i32
      %convert_element_type3A_30 = arith.extui %eq3A_29 : i1 to i32
      %cond3A_31 = arith.constant 0 : i32
      %cond3A_32 = arith.cmpi ne, %convert_element_type3A_30, %cond3A_31 : i32
      scf.if %cond3A_32 {
        %broadcast_in_dim3A_52 = arith.constant 0.000000e+00 : f32
        %broadcast_in_dim3A_53 = vector.broadcast %broadcast_in_dim3A_52 : f32 to vector<2x128xf32>
        %swap3A_54 = arith.constant 0 : index
        %swap3A_55 = arith.constant 0 : index
        %swap3A_56 = vector.load %arg16[%swap3A_54, %swap3A_55] : memref<2x128xf32, #tpu.memory_space<vmem>>, vector<2x128xf32>
        tpu.vector_store %arg16[%swap3A_54, %swap3A_55], %broadcast_in_dim3A_53 {strides = array<i32>} : memref<2x128xf32, #tpu.memory_space<vmem>>, vector<2x128xf32>,
      } else {
      }
      %get3A_33 = arith.constant 0 : index
      %get3A_34 = arith.constant 0 : index
      %get3A_35 = vector.load %arg16[%get3A_33, %get3A_34] : memref<2x128xf32, #tpu.memory_space<vmem>>, vector<1x128xf32>
      %reduce_sum3A = arith.constant dense<0.000000e+00> : vector<128xf32>
      %reduce_sum3A_36 = vector.multi_reduction <add>, %add3A_23, %reduce_sum3A [0] : vector<2000x128xf32> to vector<128xf32>
      %broadcast_in_dim3A = vector.shape_cast %reduce_sum3A_36 : vector<128xf32> to vector<1x128xf32>
      %add3A_37 = arith.addf %get3A_35, %broadcast_in_dim3A : vector<1x128xf32>
      %swap3A_38 = arith.constant 0 : index
      %swap3A_39 = arith.constant 0 : index
      %swap3A_40 = vector.load %arg16[%swap3A_38, %swap3A_39] : memref<2x128xf32, #tpu.memory_space<vmem>>, vector<1x128xf32>
      tpu.vector_store %arg16[%swap3A_38, %swap3A_39], %add3A_37 {strides = array<i32>} : memref<2x128xf32, #tpu.memory_space<vmem>>, vector<1x128xf32>,
      %get3A_41 = arith.constant 1 : index
      %get3A_42 = arith.constant 0 : index
      %get3A_43 = vector.load %arg16[%get3A_41, %get3A_42] : memref<2x128xf32, #tpu.memory_space<vmem>>, vector<1x128xf32>
      %mul3A_44 = arith.mulf %add3A_23, %add3A_23 : vector<2000x128xf32>
      %reduce_sum3A_45 = arith.constant dense<0.000000e+00> : vector<128xf32>
      %reduce_sum3A_46 = vector.multi_reduction <add>, %mul3A_44, %reduce_sum3A_45 [0] : vector<2000x128xf32> to vector<128xf32>
      %broadcast_in_dim3A_47 = vector.shape_cast %reduce_sum3A_46 : vector<128xf32> to vector<1x128xf32>
      %add3A_48 = arith.addf %get3A_43, %broadcast_in_dim3A_47 : vector<1x128xf32>
      %swap3A_49 = arith.constant 1 : index
      %swap3A_50 = arith.constant 0 : index
      %swap3A_51 = vector.load %arg16[%swap3A_49, %swap3A_50] : memref<2x128xf32, #tpu.memory_space<vmem>>, vector<1x128xf32>
      tpu.vector_store %arg16[%swap3A_49, %swap3A_50], %add3A_48 {strides = array<i32>} : memref<2x128xf32, #tpu.memory_space<vmem>>, vector<1x128xf32>,
    } else {
    }
    %eq3A_2 = arith.constant 1 : i32
    %eq3A_3 = arith.cmpi eq, %arg0, %eq3A_2 : i32
    %convert_element_type3A_4 = arith.extui %eq3A_3 : i1 to i32
    %cond3A_5 = arith.constant 0 : i32
    %cond3A_6 = arith.cmpi ne, %convert_element_type3A_4, %cond3A_5 : i32
    scf.if %cond3A_6 {
      %get3A = arith.constant 0 : index
      %get3A_7 = arith.constant 0 : index
      %get3A_8 = vector.load %arg16[%get3A, %get3A_7] : memref<2x128xf32, #tpu.memory_space<vmem>>, vector<1x128xf32>
      %mul3A = arith.constant 9.99999974E-5 : f32
      %mul3A_9 = vector.broadcast %mul3A : f32 to vector<1x128xf32>
      %mul3A_10 = arith.mulf %get3A_8, %mul3A_9 : vector<1x128xf32>
      %get3A_11 = arith.constant 1 : index
      %get3A_12 = arith.constant 0 : index
      %get3A_13 = vector.load %arg16[%get3A_11, %get3A_12] : memref<2x128xf32, #tpu.memory_space<vmem>>, vector<1x128xf32>
      %mul3A_14 = arith.constant 9.99999974E-5 : f32
      %mul3A_15 = vector.broadcast %mul3A_14 : f32 to vector<1x128xf32>
      %mul3A_16 = arith.mulf %get3A_13, %mul3A_15 : vector<1x128xf32>
      %mul3A_17 = arith.mulf %mul3A_10, %mul3A_10 : vector<1x128xf32>
      %sub3A = arith.subf %mul3A_16, %mul3A_17 : vector<1x128xf32>
      %add3A = arith.constant 9.99999974E-6 : f32
      %add3A_18 = vector.broadcast %add3A : f32 to vector<1x128xf32>
      %add3A_19 = arith.addf %sub3A, %add3A_18 : vector<1x128xf32>
      %rsqrt3A = math.rsqrt %add3A_19 : vector<1x128xf32>
      %mul3A_20 = arith.constant 2000 : i32
      %mul3A_21 = arith.muli %arg1, %mul3A_20 : i32
      %get3A_22 = arith.index_cast %mul3A_21 : i32 to index
      %get3A_23 = arith.constant 0 : index
      %get3A_24 = vector.load %arg15[%get3A_22, %get3A_23] : memref<10000x128xf32, #tpu.memory_space<vmem>>, vector<2000x128xf32>
      %sub3A_25 = vector.broadcast %mul3A_10 : vector<1x128xf32> to vector<2000x128xf32>
      %sub3A_26 = arith.subf %get3A_24, %sub3A_25 : vector<2000x128xf32>
      %mul3A_27 = vector.broadcast %rsqrt3A : vector<1x128xf32> to vector<2000x128xf32>
      %mul3A_28 = arith.mulf %sub3A_26, %mul3A_27 : vector<2000x128xf32>
      %get3A_29 = arith.constant 0 : index
      %get3A_30 = arith.constant 0 : index
      %get3A_31 = vector.load %arg7[%get3A_29, %get3A_30] : memref<1x128xf32, #tpu.memory_space<vmem>>, vector<1x128xf32>
      %mul3A_32 = vector.broadcast %get3A_31 : vector<1x128xf32> to vector<2000x128xf32>
      %mul3A_33 = arith.mulf %mul3A_28, %mul3A_32 : vector<2000x128xf32>
      %get3A_34 = arith.constant 0 : index
      %get3A_35 = arith.constant 0 : index
      %get3A_36 = vector.load %arg8[%get3A_34, %get3A_35] : memref<1x128xf32, #tpu.memory_space<vmem>>, vector<1x128xf32>
      %add3A_37 = vector.broadcast %get3A_36 : vector<1x128xf32> to vector<2000x128xf32>
      %add3A_38 = arith.addf %mul3A_33, %add3A_37 : vector<2000x128xf32>
      %max3A = arith.constant 0.000000e+00 : f32
      %max3A_39 = vector.broadcast %max3A : f32 to vector<2000x128xf32>
      %max3A_40 = arith.maximumf %add3A_38, %max3A_39 : vector<2000x128xf32>
      %get3A_41 = arith.constant 0 : index
      %get3A_42 = arith.constant 0 : index
      %get3A_43 = vector.load %arg9[%get3A_41, %get3A_42] : memref<2000x128xf32, #tpu.memory_space<vmem>>, vector<2000x128xf32>
      %add3A_44 = arith.addf %max3A_40, %get3A_43 : vector<2000x128xf32>
      %eq3A_45 = arith.constant 0 : i32
      %eq3A_46 = arith.cmpi eq, %arg1, %eq3A_45 : i32
      %convert_element_type3A_47 = arith.extui %eq3A_46 : i1 to i32
      %cond3A_48 = arith.constant 0 : i32
      %cond3A_49 = arith.cmpi ne, %convert_element_type3A_47, %cond3A_48 : i32
      scf.if %cond3A_49 {
        %broadcast_in_dim3A_62 = arith.constant 0.000000e+00 : f32
        %broadcast_in_dim3A_63 = vector.broadcast %broadcast_in_dim3A_62 : f32 to vector<1x128xf32>
        %swap3A_64 = arith.constant 0 : index
        %swap3A_65 = arith.constant 0 : index
        %swap3A_66 = vector.load %arg17[%swap3A_64, %swap3A_65] : memref<1x128xf32, #tpu.memory_space<vmem>>, vector<1x128xf32>
        tpu.vector_store %arg17[%swap3A_64, %swap3A_65], %broadcast_in_dim3A_63 {strides = array<i32>} : memref<1x128xf32, #tpu.memory_space<vmem>>, vector<1x128xf32>,
      } else {
      }
      %get3A_50 = arith.constant 0 : index
      %get3A_51 = arith.constant 0 : index
      %get3A_52 = vector.load %arg17[%get3A_50, %get3A_51] : memref<1x128xf32, #tpu.memory_space<vmem>>, vector<1x128xf32>
      %reduce_sum3A = arith.constant dense<0.000000e+00> : vector<128xf32>
      %reduce_sum3A_53 = vector.multi_reduction <add>, %add3A_44, %reduce_sum3A [0] : vector<2000x128xf32> to vector<128xf32>
      %broadcast_in_dim3A = vector.shape_cast %reduce_sum3A_53 : vector<128xf32> to vector<1x128xf32>
      %add3A_54 = arith.addf %get3A_52, %broadcast_in_dim3A : vector<1x128xf32>
      %swap3A = arith.constant 0 : index
      %swap3A_55 = arith.constant 0 : index
      %swap3A_56 = vector.load %arg17[%swap3A, %swap3A_55] : memref<1x128xf32, #tpu.memory_space<vmem>>, vector<1x128xf32>
      tpu.vector_store %arg17[%swap3A, %swap3A_55], %add3A_54 {strides = array<i32>} : memref<1x128xf32, #tpu.memory_space<vmem>>, vector<1x128xf32>,
      %eq3A_57 = arith.constant 4 : i32
      %eq3A_58 = arith.cmpi eq, %arg1, %eq3A_57 : i32
      %convert_element_type3A_59 = arith.extui %eq3A_58 : i1 to i32
      %cond3A_60 = arith.constant 0 : i32
      %cond3A_61 = arith.cmpi ne, %convert_element_type3A_59, %cond3A_60 : i32
      scf.if %cond3A_61 {
        %get3A_62 = arith.constant 0 : index
        %get3A_63 = arith.constant 0 : index
        %get3A_64 = vector.load %arg17[%get3A_62, %get3A_63] : memref<1x128xf32, #tpu.memory_space<vmem>>, vector<1x128xf32>
        %mul3A_65 = arith.constant 9.99999974E-5 : f32
        %mul3A_66 = vector.broadcast %mul3A_65 : f32 to vector<1x128xf32>
        %mul3A_67 = arith.mulf %get3A_64, %mul3A_66 : vector<1x128xf32>
        %get3A_68 = arith.constant 0 : index
        %get3A_69 = arith.constant 0 : index
        %get3A_70 = vector.load %arg10[%get3A_68, %get3A_69] : memref<128x128xf32, #tpu.memory_space<vmem>>, vector<128x128xf32>
        %dot_general3A = arith.constant dense<0.000000e+00> : vector<1x128xf32>
        %dot_general3A_71 = tpu.matmul %mul3A_67, %get3A_70, %dot_general3A {dimension_numbers = #tpu.dot_dimension_numbers<[1], [0], [0], [1], [0, 0, 1, 1], [], []>, transpose_lhs_hint = false} : vector<1x128xf32>, vector<128x128xf32>, vector<1x128xf32> -> vector<1x128xf32>
        %get3A_72 = arith.constant 0 : index
        %get3A_73 = arith.constant 0 : index
        %get3A_74 = vector.load %arg11[%get3A_72, %get3A_73] : memref<1x128xf32, #tpu.memory_space<vmem>>, vector<1x128xf32>
        %add3A_75 = arith.addf %dot_general3A_71, %get3A_74 : vector<1x128xf32>
        %max3A_76 = arith.constant 0.000000e+00 : f32
        %max3A_77 = vector.broadcast %max3A_76 : f32 to vector<1x128xf32>
        %max3A_78 = arith.maximumf %add3A_75, %max3A_77 : vector<1x128xf32>
        %get3A_79 = arith.constant 0 : index
        %get3A_80 = arith.constant 0 : index
        %get3A_81 = vector.load %arg12[%get3A_79, %get3A_80] : memref<128x10xf32, #tpu.memory_space<vmem>>, vector<128x10xf32>
        %dot_general3A_82 = arith.constant dense<0.000000e+00> : vector<1x10xf32>
        %dot_general3A_83 = tpu.matmul %max3A_78, %get3A_81, %dot_general3A_82 {dimension_numbers = #tpu.dot_dimension_numbers<[1], [0], [0], [1], [0, 0, 1, 1], [], []>, transpose_lhs_hint = false} : vector<1x128xf32>, vector<128x10xf32>, vector<1x10xf32> -> vector<1x10xf32>
        %get3A_84 = arith.constant 0 : index
        %get3A_85 = arith.constant 0 : index
        %get3A_86 = vector.load %arg13[%get3A_84, %get3A_85] : memref<1x10xf32, #tpu.memory_space<vmem>>, vector<1x10xf32>
        %add3A_87 = arith.addf %dot_general3A_83, %get3A_86 : vector<1x10xf32>
        %swap3A_88 = arith.constant 0 : index
        %swap3A_89 = arith.constant 0 : index
        %swap3A_90 = vector.load %arg14[%swap3A_88, %swap3A_89] : memref<1x10xf32, #tpu.memory_space<vmem>>, vector<1x10xf32>
        tpu.vector_store %arg14[%swap3A_88, %swap3A_89], %add3A_87 {strides = array<i32>} : memref<1x10xf32, #tpu.memory_space<vmem>>, vector<1x10xf32>,
      } else {
      }
    } else {
    }
    return
  }
  func.func @transform_0(%arg0: i32, %arg1: i32) -> (i32, i32) {
    %sub3A = arith.constant 1 : i32
    %sub3A_0 = arith.subi %sub3A, %arg0 : i32
    %mul3A = arith.muli %sub3A_0, %arg1 : i32
    %c0_i32 = arith.constant 0 : i32
    %c0_i32_1 = arith.constant 0 : i32
    return %mul3A, %c0_i32 : i32, i32
  }
  func.func @transform_1(%arg0: i32, %arg1: i32) -> (i32, i32) {
    %sub3A = arith.constant 1 : i32
    %sub3A_0 = arith.subi %sub3A, %arg0 : i32
    %mul3A = arith.muli %sub3A_0, %arg1 : i32
    %c0_i32 = arith.constant 0 : i32
    %c0_i32_1 = arith.constant 0 : i32
    return %mul3A, %c0_i32 : i32, i32
  }
  func.func @transform_2(%arg0: i32, %arg1: i32) -> (i32, i32) {
    %sub3A = arith.constant 1 : i32
    %sub3A_0 = arith.subi %sub3A, %arg0 : i32
    %mul3A = arith.muli %sub3A_0, %arg1 : i32
    %c0_i32 = arith.constant 0 : i32
    %c0_i32_1 = arith.constant 0 : i32
    return %mul3A, %c0_i32 : i32, i32
  }
  func.func @transform_3(%arg0: i32, %arg1: i32) -> (i32, i32) {
    %sub3A = arith.constant 1 : i32
    %sub3A_0 = arith.subi %sub3A, %arg0 : i32
    %mul3A = arith.muli %sub3A_0, %arg1 : i32
    %c0_i32 = arith.constant 0 : i32
    %c0_i32_1 = arith.constant 0 : i32
    return %mul3A, %c0_i32 : i32, i32
  }
  func.func @transform_4(%arg0: i32, %arg1: i32) -> (i32, i32) {
    %c0_i32 = arith.constant 0 : i32
    %c0_i32_0 = arith.constant 0 : i32
    %c0_i32_1 = arith.constant 0 : i32
    return %c0_i32, %c0_i32_0 : i32, i32
  }
  func.func @transform_5(%arg0: i32, %arg1: i32) -> (i32, i32) {
    %c0_i32 = arith.constant 0 : i32
    %c0_i32_0 = arith.constant 0 : i32
    %c0_i32_1 = arith.constant 0 : i32
    return %c0_i32, %c0_i32_0 : i32, i32
  }
  func.func @transform_6(%arg0: i32, %arg1: i32) -> (i32, i32) {
    %c0_i32 = arith.constant 0 : i32
    %c0_i32_0 = arith.constant 0 : i32
    %c0_i32_1 = arith.constant 0 : i32
    return %c0_i32, %c0_i32_0 : i32, i32
  }
  func.func @transform_7(%arg0: i32, %arg1: i32) -> (i32, i32) {
    %mul3A = arith.muli %arg0, %arg1 : i32
    %c0_i32 = arith.constant 0 : i32
    %c0_i32_0 = arith.constant 0 : i32
    return %mul3A, %c0_i32 : i32, i32
  }
  func.func @transform_8(%arg0: i32, %arg1: i32) -> (i32, i32) {
    %c0_i32 = arith.constant 0 : i32
    %c0_i32_0 = arith.constant 0 : i32
    %c0_i32_1 = arith.constant 0 : i32
    return %c0_i32, %c0_i32_0 : i32, i32
  }
  func.func @transform_9(%arg0: i32, %arg1: i32) -> (i32, i32) {
    %c0_i32 = arith.constant 0 : i32
    %c0_i32_0 = arith.constant 0 : i32
    %c0_i32_1 = arith.constant 0 : i32
    return %c0_i32, %c0_i32_0 : i32, i32
  }
  func.func @transform_10(%arg0: i32, %arg1: i32) -> (i32, i32) {
    %c0_i32 = arith.constant 0 : i32
    %c0_i32_0 = arith.constant 0 : i32
    %c0_i32_1 = arith.constant 0 : i32
    return %c0_i32, %c0_i32_0 : i32, i32
  }
  func.func @transform_11(%arg0: i32, %arg1: i32) -> (i32, i32) {
    %c0_i32 = arith.constant 0 : i32
    %c0_i32_0 = arith.constant 0 : i32
    %c0_i32_1 = arith.constant 0 : i32
    return %c0_i32, %c0_i32_0 : i32, i32
  }
  func.func @transform_12(%arg0: i32, %arg1: i32) -> (i32, i32) {
    %c0_i32 = arith.constant 0 : i32
    %c0_i32_0 = arith.constant 0 : i32
    %c0_i32_1 = arith.constant 0 : i32
    return %c0_i32, %c0_i32_0 : i32, i32
  }
}

</mosaic_0001>

<sc_bundles>
// kernel: kernel.12.cloned.1.call-start
scs
__scs_entry_jumppad:
0x0: {  	(pc) =	sbr.rel $0x88, $3  }
0x1: {  	(tag) =	ssettag $0x0;
	lr =	simm.s32 $0x1  }
0x2: {  	[smem:$0x3F88] =	sst lr;
	_ =	strace $0xD0000000  }
0x3: {  	_ = 	snop  }
0x4: {  	_ = 	snop  }
0x5: {  	_ = 	snop  }
0x6: {  	_ = 	snop  }
0x7: {  	_ = 	snop  }
__scs_overlays_trampoline_lowered:
0x8: {  	[smem:$0x3F97] =	sst s0  }
0x9: {  	[smem:$0x3F98] =	sst s1  }
0xa: {  	[smem:$0x3F99] =	sst s2  }
0xb: {  	[smem:$0x3F9A] =	sst s3  }
0xc: {  	[smem:$0x3F9B] =	sst s4  }
0xd: {  	[smem:$0x3F9C] =	sst s5  }
0xe: {  	[smem:$0x3F9D] =	sst s6  }
0xf: {  	[smem:$0x3F9E] =	sst s7  }
0x10: {  	[smem:$0x3F9F] =	sst s8  }
0x11: {  	[smem:$0x3FA0] =	sst s9;
	s0 =	simm.s32 @!p0 $0x0  }
0x12: {  	s1 =	sld [smem:$0x3F86];
	s0 =	simm.s32 @p0 $0x1  }
0x13: {  	[smem:$0x3FA1] =	sst s0;
	s0 =	simm.s32 @!p1 $0x0  }
0x14: {  	s2 =	sld [smem:$0x3F85];
	s0 =	simm.s32 @p1 $0x1  }
0x15: {  	[smem:$0x3FA2] =	sst s0;
	s0 =	simm.s32 @!p2 $0x0  }
0x16: {  	s3 =	sld [smem:$0x3FDB];
	s0 =	simm.s32 @p2 $0x1  }
0x17: {  	s4 =	simm.s32 $0x1BF5;
	[smem:$0x3FA4] =	sst s0  }
0x18: {  	s0 =	sld [smem:$0x3F87];
	_ =	swait.ge [sflag:s4], $0x0  }
0x19: {  	s7 =	sld [smem:$0x3F88]  }
0x1a: {  	s8 =	sadd.s32 $0xFFFFE003, lr  }
0x1b: {  	s9 =	sadd.s32 $0xFFFFFEF7, lr;
	s5 =	simm.s32 $0xFFFFFFFF;
	p2 =	slt.u32 s8, $0xFFFFF086  }
0x1c: {  	p1 =	slt.u32 s9, $0xF7A;
	s5 =	simm.s32 @!p2 $0x0  }
0x1d: {  	s5 =	simm.s32 @p1 $0x1;
	p0 =	seq.s32 s7, s2  }
0x1e: {  	s7 =	smul.u32 @!p0 $0xF7A, s2;
	p2 =	seq.s32 @!p0 s5, $0x0  }
0x1f: {  	s9 =	smul.u32 $0xF7A, s1;
	s8 =	simm.s32 @!p0 $0x1BF5;
	p2 =	por !p2, p0  }
0x20: {  	[sflag:s8] =	ssyncset.s32 @!p0 $0xFFFFF086;
	s6 =	sadd.s32 @!p0 s3, s7;
	s7 =	simm.s32 @!p0 $0x108  }
0x21: {  	s3 =	sadd.s32 s3, s9;
	s6 =	sadd.s32 @!p0 $0x88, s6;
	s7 =	simm.s32 @p2 $0x1082  }
0x22: {  	[simem:s7], [sflag:s8] =	dma.local @!p0 [hbm:s6], $0xF7A  }
0x23: {  	s9 =	sor.u32 $0xD0000000, s2;
	s6 =	simm.s32 $0x108;
	_ =	swait.ge @!p0 [sflag:s8], $0x0  }
0x24: {  	s3 =	sadd.s32 $0x88, s3;
	s6 =	simm.s32 @!p1 $0x1082;
	[sflag:s4] =	ssyncset.s32 $0xFFFFF086  }
0x25: {  	[simem:s6], [sflag:s4] =	dma.local [hbm:s3], $0xF7A  }
0x26: {  	[smem:$0x3F88] =	sst s1;
	(tag) =	ssettag s2;
	_ =	strace s9  }
0x27: {  	s1 =	sld [smem:$0x3F98]  }
0x28: {  	s2 =	sld [smem:$0x3F99]  }
0x29: {  	s4 =	sld [smem:$0x3F9B]  }
0x2a: {  	p0 =	seq.s32 s5, $0x0;
	s5 =	sld [smem:$0x3F9C]  }
0x2b: {  	s6 =	sld [smem:$0x3F9D]  }
0x2c: {  	s7 =	sld [smem:$0x3F9E]  }
0x2d: {  	s3 =	simm.s32 $0x108;
	s8 =	sld [smem:$0x3F9F]  }
0x2e: {  	s3 =	simm.s32 @!p0 $0x1082;
	s9 =	sld [smem:$0x3FA0]  }
0x2f: {  	lr =	sadd.s32 s0, s3;
	s0 =	sld [smem:$0x3F97]  }
0x30: {  	s3 =	sld [smem:$0x3F9A]  }
0x31: {  	[smem:$0x3FA3] =	sst s10  }
0x32: {  	s10 =	sld [smem:$0x3FA1];
	_ =	sdelay $0x3  }
0x33: {  	p0 =	seq.s32 s10, $0x1;
	s10 =	sld [smem:$0x3FA3];
	_ =	sdelay $0x3  }
0x34: {  	[smem:$0x3FA3] =	sst s10  }
0x35: {  	s10 =	sld [smem:$0x3FA2];
	_ =	sdelay $0x3  }
0x36: {  	p1 =	seq.s32 s10, $0x1;
	s10 =	sld [smem:$0x3FA3];
	_ =	sdelay $0x3  }
0x37: {  	[smem:$0x3FA3] =	sst s10  }
0x38: {  	s10 =	sld [smem:$0x3FA4]  }
0x39: {  	_ = 	snop;
	(pc) =	sbr.ind lr, $3  }
0x3a: {  	_ = 	snop  }
0x3b: {  	_ = 	snop  }
0x3c: {  	p2 =	seq.s32 s10, $0x1;
	s10 =	sld [smem:$0x3FA3]  }
0x3d: {  	_ =	shalt  }
0x3e: {  	_ =	shalt  }
0x3f: {  	_ =	shalt  }
0x40: {  	_ =	shalt  }
0x41: {  	_ =	shalt  }
0x42: {  	_ =	shalt  }
0x43: {  	_ =	shalt  }
0x44: {  	_ =	shalt  }
0x45: {  	_ =	shalt  }
0x46: {  	_ =	shalt  }
0x47: {  	_ =	shalt  }
0x48: {  	_ =	shalt  }
0x49: {  	_ =	shalt  }
0x4a: {  	_ =	shalt  }
0x4b: {  	_ =	shalt  }
0x4c: {  	_ =	shalt  }
0x4d: {  	_ =	shalt  }
0x4e: {  	_ =	shalt  }
0x4f: {  	_ =	shalt  }
0x50: {  	_ =	shalt  }
0x51: {  	_ =	shalt  }
0x52: {  	_ =	shalt  }
0x53: {  	_ =	shalt  }
0x54: {  	_ =	shalt  }
0x55: {  	_ =	shalt  }
0x56: {  	_ =	shalt  }
0x57: {  	_ =	shalt  }
0x58: {  	_ =	shalt  }
0x59: {  	_ =	shalt  }
0x5a: {  	_ =	shalt  }
0x5b: {  	_ =	shalt  }
0x5c: {  	_ =	shalt  }
0x5d: {  	_ =	shalt  }
0x5e: {  	_ =	shalt  }
0x5f: {  	_ =	shalt  }
0x60: {  	_ =	shalt  }
0x61: {  	_ =	shalt  }
0x62: {  	_ =	shalt  }
0x63: {  	_ =	shalt  }
0x64: {  	_ =	shalt  }
0x65: {  	_ =	shalt  }
0x66: {  	_ =	shalt  }
0x67: {  	_ =	shalt  }
0x68: {  	_ =	shalt  }
0x69: {  	_ =	shalt  }
0x6a: {  	_ =	shalt  }
0x6b: {  	_ =	shalt  }
0x6c: {  	_ =	shalt  }
0x6d: {  	_ =	shalt  }
0x6e: {  	_ =	shalt  }
0x6f: {  	_ =	shalt  }
0x70: {  	_ =	shalt  }
0x71: {  	_ =	shalt  }
0x72: {  	_ =	shalt  }
0x73: {  	_ =	shalt  }
0x74: {  	_ =	shalt  }
0x75: {  	_ =	shalt  }
0x76: {  	_ =	shalt  }
0x77: {  	_ =	shalt  }
0x78: {  	_ =	shalt  }
0x79: {  	_ =	shalt  }
0x7a: {  	_ =	shalt  }
0x7b: {  	_ =	shalt  }
0x7c: {  	_ =	shalt  }
0x7d: {  	_ =	shalt  }
0x7e: {  	_ =	shalt  }
0x7f: {  	_ =	shalt  }
0x80: {  	_ =	shalt  }
0x81: {  	_ =	shalt  }
0x82: {  	_ =	shalt  }
0x83: {  	_ =	shalt  }
0x84: {  	_ =	shalt  }
0x85: {  	_ =	shalt  }
0x86: {  	_ =	shalt  }
0x87: {  	_ =	shalt  }
.Lfunc_end0:
.L_simem_size_0:
called_computation_lowered:
.L_overlay_start_0:
0x88: {  	s2 =	sld [smem:$0x3FD9]  }
0x89: {  	s3 =	sld [smem:$0x3FFE];
	_ =	sdelay $0x1  }
0x8a: {  	s1 =	srdreg.scid  }
0x8b: {  	s0 =	sand.u32 $0x1, s1  }
0x8c: {  	s17 =	sshll.u32 s0, $0xA;
	s2 =	sadd.s32 s3, s2  }
0x8d: {  	s2 =	sadd.s32 s2, s17  }
0x8e: {  	[smem:$0x3FAF] =	sst s2  }
0x8f: {  	_ = 	snop  }
0x90: {  	s2 =	sld [smem:$0x3FD0];
	(tm) =	ssettm $0x1  }
0x91: {  	s18 =	sld [smem:$0x3FFB];
	_ =	sdelay $0x3  }
0x92: {  	_ =	strace s18  }
0x93: {  	s3 =	sld [smem:$0x3FFC];
	_ =	sdelay $0x3  }
0x94: {  	_ =	strace s3  }
0x95: {  	s3 =	sld [smem:$0x3FFD];
	_ =	sdelay $0x3  }
0x96: {  	_ =	strace s3  }
0x97: {  	_ =	strace $0x8FFFFFFF  }
0x98: {  	s19 =	sld [smem:$0x3FDB];
	_ =	sdelay $0x1  }
0x99: {  	s4 =	simm.s32 $_scs_section_size  }
0x9a: {  	s5 =	simm.s32 $_size__tile_overlayer_lowered;
	s6 =	simm.s32 $_tile_overlayer_lowered  }
0x9b: {  	s22 =	simm.s32 $0x1BFF;
	s21 =	sshll.u32 s6, $0x1;
	s3 =	sadd.s32 s4, s19  }
0x9c: {  	s7 =	simm.s32 $0x0;
	s20 =	sshll.u32 s5, $0x1;
	s5 =	sadd.s32 s21, s3  }
0x9d: {  	[timem:s7], [sflag:s22] =	dma.local [hbm:s5], s20  }
0x9e: {  	_ =	swait.ge [sflag:s22], s20  }
0x9f: {  	s4 =	ssub.s32 $0x0, s20;
	[sflag:s22] =	ssyncset.done $0x0  }
0xa0: {  	[sflag:s22] =	ssyncadd.s32 s4;
	_ =	sdelay $0x1  }
0xa1: {  	s23 =	simm.s32 $0x1B8B  }
0xa2: {  	_ =	swait.ge [sflag:s23], $0x1  }
0xa3: {  	[sflag:s23] =	ssyncset.done $0x0  }
0xa4: {  	s25 =	simm.s32 $0x1B8E;
	s24 =	sld [smem:$0x3FFE];
	[sflag:s23] =	ssyncadd.s32 $0xFFFFFFFF  }
0xa5: {  	s26 =	simm.s32 $execute0_lowered;
	[smem:$0x3FD2] =	sst s25  }
0xa6: {  	s5 =	sshll.u32 s26, $0x1;
	_ =	strace $0x80000046;
	[dreg:$0x1] =	wrdreg $0xFFFFFFFF  }
0xa7: {  	s28 =	simm.s32 $_size_execute0_lowered;
	s3 =	sadd.s32 s3, s5;
	[dreg:$0x0] =	wrdreg $0x0  }
0xa8: {  	s5 =	sshll.u32 s28, $0x1;
	[dreg:$0x2] =	wrdreg s3  }
0xa9: {  	[dreg:$0x3] =	wrdreg s5  }
0xaa: {  	[dreg:$0x4] =	wrdreg $0xC0  }
0xab: {  	_ =	task [dreg:s7], $0x5FFFF  }
0xac: {  	[dreg:$0x1] =	wrdreg $0xFFFFFFFF  }
0xad: {  	[dreg:$0x0] =	wrdreg $0x60  }
0xae: {  	[dreg:$0x2] =	wrdreg s24  }
0xaf: {  	[dreg:$0x3] =	wrdreg s2  }
0xb0: {  	[dreg:$0x4] =	wrdreg $0x78000  }
0xb1: {  	[dreg:$0x5] =	wrdreg $0x7A800  }
0xb2: {  	[dreg:$0x6] =	wrdreg $0x9  }
0xb3: {  	_ =	task.clear_ibuf [dreg:s7], $0x7FFFF;
	_ =	strace $0x90000046  }
0xb4: {  	s29 =	simm.s32 $0x9;
	_ =	strace $0x80000048  }
0xb5: {  	_ =	swait.ge [sflag:s29], $0x1  }
0xb6: {  	[sflag:s29] =	ssyncadd.s32 $0xFFFFFFFF  }
0xb7: {  	_ =	strace $0x90000048  }
0xb8: {  	_ =	sfence  }
0xb9: {  	s30 =	sld [smem:$0x0];
	_ =	sdelay $0x2  }
0xba: {  	s31 =	sshll.u32 s1, $0xD;
	s1 =	sshrl.u32 s1, $0x2  }
0xbb: {  	s3 =	sand.u32 $0x4000, s31;
	s1 =	sadd.s32 s1, s30  }
0xbc: {  	s0 =	sor.u32 s3, s0;
	s1 =	sshll.u32 s1, $0x11  }
0xbd: {  	s0 =	sor.u32 s1, s0  }
0xbe: {  	s0 =	sadd.s32 $0x8F2B, s0  }
0xbf: {  	[sflag:s0] =	ssyncadd.remote.s32 $0x1  }
0xc0: {  	_ =	sfence.sel $0xFFFF  }
0xc1: {  	[dreg:$0x0] =	wrdreg $0xFFFFFFFF;
	(pc) =	sbr.abs _section_cstart, $3  }
0xc2: {  	[dreg:$0x1] =	wrdreg $0xFFFFFFFF  }
0xc3: {  	_ =	task.clear_ibuf [dreg:s7], $0x2FFFF;
	_ =	strace $0x9FFFFFFF  }
0xc4: {  	(tm) =	ssettm $0x7FFFFFFF  }
0xc5: {  	_ =	shalt  }
tec
execute0_lowered:
.L_overlay_start_1:
0x0: {  	(tag) =	ssettag $0x1  }
0x1: {  	s6 =	rddreg [dreg:$0x0]  }
0x2: {  	s0 =	rddreg [dreg:$0x1]  }
0x3: {  	s1 =	rddreg [dreg:$0x2]  }
0x4: {  	s2 =	rddreg [dreg:$0x3];
	s3 =	srdreg.scid  }
0x5: {  	s20 =	stileid.u32;
	s15 =	simm.s32 $0x80;
	s16 =	simm.s32 $0x400  }
0x6: {  	s17 =	simm.s32 $0x2780;
	s18 =	simm.s32 $0x4F80;
	s19 =	simm.s32 $0x50  }
0x7: {  	s21 =	simm.s32 $0x1C41;
	s22 =	simm.s32 $0x1C01;
	s23 =	simm.s32 $0x0  }
0x8: {  	s7 =	sand.u32 $0x1, s3;
	s24 =	sshrl.u32 s20, $0x2;
	s4 =	sshll.u32 s20, $0x8  }
0x9: {  	s3 =	rddreg [dreg:$0x4];
	s11 =	sadd.s32 $0x42C00, s6;
	p0 =	sne.s32 s20, $0x0  }
0xa: {  	p1 =	seq.s32 s20, $0x1;
	s20 =	sshrl.u32 s2, $0x3;
	s5 =	smul.u32 $0x13C00, s24  }
0xb: {  	s8 =	sshll.u32 s7, $0x7;
	s9 =	sand.u32 $0x300, s4;
	s10 =	smul.u32 $0x5000, s7  }
0xc: {  	s4 =	simm.s32 $0x0;
	s26 =	ssub.s32 $0x2, s7;
	s30 =	smul.u32 $0xA00, s7  }
0xd: {  	s13 =	sshrl.u32 @!p0 s1, $0x3;
	s14 =	sshrl.u32 @!p0 s2, $0x3;
	s8 =	sor.u32 s8, s9  }
0xe: {  	[smem:$0x7FF] =	sst s4;
	s28 =	sshrl.u32 s26, $0x1;
	s5 =	sor.u32 s5, s8  }
.Ltmp0:
0xf: {  	_ =	strace $0x80000047;
	s12 =	ssub.s32 s26, s28;
	(pc) =	sbr.rel .LBB2_1-.Ltmp0, $4  }
0x10: {  	s29 =	sshrl.u32 s10, $0x3;
	s9 =	sadd.s32 s11, s30;
	s5 =	sshrl.u32 s5, $0x3  }
0x11: {  	s31 =	sadd.s32 s11, s29;
	s10 =	smax.u32 s12, $0x1;
	s11 =	simm.s32 $0x7780  }
0x12: {  	s12 =	simm.s32 $0x1;
	s25 =	sadd.s32 s5, s6;
	s5 =	sadd.s32 $0x1AC00, s6  }
0x13: {  	v0 =	vimm.f32 $0.0e+00;
	v1 =	vimm.f32 $1.000000000e+00;
	s8 =	sadd.s32 $0x500, s31;
	s6 =	sadd.s32 $0x7000, s25;
	s7 =	sadd.s32 $0x10E00, s25  }
.LBB2_10:
0x14: {  	[hbm:s8], [sflag:s21] =	dma.local [spmem:s20], $0x500  }
.LBB2_11:
0x15: {  	_ =	swait.ge [sflag:s12], $0x500  }
0x16: {  	[sflag:s12] =	ssyncset.done $0x0  }
0x17: {  	[sflag:s12] =	ssyncadd.s32 $0xFFFFFB00  }
.LBB2_12:
0x18: {  	s23 =	sadd.s32 $0x1, s23  }
0x19: {  	p2 =	sne.s32 s23, s10  }
.Ltmp1:
0x1a: {  	_ = 	snop;
	(pc) =	sbr.rel @!p2 .LBB2_13-.Ltmp1, $1  }
0x1b: {  	_ =	sdelay $0x3  }
.LBB2_1:
0x1c: {  	[tilespmem:s11], [sflag:$0x1] =	stream.linear.gather [hbm4b:s0+s4], $0x80, $0x38;
	[tilespmem:$0x7D00] =	vst v63  }
0x1d: {  	_ =	swait.ge [sflag:s12], $0x80  }
0x1e: {  	[sflag:s12] =	ssyncset.done $0x0  }
0x1f: {  	s24 =	simm.s32 @!p0 $0x1C01;
	s25 =	simm.s32 @!p0 $0x1;
	[sflag:s12] =	ssyncadd.s32 $0xFFFFFF80  }
0x20: {  	[spmem:s13], [sflag:s24] =	dma.local @!p0 [hbm:s5], $0x500  }
0x21: {  	_ =	swait.ge @!p0 [sflag:s25], $0x500  }
0x22: {  	[sflag:s25] =	ssyncset.done @!p0 $0x0  }
0x23: {  	[sflag:s25] =	ssyncadd.s32 @!p0 $0xFFFFFB00  }
0x24: {  	[spmem:s14], [sflag:s24] =	dma.local @!p0 [hbm:s5], $0x500  }
0x25: {  	_ =	swait.ge @!p0 [sflag:s25], $0x500  }
0x26: {  	[sflag:s25] =	ssyncset.done @!p0 $0x0  }
0x27: {  	s24 =	simm.s32 $0x0;
	[sflag:s25] =	ssyncadd.s32 @!p0 $0xFFFFFB00;
	s25 =	simm.s32 $0x200  }
.LBB2_2:
0x28: {  	p2 =	sne.s32 s25, $0x9E00;
	[tilespmem:s24+$0x4FF0] =	vst v0  }
0x29: {  	[tilespmem:s24+$0x2780] =	vst v0  }
0x2a: {  	[tilespmem:s24+$0x4F80] =	vst v0  }
0x2b: {  	[tilespmem:s24+$0x2790] =	vst v0  }
0x2c: {  	[tilespmem:s24+$0x4F90] =	vst v0  }
0x2d: {  	[tilespmem:s24+$0x27A0] =	vst v0  }
0x2e: {  	[tilespmem:s24+$0x4FA0] =	vst v0  }
0x2f: {  	[tilespmem:s24+$0x27B0] =	vst v0  }
0x30: {  	[tilespmem:s24+$0x4FB0] =	vst v0  }
0x31: {  	[tilespmem:s24+$0x27C0] =	vst v0  }
0x32: {  	[tilespmem:s24+$0x4FC0] =	vst v0  }
.Ltmp2:
0x33: {  	[tilespmem:s24+$0x27D0] =	vst v0;
	(pc) =	sbr.rel @p2 .LBB2_2-.Ltmp2, $4  }
0x34: {  	[tilespmem:s24+$0x4FD0] =	vst v0  }
0x35: {  	[tilespmem:s24+$0x27E0] =	vst v0  }
0x36: {  	[tilespmem:s24+$0x4FE0] =	vst v0  }
0x37: {  	[tilespmem:s24+$0x27F0] =	vst v0;
	s24 =	sshra.s32 s25, $0x2;
	s25 =	sadd.s32 $0x200, s25  }
0x38: {  	[tilespmem:s24+$0x4FF0] =	vst v0  }
0x39: {  	[tilespmem:s24+$0x2780] =	vst v0  }
0x3a: {  	[tilespmem:s24+$0x4F80] =	vst v0  }
0x3b: {  	[tilespmem:s24+$0x2790] =	vst v0  }
0x3c: {  	[tilespmem:s24+$0x4F90] =	vst v0  }
0x3d: {  	[tilespmem:s24+$0x27A0] =	vst v0  }
0x3e: {  	[tilespmem:s24+$0x4FA0] =	vst v0  }
0x3f: {  	[tilespmem:s24+$0x27B0] =	vst v0  }
0x40: {  	[tilespmem:s24+$0x4FB0] =	vst v0  }
0x41: {  	[tilespmem:s24+$0x27C0] =	vst v0  }
0x42: {  	[tilespmem:s24+$0x4FC0] =	vst v0  }
0x43: {  	[tilespmem:s24+$0x27D0] =	vst v0  }
0x44: {  	[tilespmem:s24+$0x4FD0] =	vst v0  }
0x45: {  	[tilespmem:s24+$0x27E0] =	vst v0  }
0x46: {  	[tilespmem:s24+$0x4FE0] =	vst v0  }
0x47: {  	[tilespmem:s24+$0x27F0] =	vst v0;
	s31 =	simm.s32 $0x0  }
0x48: {  	[tilespmem:s31], [sflag:$0x1] =	stream.strided.gather [hbm4b:s6+s15], $0x2780, s16, s15, $0x38;
	[tilespmem:$0x7D00] =	vst v63  }
0x49: {  	_ =	swait.ge [sflag:s12], $0x2780  }
0x4a: {  	[sflag:s12] =	ssyncset.done $0x0  }
0x4b: {  	s25 =	simm.s32 $0x0;
	s24 =	simm.s32 $0x40;
	[sflag:s12] =	ssyncadd.s32 $0xFFFFD880  }
.LBB2_4:
0x4c: {  	p2 =	sne.s32 s24, $0x9C00;
	v2 =	vld [tilespmem:s25+$0x0];
	_ =	sdelay $0x3  }
.Ltmp3:
0x4d: {  	(pc) =	sbr.rel @p2 .LBB2_4-.Ltmp3, $2  }
0x4e: {  	_ =	sdelay $0x2  }
0x4f: {  	s25 =	sshra.s32 s24, $0x2;
	s24 =	sadd.s32 $0x40, s24;
	[tilespmem:v2+s17+$0x0] =	vst.idx.add.f32.msk $0xffff, v1  }
0x50: {  	v2 =	vld [tilespmem:s25+$0x0];
	_ =	sdelay $0x7  }
0x51: {  	s24 =	simm.s32 $0x0;
	[tilespmem:v2+s17+$0x0] =	vst.idx.add.f32.msk $0xffff, v1  }
0x52: {  	[tilespmem:s24], [sflag:$0x1] =	stream.strided.gather [hbm4b:s7+s15], $0x2780, s16, s15, $0x38;
	[tilespmem:$0x7D00] =	vst v63  }
0x53: {  	_ =	swait.ge [sflag:s12], $0x2780  }
0x54: {  	[sflag:s12] =	ssyncset.done $0x0  }
0x55: {  	s25 =	simm.s32 $0x0;
	s24 =	simm.s32 $0x40;
	[sflag:s12] =	ssyncadd.s32 $0xFFFFD880  }
.LBB2_6:
0x56: {  	p2 =	sne.s32 s24, $0x9C00;
	v2 =	vld [tilespmem:s25+$0x0];
	_ =	sdelay $0x3  }
.Ltmp4:
0x57: {  	(pc) =	sbr.rel @p2 .LBB2_6-.Ltmp4, $2  }
0x58: {  	_ =	sdelay $0x2  }
0x59: {  	s25 =	sshra.s32 s24, $0x2;
	s24 =	sadd.s32 $0x40, s24;
	[tilespmem:v2+s18+$0x0] =	vst.idx.add.f32.msk $0xffff, v1  }
0x5a: {  	v2 =	vld [tilespmem:s25+$0x0];
	_ =	sdelay $0x7  }
0x5b: {  	[tilespmem:v2+s18+$0x0] =	vst.idx.add.f32.msk $0xffff, v1  }
0x5c: {  	[bflag:$0x0] =	sbarrier.arrive $0xFFFF  }
0x5d: {  	[spmem:s1] =	stream.indirect.scatter.add.f32 [tilespmem:s17], [sflag:$0x1], $0x80, s11, s19, $0xb8;
	[tilespmem:$0x7D00] =	vst v63  }
0x5e: {  	_ =	swait.ge [sflag:s12], $0x2800  }
0x5f: {  	[sflag:s12] =	ssyncset.done $0x0  }
0x60: {  	[sflag:s12] =	ssyncadd.s32 $0xFFFFD800  }
0x61: {  	[spmem:s2] =	stream.indirect.scatter.add.f32 [tilespmem:s18], [sflag:$0x1], $0x80, s11, s19, $0xb8;
	[tilespmem:$0x7D00] =	vst v63  }
.Ltmp5:
0x62: {  	_ =	swait.ge [sflag:s12], $0x2800;
	(pc) =	sbr.rel @p1 .LBB2_10-.Ltmp5, $3  }
0x63: {  	[sflag:s12] =	ssyncset.done $0x0  }
0x64: {  	[sflag:s12] =	ssyncadd.s32 $0xFFFFD800  }
0x65: {  	[bflag:$0x0] =	sbarrier.arrive $0xFFFF;
	_ =	sdelay $0x1  }
.Ltmp6:
0x66: {  	(pc) =	sbr.rel @p0 .LBB2_12-.Ltmp6, $1  }
0x67: {  	_ =	sdelay $0x3  }
.Ltmp7:
0x68: {  	(pc) =	sbr.rel .LBB2_11-.Ltmp7, $3  }
0x69: {  	_ =	sdelay $0x1  }
0x6a: {  	s24 =	sshrl.u32 s1, $0x3  }
0x6b: {  	[hbm:s9], [sflag:s22] =	dma.local [spmem:s24], $0x500  }
.LBB2_13:
0x6c: {  	_ =	sfence.sel $0x180000  }
0x6d: {  	[bflag:$0x0] =	sbarrier.arrive $0xFFFF  }
0x6e: {  	_ =	strace $0x90000047  }
0x6f: {  	s0 =	sadd.s32 @!p0 $0x100000, s3;
	[bflag:$0x2] =	sbarrier.arrive $0xFFFF  }
0x70: {  	[sflag:s0] =	ssyncadd.tile.s32 @!p0 $0x1;
	_ =	shalt  }
.Lfunc_end2:
_tile_overlayer_lowered:
.L_overlay_start_2:
0x71: {  	(tag) =	ssettag $0x2  }
0x72: {  	s0 =	rddreg [dreg:$0x0];
	s2 =	stileid.u32  }
0x73: {  	s1 =	rddreg [dreg:$0x1];
	p0 =	sne.s32 s2, $0x0  }
0x74: {  	s3 =	rddreg [dreg:$0x2];
	[bflag:$0x3] =	sbarrier.arrive $0xFFFF;
	s2 =	simm.s32 @!p0 $0x1C01  }
0x75: {  	[timem:s3], [sflag:s2] =	dma.local @!p0 [hbm:s0], s1  }
0x76: {  	s0 =	simm.s32 @!p0 $0x1  }
0x77: {  	_ =	swait.ge @!p0 [sflag:s0], s1  }
0x78: {  	s1 =	ssub.s32 @!p0 $0x0, s1;
	[sflag:s0] =	ssyncset.done @!p0 $0x0  }
0x79: {  	[sflag:s0] =	ssyncadd.s32 @!p0 s1  }
0x7a: {  	[bflag:$0x3] =	sbarrier.arrive $0xFFFF  }
0x7b: {  	_ =	shalt  }

// kernel: kernel.15.cloned.1.call-start
scs
__scs_entry_jumppad:
0x0: {  	(pc) =	sbr.rel $0x88, $3  }
0x1: {  	(tag) =	ssettag $0x0;
	lr =	simm.s32 $0x1  }
0x2: {  	[smem:$0x3F88] =	sst lr;
	_ =	strace $0xD0000000  }
0x3: {  	_ = 	snop  }
0x4: {  	_ = 	snop  }
0x5: {  	_ = 	snop  }
0x6: {  	_ = 	snop  }
0x7: {  	_ = 	snop  }
__scs_overlays_trampoline_lowered:
0x8: {  	[smem:$0x3F97] =	sst s0  }
0x9: {  	[smem:$0x3F98] =	sst s1  }
0xa: {  	[smem:$0x3F99] =	sst s2  }
0xb: {  	[smem:$0x3F9A] =	sst s3  }
0xc: {  	[smem:$0x3F9B] =	sst s4  }
0xd: {  	[smem:$0x3F9C] =	sst s5  }
0xe: {  	[smem:$0x3F9D] =	sst s6  }
0xf: {  	[smem:$0x3F9E] =	sst s7  }
0x10: {  	[smem:$0x3F9F] =	sst s8  }
0x11: {  	[smem:$0x3FA0] =	sst s9;
	s0 =	simm.s32 @!p0 $0x0  }
0x12: {  	s1 =	sld [smem:$0x3F86];
	s0 =	simm.s32 @p0 $0x1  }
0x13: {  	[smem:$0x3FA1] =	sst s0;
	s0 =	simm.s32 @!p1 $0x0  }
0x14: {  	s2 =	sld [smem:$0x3F85];
	s0 =	simm.s32 @p1 $0x1  }
0x15: {  	[smem:$0x3FA2] =	sst s0;
	s0 =	simm.s32 @!p2 $0x0  }
0x16: {  	s3 =	sld [smem:$0x3FDB];
	s0 =	simm.s32 @p2 $0x1  }
0x17: {  	s4 =	simm.s32 $0x1BF5;
	[smem:$0x3FA4] =	sst s0  }
0x18: {  	s0 =	sld [smem:$0x3F87];
	_ =	swait.ge [sflag:s4], $0x0  }
0x19: {  	s7 =	sld [smem:$0x3F88]  }
0x1a: {  	s8 =	sadd.s32 $0xFFFFE003, lr  }
0x1b: {  	s9 =	sadd.s32 $0xFFFFFEF7, lr;
	s5 =	simm.s32 $0xFFFFFFFF;
	p2 =	slt.u32 s8, $0xFFFFF086  }
0x1c: {  	p1 =	slt.u32 s9, $0xF7A;
	s5 =	simm.s32 @!p2 $0x0  }
0x1d: {  	s5 =	simm.s32 @p1 $0x1;
	p0 =	seq.s32 s7, s2  }
0x1e: {  	s7 =	smul.u32 @!p0 $0xF7A, s2;
	p2 =	seq.s32 @!p0 s5, $0x0  }
0x1f: {  	s9 =	smul.u32 $0xF7A, s1;
	s8 =	simm.s32 @!p0 $0x1BF5;
	p2 =	por !p2, p0  }
0x20: {  	[sflag:s8] =	ssyncset.s32 @!p0 $0xFFFFF086;
	s6 =	sadd.s32 @!p0 s3, s7;
	s7 =	simm.s32 @!p0 $0x108  }
0x21: {  	s3 =	sadd.s32 s3, s9;
	s6 =	sadd.s32 @!p0 $0x88, s6;
	s7 =	simm.s32 @p2 $0x1082  }
0x22: {  	[simem:s7], [sflag:s8] =	dma.local @!p0 [hbm:s6], $0xF7A  }
0x23: {  	s9 =	sor.u32 $0xD0000000, s2;
	s6 =	simm.s32 $0x108;
	_ =	swait.ge @!p0 [sflag:s8], $0x0  }
0x24: {  	s3 =	sadd.s32 $0x88, s3;
	s6 =	simm.s32 @!p1 $0x1082;
	[sflag:s4] =	ssyncset.s32 $0xFFFFF086  }
0x25: {  	[simem:s6], [sflag:s4] =	dma.local [hbm:s3], $0xF7A  }
0x26: {  	[smem:$0x3F88] =	sst s1;
	(tag) =	ssettag s2;
	_ =	strace s9  }
0x27: {  	s1 =	sld [smem:$0x3F98]  }
0x28: {  	s2 =	sld [smem:$0x3F99]  }
0x29: {  	s4 =	sld [smem:$0x3F9B]  }
0x2a: {  	p0 =	seq.s32 s5, $0x0;
	s5 =	sld [smem:$0x3F9C]  }
0x2b: {  	s6 =	sld [smem:$0x3F9D]  }
0x2c: {  	s7 =	sld [smem:$0x3F9E]  }
0x2d: {  	s3 =	simm.s32 $0x108;
	s8 =	sld [smem:$0x3F9F]  }
0x2e: {  	s3 =	simm.s32 @!p0 $0x1082;
	s9 =	sld [smem:$0x3FA0]  }
0x2f: {  	lr =	sadd.s32 s0, s3;
	s0 =	sld [smem:$0x3F97]  }
0x30: {  	s3 =	sld [smem:$0x3F9A]  }
0x31: {  	[smem:$0x3FA3] =	sst s10  }
0x32: {  	s10 =	sld [smem:$0x3FA1];
	_ =	sdelay $0x3  }
0x33: {  	p0 =	seq.s32 s10, $0x1;
	s10 =	sld [smem:$0x3FA3];
	_ =	sdelay $0x3  }
0x34: {  	[smem:$0x3FA3] =	sst s10  }
0x35: {  	s10 =	sld [smem:$0x3FA2];
	_ =	sdelay $0x3  }
0x36: {  	p1 =	seq.s32 s10, $0x1;
	s10 =	sld [smem:$0x3FA3];
	_ =	sdelay $0x3  }
0x37: {  	[smem:$0x3FA3] =	sst s10  }
0x38: {  	s10 =	sld [smem:$0x3FA4]  }
0x39: {  	_ = 	snop;
	(pc) =	sbr.ind lr, $3  }
0x3a: {  	_ = 	snop  }
0x3b: {  	_ = 	snop  }
0x3c: {  	p2 =	seq.s32 s10, $0x1;
	s10 =	sld [smem:$0x3FA3]  }
0x3d: {  	_ =	shalt  }
0x3e: {  	_ =	shalt  }
0x3f: {  	_ =	shalt  }
0x40: {  	_ =	shalt  }
0x41: {  	_ =	shalt  }
0x42: {  	_ =	shalt  }
0x43: {  	_ =	shalt  }
0x44: {  	_ =	shalt  }
0x45: {  	_ =	shalt  }
0x46: {  	_ =	shalt  }
0x47: {  	_ =	shalt  }
0x48: {  	_ =	shalt  }
0x49: {  	_ =	shalt  }
0x4a: {  	_ =	shalt  }
0x4b: {  	_ =	shalt  }
0x4c: {  	_ =	shalt  }
0x4d: {  	_ =	shalt  }
0x4e: {  	_ =	shalt  }
0x4f: {  	_ =	shalt  }
0x50: {  	_ =	shalt  }
0x51: {  	_ =	shalt  }
0x52: {  	_ =	shalt  }
0x53: {  	_ =	shalt  }
0x54: {  	_ =	shalt  }
0x55: {  	_ =	shalt  }
0x56: {  	_ =	shalt  }
0x57: {  	_ =	shalt  }
0x58: {  	_ =	shalt  }
0x59: {  	_ =	shalt  }
0x5a: {  	_ =	shalt  }
0x5b: {  	_ =	shalt  }
0x5c: {  	_ =	shalt  }
0x5d: {  	_ =	shalt  }
0x5e: {  	_ =	shalt  }
0x5f: {  	_ =	shalt  }
0x60: {  	_ =	shalt  }
0x61: {  	_ =	shalt  }
0x62: {  	_ =	shalt  }
0x63: {  	_ =	shalt  }
0x64: {  	_ =	shalt  }
0x65: {  	_ =	shalt  }
0x66: {  	_ =	shalt  }
0x67: {  	_ =	shalt  }
0x68: {  	_ =	shalt  }
0x69: {  	_ =	shalt  }
0x6a: {  	_ =	shalt  }
0x6b: {  	_ =	shalt  }
0x6c: {  	_ =	shalt  }
0x6d: {  	_ =	shalt  }
0x6e: {  	_ =	shalt  }
0x6f: {  	_ =	shalt  }
0x70: {  	_ =	shalt  }
0x71: {  	_ =	shalt  }
0x72: {  	_ =	shalt  }
0x73: {  	_ =	shalt  }
0x74: {  	_ =	shalt  }
0x75: {  	_ =	shalt  }
0x76: {  	_ =	shalt  }
0x77: {  	_ =	shalt  }
0x78: {  	_ =	shalt  }
0x79: {  	_ =	shalt  }
0x7a: {  	_ =	shalt  }
0x7b: {  	_ =	shalt  }
0x7c: {  	_ =	shalt  }
0x7d: {  	_ =	shalt  }
0x7e: {  	_ =	shalt  }
0x7f: {  	_ =	shalt  }
0x80: {  	_ =	shalt  }
0x81: {  	_ =	shalt  }
0x82: {  	_ =	shalt  }
0x83: {  	_ =	shalt  }
0x84: {  	_ =	shalt  }
0x85: {  	_ =	shalt  }
0x86: {  	_ =	shalt  }
0x87: {  	_ =	shalt  }
.Lfunc_end0:
.L_simem_size_0:
called_computation.1_lowered:
.L_overlay_start_0:
0x88: {  	s2 =	sld [smem:$0x3FD9]  }
0x89: {  	s3 =	sld [smem:$0x3FFE];
	_ =	sdelay $0x1  }
0x8a: {  	s1 =	srdreg.scid  }
0x8b: {  	s0 =	sand.u32 $0x1, s1  }
0x8c: {  	s16 =	sshll.u32 s0, $0xA;
	s2 =	sadd.s32 s3, s2  }
0x8d: {  	s2 =	sadd.s32 s2, s16  }
0x8e: {  	[smem:$0x3FAF] =	sst s2  }
0x8f: {  	_ = 	snop  }
0x90: {  	(tm) =	ssettm $0x1  }
0x91: {  	s17 =	sld [smem:$0x3FFB];
	_ =	sdelay $0x3  }
0x92: {  	_ =	strace s17  }
0x93: {  	s2 =	sld [smem:$0x3FFC];
	_ =	sdelay $0x3  }
0x94: {  	_ =	strace s2  }
0x95: {  	s2 =	sld [smem:$0x3FFD];
	_ =	sdelay $0x3  }
0x96: {  	_ =	strace s2  }
0x97: {  	_ =	strace $0x8FFFFFFF  }
0x98: {  	s18 =	sld [smem:$0x3FDB];
	_ =	sdelay $0x1  }
0x99: {  	s19 =	simm.s32 $_scs_section_size  }
0x9a: {  	s4 =	simm.s32 $_size__tile_overlayer_lowered;
	s5 =	simm.s32 $_tile_overlayer_lowered  }
0x9b: {  	s22 =	simm.s32 $0x1BFF;
	s21 =	sshll.u32 s5, $0x1;
	s2 =	sadd.s32 s19, s18  }
0x9c: {  	s6 =	simm.s32 $0x0;
	s20 =	sshll.u32 s4, $0x1;
	s4 =	sadd.s32 s21, s2  }
0x9d: {  	[timem:s6], [sflag:s22] =	dma.local [hbm:s4], s20  }
0x9e: {  	_ =	swait.ge [sflag:s22], s20  }
0x9f: {  	s3 =	ssub.s32 $0x0, s20;
	[sflag:s22] =	ssyncset.done $0x0  }
0xa0: {  	[sflag:s22] =	ssyncadd.s32 s3;
	_ =	sdelay $0x1  }
0xa1: {  	s23 =	simm.s32 $0x1B8B  }
0xa2: {  	_ =	swait.ge [sflag:s23], $0x1  }
0xa3: {  	[sflag:s23] =	ssyncset.done $0x0  }
0xa4: {  	s25 =	simm.s32 $0x1B8E;
	s24 =	sld [smem:$0x3FFE];
	[sflag:s23] =	ssyncadd.s32 $0xFFFFFFFF  }
0xa5: {  	s26 =	simm.s32 $execute0_lowered;
	[smem:$0x3FD2] =	sst s25  }
0xa6: {  	s4 =	sshll.u32 s26, $0x1;
	_ =	strace $0x80000049;
	[dreg:$0x1] =	wrdreg $0xFFFFFFFF  }
0xa7: {  	s28 =	simm.s32 $_size_execute0_lowered;
	s2 =	sadd.s32 s2, s4;
	[dreg:$0x0] =	wrdreg $0x0  }
0xa8: {  	s4 =	sshll.u32 s28, $0x1;
	[dreg:$0x2] =	wrdreg s2  }
0xa9: {  	[dreg:$0x3] =	wrdreg s4  }
0xaa: {  	[dreg:$0x4] =	wrdreg $0xC0  }
0xab: {  	_ =	task [dreg:s6], $0x5FFFF  }
0xac: {  	[dreg:$0x1] =	wrdreg $0xFFFFFFFF  }
0xad: {  	[dreg:$0x0] =	wrdreg $0x60  }
0xae: {  	[dreg:$0x2] =	wrdreg s24  }
0xaf: {  	[dreg:$0x3] =	wrdreg $0xB7800  }
0xb0: {  	[dreg:$0x4] =	wrdreg $0x9  }
0xb1: {  	_ =	task.clear_ibuf [dreg:s6], $0x5FFFF;
	_ =	strace $0x90000049  }
0xb2: {  	s29 =	simm.s32 $0x9;
	_ =	strace $0x8000004B  }
0xb3: {  	_ =	swait.ge [sflag:s29], $0x1  }
0xb4: {  	[sflag:s29] =	ssyncadd.s32 $0xFFFFFFFF  }
0xb5: {  	_ =	strace $0x9000004B  }
0xb6: {  	_ =	sfence  }
0xb7: {  	s30 =	sld [smem:$0x0];
	_ =	sdelay $0x2  }
0xb8: {  	s31 =	sshll.u32 s1, $0xD;
	s1 =	sshrl.u32 s1, $0x2  }
0xb9: {  	s3 =	sand.u32 $0x4000, s31;
	s1 =	sadd.s32 s1, s30  }
0xba: {  	s0 =	sor.u32 s3, s0;
	s1 =	sshll.u32 s1, $0x11  }
0xbb: {  	s0 =	sor.u32 s1, s0  }
0xbc: {  	s0 =	sadd.s32 $0x8F2B, s0  }
0xbd: {  	[sflag:s0] =	ssyncadd.remote.s32 $0x1  }
0xbe: {  	_ =	sfence.sel $0xFFFF  }
0xbf: {  	[dreg:$0x0] =	wrdreg $0xFFFFFFFF;
	(pc) =	sbr.abs _section_cstart, $3  }
0xc0: {  	[dreg:$0x1] =	wrdreg $0xFFFFFFFF  }
0xc1: {  	_ =	task.clear_ibuf [dreg:s6], $0x2FFFF;
	_ =	strace $0x9FFFFFFF  }
0xc2: {  	(tm) =	ssettm $0x7FFFFFFF  }
0xc3: {  	_ =	shalt  }
tec
execute0_lowered:
.L_overlay_start_1:
0x0: {  	(tag) =	ssettag $0x1  }
0x1: {  	s5 =	rddreg [dreg:$0x0]  }
0x2: {  	s2 =	rddreg [dreg:$0x1];
	s3 =	srdreg.scid  }
0x3: {  	s1 =	stileid.u32;
	s0 =	rddreg [dreg:$0x2];
	s13 =	simm.s32 $0x2780  }
0x4: {  	s16 =	simm.s32 $0x50;
	s17 =	simm.s32 $0x6780;
	s18 =	simm.s32 $0x8F80  }
0x5: {  	s19 =	simm.s32 $0x1;
	s20 =	simm.s32 $0x2;
	s21 =	simm.s32 $0x6480  }
0x6: {  	s22 =	simm.s32 $0x26C0;
	s23 =	simm.s32 $0x6500;
	s24 =	simm.s32 $0x6580  }
0x7: {  	s25 =	simm.s32 $0x0;
	s6 =	sand.u32 $0x1, s3;
	s4 =	sshll.u32 s1, $0x1  }
0x8: {  	s3 =	simm.s32 $0x0;
	s28 =	sshrl.u32 s1, $0x2;
	s30 =	smul.u32 $0x2800, s1  }
0x9: {  	s12 =	smul.u32 $0x50000, s1;
	s14 =	sshll.u32 s1, $0x6;
	s7 =	sor.u32 s6, s4  }
0xa: {  	[smem:$0x7FF] =	sst s3;
	s8 =	smul.u32 $0x13C00, s28;
	s4 =	sadd.s32 $0x54000, s5  }
0xb: {  	s10 =	smul.u32 $0x28000, s6;
	s6 =	ssub.s32 $0x2, s6;
	s14 =	sor.u32 $0x1C03, s14  }
0xc: {  	s29 =	sshll.u32 s7, $0x7;
	_ =	strace $0x8000004A;
	s7 =	sshll.u32 s7, $0xB  }
0xd: {  	s11 =	sshrl.u32 s6, $0x1;
	s31 =	sshrl.u32 s12, $0x2;
	s12 =	simm.s32 $0x3  }
0xe: {  	s9 =	sand.u32 $0x380, s29;
	s7 =	sadd.s32 s7, s5;
	s10 =	sadd.s32 s30, s10  }
0xf: {  	s11 =	ssub.s32 s6, s11;
	s15 =	sadd.s32 s31, s2;
	s8 =	sor.u32 s8, s9  }
0x10: {  	s9 =	sadd.s32 s30, s5;
	s10 =	sadd.s32 s10, s5;
	s6 =	sadd.s32 $0x44000, s7  }
0x11: {  	s15 =	sshrl.u32 s15, $0x3;
	s8 =	sshrl.u32 s8, $0x3;
	s7 =	sadd.s32 $0x1AC00, s9  }
0x12: {  	s9 =	smax.u32 s11, $0x1;
	s11 =	simm.s32 $0x400;
	s8 =	sadd.s32 s8, s5  }
0x13: {  	s5 =	sadd.s32 $0x7000, s8;
	s8 =	sadd.s32 $0x117A00, s10;
	s10 =	simm.s32 $0x80  }
.LBB2_1:
0x14: {  	[tilespmem:s3], [sflag:$0x3] =	stream.strided.gather [hbm4b:s5+s10], $0x2780, s11, s10, $0x38;
	[tilespmem:$0x1F780] =	vst v63  }
0x15: {  	_ =	swait.ge [sflag:s12], $0x2780  }
0x16: {  	[sflag:s12] =	ssyncset.done $0x0  }
0x17: {  	[sflag:s12] =	ssyncadd.s32 $0xFFFFD880  }
0x18: {  	[tilespmem:s13], [sflag:$0x3] =	stream.linear.gather [hbm4b:s6+s3], $0x3E80, $0x38;
	[tilespmem:$0x1F780] =	vst v63  }
0x19: {  	_ =	swait.ge [sflag:s12], $0x3E80  }
0x1a: {  	[sflag:s12] =	ssyncset.done $0x0  }
0x1b: {  	[sflag:s12] =	ssyncadd.s32 $0xFFFFC180  }
0x1c: {  	[spmem:s15], [sflag:s14] =	dma.local [hbm:s7], $0x2800  }
0x1d: {  	_ =	swait.ge [sflag:s12], $0x2800  }
0x1e: {  	[sflag:s12] =	ssyncset.done $0x0  }
0x1f: {  	[sflag:s12] =	ssyncadd.s32 $0xFFFFD800  }
0x20: {  	[bflag:$0x0] =	sbarrier.arrive $0xFFFF  }
0x21: {  	[tilespmem:s17], [sflag:$0x1] =	stream.indirect.gather [hbm4b:s4+s16], $0x80, s3, s16, $0xb8;
	[tilespmem:$0x1F780] =	vst v63  }
0x22: {  	_ = 	snop  }
0x23: {  	[tilespmem:s18], [sflag:$0x2] =	stream.indirect.gather [hbm4b:s4+s16], $0x80, s16, s16, $0xb8;
	[tilespmem:$0x1F780] =	vst v63  }
0x24: {  	_ =	swait.ge [sflag:s19], $0x2800  }
0x25: {  	[sflag:s19] =	ssyncset.done $0x0  }
0x26: {  	s26 =	simm.s32 $0x2780;
	[sflag:s19] =	ssyncadd.s32 $0xFFFFD800  }
0x27: {  	[spmem:s2] =	stream.indirect.scatter.add.f32 [tilespmem:s17], [sflag:$0x3], $0x80, s26, s16, $0xb8;
	[tilespmem:$0x1F780] =	vst v63  }
0x28: {  	_ =	swait.ge [sflag:s12], $0x2800  }
0x29: {  	[sflag:s12] =	ssyncset.done $0x0  }
0x2a: {  	s30 =	simm.s32 $0xA0;
	[sflag:s12] =	ssyncadd.s32 $0xFFFFD800  }
0x2b: {  	[tilespmem:s17], [sflag:$0x1] =	stream.indirect.gather [hbm4b:s4+s16], $0x80, s30, s16, $0xb8;
	[tilespmem:$0x1F780] =	vst v63  }
0x2c: {  	_ =	swait.ge [sflag:s20], $0x2800  }
0x2d: {  	[sflag:s20] =	ssyncset.done $0x0  }
0x2e: {  	s31 =	simm.s32 $0x2800;
	[sflag:s20] =	ssyncadd.s32 $0xFFFFD800  }
0x2f: {  	[spmem:s2] =	stream.indirect.scatter.add.f32 [tilespmem:s18], [sflag:$0x3], $0x80, s31, s16, $0xb8;
	[tilespmem:$0x1F780] =	vst v63  }
0x30: {  	_ =	swait.ge [sflag:s12], $0x2800  }
0x31: {  	s28 =	simm.s32 $0x400;
	[sflag:s12] =	ssyncset.done $0x0  }
0x32: {  	s29 =	simm.s32 $0x190;
	s26 =	simm.s32 $0xF0;
	[sflag:s12] =	ssyncadd.s32 $0xFFFFD800  }
.LBB2_2:
0x33: {  	[tilespmem:s18], [sflag:$0x2] =	stream.indirect.gather [hbm4b:s4+s16], $0x80, s26, s16, $0xb8;
	[tilespmem:$0x1F780] =	vst v63  }
0x34: {  	s30 =	smov.u32 s28;
	s26 =	smov.u32 s29  }
0x35: {  	p0 =	sne.s32 s28, $0xF000;
	s28 =	sadd.s32 $0x400, s28;
	_ =	swait.ge [sflag:s19], $0x2800  }
0x36: {  	s30 =	sshra.s32 s30, $0x2;
	[sflag:s19] =	ssyncset.done $0x0  }
0x37: {  	s31 =	sadd.s32 $0x2780, s30;
	[sflag:s19] =	ssyncadd.s32 $0xFFFFD800  }
0x38: {  	[spmem:s2] =	stream.indirect.scatter.add.f32 [tilespmem:s17], [sflag:$0x3], $0x80, s31, s16, $0xb8;
	[tilespmem:$0x1F780] =	vst v63  }
0x39: {  	_ =	swait.ge [sflag:s12], $0x2800  }
0x3a: {  	[sflag:s12] =	ssyncset.done $0x0  }
0x3b: {  	s31 =	sadd.s32 $0xFFFFFFB0, s29;
	[sflag:s12] =	ssyncadd.s32 $0xFFFFD800  }
0x3c: {  	[tilespmem:s17], [sflag:$0x1] =	stream.indirect.gather [hbm4b:s4+s16], $0x80, s31, s16, $0xb8;
	[tilespmem:$0x1F780] =	vst v63  }
0x3d: {  	_ =	swait.ge [sflag:s20], $0x2800  }
0x3e: {  	[sflag:s20] =	ssyncset.done $0x0  }
.Ltmp0:
0x3f: {  	s30 =	sadd.s32 $0x2800, s30;
	[sflag:s20] =	ssyncadd.s32 $0xFFFFD800;
	(pc) =	sbr.rel @p0 .LBB2_2-.Ltmp0, $4  }
0x40: {  	[spmem:s2] =	stream.indirect.scatter.add.f32 [tilespmem:s18], [sflag:$0x3], $0x80, s30, s16, $0xb8;
	[tilespmem:$0x1F780] =	vst v63  }
0x41: {  	_ =	swait.ge [sflag:s12], $0x2800  }
0x42: {  	[sflag:s12] =	ssyncset.done $0x0  }
0x43: {  	s29 =	sadd.s32 $0xA0, s29;
	[sflag:s12] =	ssyncadd.s32 $0xFFFFD800  }
0x44: {  	[tilespmem:s18], [sflag:$0x2] =	stream.indirect.gather [hbm4b:s4+s16], $0x80, s26, s16, $0xb8;
	[tilespmem:$0x1F780] =	vst v63  }
0x45: {  	_ =	swait.ge [sflag:s19], $0x2800  }
0x46: {  	[sflag:s19] =	ssyncset.done $0x0  }
0x47: {  	[sflag:s19] =	ssyncadd.s32 $0xFFFFD800  }
0x48: {  	[spmem:s2] =	stream.indirect.scatter.add.f32 [tilespmem:s17], [sflag:$0x3], $0x80, s21, s16, $0xb8;
	[tilespmem:$0x1F780] =	vst v63  }
0x49: {  	_ =	swait.ge [sflag:s12], $0x2800  }
0x4a: {  	[sflag:s12] =	ssyncset.done $0x0  }
0x4b: {  	[sflag:s12] =	ssyncadd.s32 $0xFFFFD800  }
0x4c: {  	[tilespmem:s17], [sflag:$0x1] =	stream.indirect.gather [hbm4b:s4+s16], $0x80, s22, s16, $0xb8;
	[tilespmem:$0x1F780] =	vst v63  }
0x4d: {  	_ =	swait.ge [sflag:s20], $0x2800  }
0x4e: {  	[sflag:s20] =	ssyncset.done $0x0  }
0x4f: {  	[sflag:s20] =	ssyncadd.s32 $0xFFFFD800  }
0x50: {  	[spmem:s2] =	stream.indirect.scatter.add.f32 [tilespmem:s18], [sflag:$0x3], $0x80, s23, s16, $0xb8;
	[tilespmem:$0x1F780] =	vst v63  }
0x51: {  	_ =	swait.ge [sflag:s12], $0x2800  }
0x52: {  	[sflag:s12] =	ssyncset.done $0x0  }
0x53: {  	[sflag:s12] =	ssyncadd.s32 $0xFFFFD800  }
0x54: {  	_ =	swait.ge [sflag:s19], $0x2800  }
0x55: {  	[sflag:s19] =	ssyncset.done $0x0  }
0x56: {  	[sflag:s19] =	ssyncadd.s32 $0xFFFFD800  }
0x57: {  	[spmem:s2] =	stream.indirect.scatter.add.f32 [tilespmem:s17], [sflag:$0x3], $0x80, s24, s16, $0xb8;
	[tilespmem:$0x1F780] =	vst v63  }
0x58: {  	_ =	swait.ge [sflag:s12], $0x2800  }
0x59: {  	s25 =	sadd.s32 $0x1, s25;
	[sflag:s12] =	ssyncset.done $0x0  }
0x5a: {  	p0 =	sne.s32 s25, s9;
	[sflag:s12] =	ssyncadd.s32 $0xFFFFD800  }
.Ltmp1:
0x5b: {  	[bflag:$0x0] =	sbarrier.arrive $0xFFFF;
	(pc) =	sbr.rel @p0 .LBB2_1-.Ltmp1, $4  }
0x5c: {  	[hbm:s8], [sflag:s14] =	dma.local [spmem:s15], $0x2800  }
0x5d: {  	_ =	swait.ge [sflag:s12], $0x2800  }
0x5e: {  	[sflag:s12] =	ssyncset.done $0x0  }
0x5f: {  	[sflag:s12] =	ssyncadd.s32 $0xFFFFD800  }
0x60: {  	_ =	sfence.sel $0x180000  }
0x61: {  	[bflag:$0x0] =	sbarrier.arrive $0xFFFF  }
0x62: {  	p0 =	sne.s32 s1, $0x0;
	_ =	strace $0x9000004A  }
0x63: {  	s0 =	sadd.s32 @!p0 $0x100000, s0;
	[bflag:$0x2] =	sbarrier.arrive $0xFFFF  }
0x64: {  	[sflag:s0] =	ssyncadd.tile.s32 @!p0 $0x1;
	_ =	shalt  }
.Lfunc_end2:
_tile_overlayer_lowered:
.L_overlay_start_2:
0x65: {  	(tag) =	ssettag $0x2  }
0x66: {  	s0 =	rddreg [dreg:$0x0];
	s2 =	stileid.u32  }
0x67: {  	s1 =	rddreg [dreg:$0x1];
	p0 =	sne.s32 s2, $0x0  }
0x68: {  	s3 =	rddreg [dreg:$0x2];
	[bflag:$0x3] =	sbarrier.arrive $0xFFFF;
	s2 =	simm.s32 @!p0 $0x1C03  }
0x69: {  	[timem:s3], [sflag:s2] =	dma.local @!p0 [hbm:s0], s1  }
0x6a: {  	s0 =	simm.s32 @!p0 $0x3  }
0x6b: {  	_ =	swait.ge @!p0 [sflag:s0], s1  }
0x6c: {  	s1 =	ssub.s32 @!p0 $0x0, s1;
	[sflag:s0] =	ssyncset.done @!p0 $0x0  }
0x6d: {  	[sflag:s0] =	ssyncadd.s32 @!p0 s1  }
0x6e: {  	[bflag:$0x3] =	sbarrier.arrive $0xFFFF  }
0x6f: {  	_ =	shalt  }

// kernel: kernel.18.cloned.1.call-start
scs
__scs_entry_jumppad:
0x0: {  	(pc) =	sbr.rel $0x88, $3  }
0x1: {  	(tag) =	ssettag $0x0;
	lr =	simm.s32 $0x1  }
0x2: {  	[smem:$0x3F88] =	sst lr;
	_ =	strace $0xD0000000  }
0x3: {  	_ = 	snop  }
0x4: {  	_ = 	snop  }
0x5: {  	_ = 	snop  }
0x6: {  	_ = 	snop  }
0x7: {  	_ = 	snop  }
__scs_overlays_trampoline_lowered:
0x8: {  	[smem:$0x3F97] =	sst s0  }
0x9: {  	[smem:$0x3F98] =	sst s1  }
0xa: {  	[smem:$0x3F99] =	sst s2  }
0xb: {  	[smem:$0x3F9A] =	sst s3  }
0xc: {  	[smem:$0x3F9B] =	sst s4  }
0xd: {  	[smem:$0x3F9C] =	sst s5  }
0xe: {  	[smem:$0x3F9D] =	sst s6  }
0xf: {  	[smem:$0x3F9E] =	sst s7  }
0x10: {  	[smem:$0x3F9F] =	sst s8  }
0x11: {  	[smem:$0x3FA0] =	sst s9;
	s0 =	simm.s32 @!p0 $0x0  }
0x12: {  	s1 =	sld [smem:$0x3F86];
	s0 =	simm.s32 @p0 $0x1  }
0x13: {  	[smem:$0x3FA1] =	sst s0;
	s0 =	simm.s32 @!p1 $0x0  }
0x14: {  	s2 =	sld [smem:$0x3F85];
	s0 =	simm.s32 @p1 $0x1  }
0x15: {  	[smem:$0x3FA2] =	sst s0;
	s0 =	simm.s32 @!p2 $0x0  }
0x16: {  	s3 =	sld [smem:$0x3FDB];
	s0 =	simm.s32 @p2 $0x1  }
0x17: {  	s4 =	simm.s32 $0x1BF5;
	[smem:$0x3FA4] =	sst s0  }
0x18: {  	s0 =	sld [smem:$0x3F87];
	_ =	swait.ge [sflag:s4], $0x0  }
0x19: {  	s7 =	sld [smem:$0x3F88]  }
0x1a: {  	s8 =	sadd.s32 $0xFFFFE003, lr  }
0x1b: {  	s9 =	sadd.s32 $0xFFFFFEF7, lr;
	s5 =	simm.s32 $0xFFFFFFFF;
	p2 =	slt.u32 s8, $0xFFFFF086  }
0x1c: {  	p1 =	slt.u32 s9, $0xF7A;
	s5 =	simm.s32 @!p2 $0x0  }
0x1d: {  	s5 =	simm.s32 @p1 $0x1;
	p0 =	seq.s32 s7, s2  }
0x1e: {  	s7 =	smul.u32 @!p0 $0xF7A, s2;
	p2 =	seq.s32 @!p0 s5, $0x0  }
0x1f: {  	s9 =	smul.u32 $0xF7A, s1;
	s8 =	simm.s32 @!p0 $0x1BF5;
	p2 =	por !p2, p0  }
0x20: {  	[sflag:s8] =	ssyncset.s32 @!p0 $0xFFFFF086;
	s6 =	sadd.s32 @!p0 s3, s7;
	s7 =	simm.s32 @!p0 $0x108  }
0x21: {  	s3 =	sadd.s32 s3, s9;
	s6 =	sadd.s32 @!p0 $0x88, s6;
	s7 =	simm.s32 @p2 $0x1082  }
0x22: {  	[simem:s7], [sflag:s8] =	dma.local @!p0 [hbm:s6], $0xF7A  }
0x23: {  	s9 =	sor.u32 $0xD0000000, s2;
	s6 =	simm.s32 $0x108;
	_ =	swait.ge @!p0 [sflag:s8], $0x0  }
0x24: {  	s3 =	sadd.s32 $0x88, s3;
	s6 =	simm.s32 @!p1 $0x1082;
	[sflag:s4] =	ssyncset.s32 $0xFFFFF086  }
0x25: {  	[simem:s6], [sflag:s4] =	dma.local [hbm:s3], $0xF7A  }
0x26: {  	[smem:$0x3F88] =	sst s1;
	(tag) =	ssettag s2;
	_ =	strace s9  }
0x27: {  	s1 =	sld [smem:$0x3F98]  }
0x28: {  	s2 =	sld [smem:$0x3F99]  }
0x29: {  	s4 =	sld [smem:$0x3F9B]  }
0x2a: {  	p0 =	seq.s32 s5, $0x0;
	s5 =	sld [smem:$0x3F9C]  }
0x2b: {  	s6 =	sld [smem:$0x3F9D]  }
0x2c: {  	s7 =	sld [smem:$0x3F9E]  }
0x2d: {  	s3 =	simm.s32 $0x108;
	s8 =	sld [smem:$0x3F9F]  }
0x2e: {  	s3 =	simm.s32 @!p0 $0x1082;
	s9 =	sld [smem:$0x3FA0]  }
0x2f: {  	lr =	sadd.s32 s0, s3;
	s0 =	sld [smem:$0x3F97]  }
0x30: {  	s3 =	sld [smem:$0x3F9A]  }
0x31: {  	[smem:$0x3FA3] =	sst s10  }
0x32: {  	s10 =	sld [smem:$0x3FA1];
	_ =	sdelay $0x3  }
0x33: {  	p0 =	seq.s32 s10, $0x1;
	s10 =	sld [smem:$0x3FA3];
	_ =	sdelay $0x3  }
0x34: {  	[smem:$0x3FA3] =	sst s10  }
0x35: {  	s10 =	sld [smem:$0x3FA2];
	_ =	sdelay $0x3  }
0x36: {  	p1 =	seq.s32 s10, $0x1;
	s10 =	sld [smem:$0x3FA3];
	_ =	sdelay $0x3  }
0x37: {  	[smem:$0x3FA3] =	sst s10  }
0x38: {  	s10 =	sld [smem:$0x3FA4]  }
0x39: {  	_ = 	snop;
	(pc) =	sbr.ind lr, $3  }
0x3a: {  	_ = 	snop  }
0x3b: {  	_ = 	snop  }
0x3c: {  	p2 =	seq.s32 s10, $0x1;
	s10 =	sld [smem:$0x3FA3]  }
0x3d: {  	_ =	shalt  }
0x3e: {  	_ =	shalt  }
0x3f: {  	_ =	shalt  }
0x40: {  	_ =	shalt  }
0x41: {  	_ =	shalt  }
0x42: {  	_ =	shalt  }
0x43: {  	_ =	shalt  }
0x44: {  	_ =	shalt  }
0x45: {  	_ =	shalt  }
0x46: {  	_ =	shalt  }
0x47: {  	_ =	shalt  }
0x48: {  	_ =	shalt  }
0x49: {  	_ =	shalt  }
0x4a: {  	_ =	shalt  }
0x4b: {  	_ =	shalt  }
0x4c: {  	_ =	shalt  }
0x4d: {  	_ =	shalt  }
0x4e: {  	_ =	shalt  }
0x4f: {  	_ =	shalt  }
0x50: {  	_ =	shalt  }
0x51: {  	_ =	shalt  }
0x52: {  	_ =	shalt  }
0x53: {  	_ =	shalt  }
0x54: {  	_ =	shalt  }
0x55: {  	_ =	shalt  }
0x56: {  	_ =	shalt  }
0x57: {  	_ =	shalt  }
0x58: {  	_ =	shalt  }
0x59: {  	_ =	shalt  }
0x5a: {  	_ =	shalt  }
0x5b: {  	_ =	shalt  }
0x5c: {  	_ =	shalt  }
0x5d: {  	_ =	shalt  }
0x5e: {  	_ =	shalt  }
0x5f: {  	_ =	shalt  }
0x60: {  	_ =	shalt  }
0x61: {  	_ =	shalt  }
0x62: {  	_ =	shalt  }
0x63: {  	_ =	shalt  }
0x64: {  	_ =	shalt  }
0x65: {  	_ =	shalt  }
0x66: {  	_ =	shalt  }
0x67: {  	_ =	shalt  }
0x68: {  	_ =	shalt  }
0x69: {  	_ =	shalt  }
0x6a: {  	_ =	shalt  }
0x6b: {  	_ =	shalt  }
0x6c: {  	_ =	shalt  }
0x6d: {  	_ =	shalt  }
0x6e: {  	_ =	shalt  }
0x6f: {  	_ =	shalt  }
0x70: {  	_ =	shalt  }
0x71: {  	_ =	shalt  }
0x72: {  	_ =	shalt  }
0x73: {  	_ =	shalt  }
0x74: {  	_ =	shalt  }
0x75: {  	_ =	shalt  }
0x76: {  	_ =	shalt  }
0x77: {  	_ =	shalt  }
0x78: {  	_ =	shalt  }
0x79: {  	_ =	shalt  }
0x7a: {  	_ =	shalt  }
0x7b: {  	_ =	shalt  }
0x7c: {  	_ =	shalt  }
0x7d: {  	_ =	shalt  }
0x7e: {  	_ =	shalt  }
0x7f: {  	_ =	shalt  }
0x80: {  	_ =	shalt  }
0x81: {  	_ =	shalt  }
0x82: {  	_ =	shalt  }
0x83: {  	_ =	shalt  }
0x84: {  	_ =	shalt  }
0x85: {  	_ =	shalt  }
0x86: {  	_ =	shalt  }
0x87: {  	_ =	shalt  }
.Lfunc_end0:
.L_simem_size_0:
called_computation.2_lowered:
.L_overlay_start_0:
0x88: {  	s2 =	sld [smem:$0x3FD9]  }
0x89: {  	s3 =	sld [smem:$0x3FFE];
	_ =	sdelay $0x1  }
0x8a: {  	s1 =	srdreg.scid  }
0x8b: {  	s0 =	sand.u32 $0x1, s1  }
0x8c: {  	s16 =	sshll.u32 s0, $0xA;
	s2 =	sadd.s32 s3, s2  }
0x8d: {  	s2 =	sadd.s32 s2, s16  }
0x8e: {  	[smem:$0x3FAF] =	sst s2  }
0x8f: {  	_ = 	snop  }
0x90: {  	(tm) =	ssettm $0x1  }
0x91: {  	s17 =	sld [smem:$0x3FFB];
	_ =	sdelay $0x3  }
0x92: {  	_ =	strace s17  }
0x93: {  	s2 =	sld [smem:$0x3FFC];
	_ =	sdelay $0x3  }
0x94: {  	_ =	strace s2  }
0x95: {  	s2 =	sld [smem:$0x3FFD];
	_ =	sdelay $0x3  }
0x96: {  	_ =	strace s2  }
0x97: {  	_ =	strace $0x8FFFFFFF  }
0x98: {  	s18 =	sld [smem:$0x3FDB];
	_ =	sdelay $0x1  }
0x99: {  	s19 =	simm.s32 $_scs_section_size  }
0x9a: {  	s4 =	simm.s32 $_size__tile_overlayer_lowered;
	s5 =	simm.s32 $_tile_overlayer_lowered  }
0x9b: {  	s22 =	simm.s32 $0x1BFF;
	s21 =	sshll.u32 s5, $0x1;
	s2 =	sadd.s32 s19, s18  }
0x9c: {  	s6 =	simm.s32 $0x0;
	s20 =	sshll.u32 s4, $0x1;
	s4 =	sadd.s32 s21, s2  }
0x9d: {  	[timem:s6], [sflag:s22] =	dma.local [hbm:s4], s20  }
0x9e: {  	_ =	swait.ge [sflag:s22], s20  }
0x9f: {  	s3 =	ssub.s32 $0x0, s20;
	[sflag:s22] =	ssyncset.done $0x0  }
0xa0: {  	[sflag:s22] =	ssyncadd.s32 s3;
	_ =	sdelay $0x1  }
0xa1: {  	s23 =	simm.s32 $0x1B8B  }
0xa2: {  	_ =	swait.ge [sflag:s23], $0x1  }
0xa3: {  	[sflag:s23] =	ssyncset.done $0x0  }
0xa4: {  	s25 =	simm.s32 $0x1B8E;
	s24 =	sld [smem:$0x3FFE];
	[sflag:s23] =	ssyncadd.s32 $0xFFFFFFFF  }
0xa5: {  	s26 =	simm.s32 $execute0_lowered;
	[smem:$0x3FD2] =	sst s25  }
0xa6: {  	s4 =	sshll.u32 s26, $0x1;
	_ =	strace $0x8000004C;
	[dreg:$0x1] =	wrdreg $0xFFFFFFFF  }
0xa7: {  	s28 =	simm.s32 $_size_execute0_lowered;
	s2 =	sadd.s32 s2, s4;
	[dreg:$0x0] =	wrdreg $0x0  }
0xa8: {  	s4 =	sshll.u32 s28, $0x1;
	[dreg:$0x2] =	wrdreg s2  }
0xa9: {  	[dreg:$0x3] =	wrdreg s4  }
0xaa: {  	[dreg:$0x4] =	wrdreg $0xC0  }
0xab: {  	_ =	task [dreg:s6], $0x5FFFF  }
0xac: {  	[dreg:$0x1] =	wrdreg $0xFFFFFFFF  }
0xad: {  	[dreg:$0x0] =	wrdreg $0x60  }
0xae: {  	[dreg:$0x2] =	wrdreg s24  }
0xaf: {  	[dreg:$0x3] =	wrdreg $0xB7800  }
0xb0: {  	[dreg:$0x4] =	wrdreg $0x9  }
0xb1: {  	_ =	task.clear_ibuf [dreg:s6], $0x5FFFF;
	_ =	strace $0x9000004C  }
0xb2: {  	s29 =	simm.s32 $0x9;
	_ =	strace $0x8000004E  }
0xb3: {  	_ =	swait.ge [sflag:s29], $0x1  }
0xb4: {  	[sflag:s29] =	ssyncadd.s32 $0xFFFFFFFF  }
0xb5: {  	_ =	strace $0x9000004E  }
0xb6: {  	_ =	sfence  }
0xb7: {  	s30 =	sld [smem:$0x0];
	_ =	sdelay $0x2  }
0xb8: {  	s31 =	sshll.u32 s1, $0xD;
	s1 =	sshrl.u32 s1, $0x2  }
0xb9: {  	s3 =	sand.u32 $0x4000, s31;
	s1 =	sadd.s32 s1, s30  }
0xba: {  	s0 =	sor.u32 s3, s0;
	s1 =	sshll.u32 s1, $0x11  }
0xbb: {  	s0 =	sor.u32 s1, s0  }
0xbc: {  	s0 =	sadd.s32 $0x8F2B, s0  }
0xbd: {  	[sflag:s0] =	ssyncadd.remote.s32 $0x1  }
0xbe: {  	_ =	sfence.sel $0xFFFF  }
0xbf: {  	[dreg:$0x0] =	wrdreg $0xFFFFFFFF;
	(pc) =	sbr.abs _section_cstart, $3  }
0xc0: {  	[dreg:$0x1] =	wrdreg $0xFFFFFFFF  }
0xc1: {  	_ =	task.clear_ibuf [dreg:s6], $0x2FFFF;
	_ =	strace $0x9FFFFFFF  }
0xc2: {  	(tm) =	ssettm $0x7FFFFFFF  }
0xc3: {  	_ =	shalt  }
tec
execute0_lowered:
.L_overlay_start_1:
0x0: {  	(tag) =	ssettag $0x1  }
0x1: {  	s5 =	rddreg [dreg:$0x0]  }
0x2: {  	s2 =	rddreg [dreg:$0x1];
	s3 =	srdreg.scid  }
0x3: {  	s1 =	stileid.u32;
	s0 =	rddreg [dreg:$0x2];
	s13 =	simm.s32 $0x2780  }
0x4: {  	s16 =	simm.s32 $0x50;
	s17 =	simm.s32 $0x6780;
	s18 =	simm.s32 $0x8F80  }
0x5: {  	s19 =	simm.s32 $0x1;
	s20 =	simm.s32 $0x2;
	s21 =	simm.s32 $0x6480  }
0x6: {  	s22 =	simm.s32 $0x26C0;
	s23 =	simm.s32 $0x6500;
	s24 =	simm.s32 $0x6580  }
0x7: {  	s25 =	simm.s32 $0x0;
	s6 =	sand.u32 $0x1, s3;
	s4 =	sshll.u32 s1, $0x1  }
0x8: {  	s3 =	simm.s32 $0x0;
	s28 =	sshrl.u32 s1, $0x2;
	s30 =	smul.u32 $0x2800, s1  }
0x9: {  	s12 =	smul.u32 $0x50000, s1;
	s14 =	sshll.u32 s1, $0x6;
	s7 =	sor.u32 s6, s4  }
0xa: {  	[smem:$0x7FF] =	sst s3;
	s8 =	smul.u32 $0x13C00, s28;
	s4 =	sadd.s32 $0x54000, s5  }
0xb: {  	s10 =	smul.u32 $0x28000, s6;
	s6 =	ssub.s32 $0x2, s6;
	s14 =	sor.u32 $0x1C03, s14  }
0xc: {  	s29 =	sshll.u32 s7, $0x7;
	_ =	strace $0x8000004D;
	s7 =	sshll.u32 s7, $0xB  }
0xd: {  	s11 =	sshrl.u32 s6, $0x1;
	s31 =	sshrl.u32 s12, $0x2;
	s12 =	simm.s32 $0x3  }
0xe: {  	s9 =	sand.u32 $0x380, s29;
	s7 =	sadd.s32 s7, s5;
	s10 =	sadd.s32 s30, s10  }
0xf: {  	s11 =	ssub.s32 s6, s11;
	s15 =	sadd.s32 s31, s2;
	s8 =	sor.u32 s8, s9  }
0x10: {  	s9 =	sadd.s32 s30, s5;
	s10 =	sadd.s32 s10, s5;
	s6 =	sadd.s32 $0x44000, s7  }
0x11: {  	s15 =	sshrl.u32 s15, $0x3;
	s8 =	sshrl.u32 s8, $0x3;
	s7 =	sadd.s32 $0x1AC00, s9  }
0x12: {  	s9 =	smax.u32 s11, $0x1;
	s11 =	simm.s32 $0x400;
	s8 =	sadd.s32 s8, s5  }
0x13: {  	s5 =	sadd.s32 $0x7000, s8;
	s8 =	sadd.s32 $0x117A00, s10;
	s10 =	simm.s32 $0x80  }
.LBB2_1:
0x14: {  	[tilespmem:s3], [sflag:$0x3] =	stream.strided.gather [hbm4b:s5+s10], $0x2780, s11, s10, $0x38;
	[tilespmem:$0x1F780] =	vst v63  }
0x15: {  	_ =	swait.ge [sflag:s12], $0x2780  }
0x16: {  	[sflag:s12] =	ssyncset.done $0x0  }
0x17: {  	[sflag:s12] =	ssyncadd.s32 $0xFFFFD880  }
0x18: {  	[tilespmem:s13], [sflag:$0x3] =	stream.linear.gather [hbm4b:s6+s3], $0x3E80, $0x38;
	[tilespmem:$0x1F780] =	vst v63  }
0x19: {  	_ =	swait.ge [sflag:s12], $0x3E80  }
0x1a: {  	[sflag:s12] =	ssyncset.done $0x0  }
0x1b: {  	[sflag:s12] =	ssyncadd.s32 $0xFFFFC180  }
0x1c: {  	[spmem:s15], [sflag:s14] =	dma.local [hbm:s7], $0x2800  }
0x1d: {  	_ =	swait.ge [sflag:s12], $0x2800  }
0x1e: {  	[sflag:s12] =	ssyncset.done $0x0  }
0x1f: {  	[sflag:s12] =	ssyncadd.s32 $0xFFFFD800  }
0x20: {  	[bflag:$0x0] =	sbarrier.arrive $0xFFFF  }
0x21: {  	[tilespmem:s17], [sflag:$0x1] =	stream.indirect.gather [hbm4b:s4+s16], $0x80, s3, s16, $0xb8;
	[tilespmem:$0x1F780] =	vst v63  }
0x22: {  	_ = 	snop  }
0x23: {  	[tilespmem:s18], [sflag:$0x2] =	stream.indirect.gather [hbm4b:s4+s16], $0x80, s16, s16, $0xb8;
	[tilespmem:$0x1F780] =	vst v63  }
0x24: {  	_ =	swait.ge [sflag:s19], $0x2800  }
0x25: {  	[sflag:s19] =	ssyncset.done $0x0  }
0x26: {  	s26 =	simm.s32 $0x2780;
	[sflag:s19] =	ssyncadd.s32 $0xFFFFD800  }
0x27: {  	[spmem:s2] =	stream.indirect.scatter.add.f32 [tilespmem:s17], [sflag:$0x3], $0x80, s26, s16, $0xb8;
	[tilespmem:$0x1F780] =	vst v63  }
0x28: {  	_ =	swait.ge [sflag:s12], $0x2800  }
0x29: {  	[sflag:s12] =	ssyncset.done $0x0  }
0x2a: {  	s30 =	simm.s32 $0xA0;
	[sflag:s12] =	ssyncadd.s32 $0xFFFFD800  }
0x2b: {  	[tilespmem:s17], [sflag:$0x1] =	stream.indirect.gather [hbm4b:s4+s16], $0x80, s30, s16, $0xb8;
	[tilespmem:$0x1F780] =	vst v63  }
0x2c: {  	_ =	swait.ge [sflag:s20], $0x2800  }
0x2d: {  	[sflag:s20] =	ssyncset.done $0x0  }
0x2e: {  	s31 =	simm.s32 $0x2800;
	[sflag:s20] =	ssyncadd.s32 $0xFFFFD800  }
0x2f: {  	[spmem:s2] =	stream.indirect.scatter.add.f32 [tilespmem:s18], [sflag:$0x3], $0x80, s31, s16, $0xb8;
	[tilespmem:$0x1F780] =	vst v63  }
0x30: {  	_ =	swait.ge [sflag:s12], $0x2800  }
0x31: {  	s28 =	simm.s32 $0x400;
	[sflag:s12] =	ssyncset.done $0x0  }
0x32: {  	s29 =	simm.s32 $0x190;
	s26 =	simm.s32 $0xF0;
	[sflag:s12] =	ssyncadd.s32 $0xFFFFD800  }
.LBB2_2:
0x33: {  	[tilespmem:s18], [sflag:$0x2] =	stream.indirect.gather [hbm4b:s4+s16], $0x80, s26, s16, $0xb8;
	[tilespmem:$0x1F780] =	vst v63  }
0x34: {  	s30 =	smov.u32 s28;
	s26 =	smov.u32 s29  }
0x35: {  	p0 =	sne.s32 s28, $0xF000;
	s28 =	sadd.s32 $0x400, s28;
	_ =	swait.ge [sflag:s19], $0x2800  }
0x36: {  	s30 =	sshra.s32 s30, $0x2;
	[sflag:s19] =	ssyncset.done $0x0  }
0x37: {  	s31 =	sadd.s32 $0x2780, s30;
	[sflag:s19] =	ssyncadd.s32 $0xFFFFD800  }
0x38: {  	[spmem:s2] =	stream.indirect.scatter.add.f32 [tilespmem:s17], [sflag:$0x3], $0x80, s31, s16, $0xb8;
	[tilespmem:$0x1F780] =	vst v63  }
0x39: {  	_ =	swait.ge [sflag:s12], $0x2800  }
0x3a: {  	[sflag:s12] =	ssyncset.done $0x0  }
0x3b: {  	s31 =	sadd.s32 $0xFFFFFFB0, s29;
	[sflag:s12] =	ssyncadd.s32 $0xFFFFD800  }
0x3c: {  	[tilespmem:s17], [sflag:$0x1] =	stream.indirect.gather [hbm4b:s4+s16], $0x80, s31, s16, $0xb8;
	[tilespmem:$0x1F780] =	vst v63  }
0x3d: {  	_ =	swait.ge [sflag:s20], $0x2800  }
0x3e: {  	[sflag:s20] =	ssyncset.done $0x0  }
.Ltmp0:
0x3f: {  	s30 =	sadd.s32 $0x2800, s30;
	[sflag:s20] =	ssyncadd.s32 $0xFFFFD800;
	(pc) =	sbr.rel @p0 .LBB2_2-.Ltmp0, $4  }
0x40: {  	[spmem:s2] =	stream.indirect.scatter.add.f32 [tilespmem:s18], [sflag:$0x3], $0x80, s30, s16, $0xb8;
	[tilespmem:$0x1F780] =	vst v63  }
0x41: {  	_ =	swait.ge [sflag:s12], $0x2800  }
0x42: {  	[sflag:s12] =	ssyncset.done $0x0  }
0x43: {  	s29 =	sadd.s32 $0xA0, s29;
	[sflag:s12] =	ssyncadd.s32 $0xFFFFD800  }
0x44: {  	[tilespmem:s18], [sflag:$0x2] =	stream.indirect.gather [hbm4b:s4+s16], $0x80, s26, s16, $0xb8;
	[tilespmem:$0x1F780] =	vst v63  }
0x45: {  	_ =	swait.ge [sflag:s19], $0x2800  }
0x46: {  	[sflag:s19] =	ssyncset.done $0x0  }
0x47: {  	[sflag:s19] =	ssyncadd.s32 $0xFFFFD800  }
0x48: {  	[spmem:s2] =	stream.indirect.scatter.add.f32 [tilespmem:s17], [sflag:$0x3], $0x80, s21, s16, $0xb8;
	[tilespmem:$0x1F780] =	vst v63  }
0x49: {  	_ =	swait.ge [sflag:s12], $0x2800  }
0x4a: {  	[sflag:s12] =	ssyncset.done $0x0  }
0x4b: {  	[sflag:s12] =	ssyncadd.s32 $0xFFFFD800  }
0x4c: {  	[tilespmem:s17], [sflag:$0x1] =	stream.indirect.gather [hbm4b:s4+s16], $0x80, s22, s16, $0xb8;
	[tilespmem:$0x1F780] =	vst v63  }
0x4d: {  	_ =	swait.ge [sflag:s20], $0x2800  }
0x4e: {  	[sflag:s20] =	ssyncset.done $0x0  }
0x4f: {  	[sflag:s20] =	ssyncadd.s32 $0xFFFFD800  }
0x50: {  	[spmem:s2] =	stream.indirect.scatter.add.f32 [tilespmem:s18], [sflag:$0x3], $0x80, s23, s16, $0xb8;
	[tilespmem:$0x1F780] =	vst v63  }
0x51: {  	_ =	swait.ge [sflag:s12], $0x2800  }
0x52: {  	[sflag:s12] =	ssyncset.done $0x0  }
0x53: {  	[sflag:s12] =	ssyncadd.s32 $0xFFFFD800  }
0x54: {  	_ =	swait.ge [sflag:s19], $0x2800  }
0x55: {  	[sflag:s19] =	ssyncset.done $0x0  }
0x56: {  	[sflag:s19] =	ssyncadd.s32 $0xFFFFD800  }
0x57: {  	[spmem:s2] =	stream.indirect.scatter.add.f32 [tilespmem:s17], [sflag:$0x3], $0x80, s24, s16, $0xb8;
	[tilespmem:$0x1F780] =	vst v63  }
0x58: {  	_ =	swait.ge [sflag:s12], $0x2800  }
0x59: {  	s25 =	sadd.s32 $0x1, s25;
	[sflag:s12] =	ssyncset.done $0x0  }
0x5a: {  	p0 =	sne.s32 s25, s9;
	[sflag:s12] =	ssyncadd.s32 $0xFFFFD800  }
.Ltmp1:
0x5b: {  	[bflag:$0x0] =	sbarrier.arrive $0xFFFF;
	(pc) =	sbr.rel @p0 .LBB2_1-.Ltmp1, $4  }
0x5c: {  	[hbm:s8], [sflag:s14] =	dma.local [spmem:s15], $0x2800  }
0x5d: {  	_ =	swait.ge [sflag:s12], $0x2800  }
0x5e: {  	[sflag:s12] =	ssyncset.done $0x0  }
0x5f: {  	[sflag:s12] =	ssyncadd.s32 $0xFFFFD800  }
0x60: {  	_ =	sfence.sel $0x180000  }
0x61: {  	[bflag:$0x0] =	sbarrier.arrive $0xFFFF  }
0x62: {  	p0 =	sne.s32 s1, $0x0;
	_ =	strace $0x9000004D  }
0x63: {  	s0 =	sadd.s32 @!p0 $0x100000, s0;
	[bflag:$0x2] =	sbarrier.arrive $0xFFFF  }
0x64: {  	[sflag:s0] =	ssyncadd.tile.s32 @!p0 $0x1;
	_ =	shalt  }
.Lfunc_end2:
_tile_overlayer_lowered:
.L_overlay_start_2:
0x65: {  	(tag) =	ssettag $0x2  }
0x66: {  	s0 =	rddreg [dreg:$0x0];
	s2 =	stileid.u32  }
0x67: {  	s1 =	rddreg [dreg:$0x1];
	p0 =	sne.s32 s2, $0x0  }
0x68: {  	s3 =	rddreg [dreg:$0x2];
	[bflag:$0x3] =	sbarrier.arrive $0xFFFF;
	s2 =	simm.s32 @!p0 $0x1C03  }
0x69: {  	[timem:s3], [sflag:s2] =	dma.local @!p0 [hbm:s0], s1  }
0x6a: {  	s0 =	simm.s32 @!p0 $0x3  }
0x6b: {  	_ =	swait.ge @!p0 [sflag:s0], s1  }
0x6c: {  	s1 =	ssub.s32 @!p0 $0x0, s1;
	[sflag:s0] =	ssyncset.done @!p0 $0x0  }
0x6d: {  	[sflag:s0] =	ssyncadd.s32 @!p0 s1  }
0x6e: {  	[bflag:$0x3] =	sbarrier.arrive $0xFFFF  }
0x6f: {  	_ =	shalt  }

// kernel: kernel.21.cloned.1.call-start
scs
__scs_entry_jumppad:
0x0: {  	(pc) =	sbr.rel $0x88, $3  }
0x1: {  	(tag) =	ssettag $0x0;
	lr =	simm.s32 $0x1  }
0x2: {  	[smem:$0x3F88] =	sst lr;
	_ =	strace $0xD0000000  }
0x3: {  	_ = 	snop  }
0x4: {  	_ = 	snop  }
0x5: {  	_ = 	snop  }
0x6: {  	_ = 	snop  }
0x7: {  	_ = 	snop  }
__scs_overlays_trampoline_lowered:
0x8: {  	[smem:$0x3F97] =	sst s0  }
0x9: {  	[smem:$0x3F98] =	sst s1  }
0xa: {  	[smem:$0x3F99] =	sst s2  }
0xb: {  	[smem:$0x3F9A] =	sst s3  }
0xc: {  	[smem:$0x3F9B] =	sst s4  }
0xd: {  	[smem:$0x3F9C] =	sst s5  }
0xe: {  	[smem:$0x3F9D] =	sst s6  }
0xf: {  	[smem:$0x3F9E] =	sst s7  }
0x10: {  	[smem:$0x3F9F] =	sst s8  }
0x11: {  	[smem:$0x3FA0] =	sst s9;
	s0 =	simm.s32 @!p0 $0x0  }
0x12: {  	s1 =	sld [smem:$0x3F86];
	s0 =	simm.s32 @p0 $0x1  }
0x13: {  	[smem:$0x3FA1] =	sst s0;
	s0 =	simm.s32 @!p1 $0x0  }
0x14: {  	s2 =	sld [smem:$0x3F85];
	s0 =	simm.s32 @p1 $0x1  }
0x15: {  	[smem:$0x3FA2] =	sst s0;
	s0 =	simm.s32 @!p2 $0x0  }
0x16: {  	s3 =	sld [smem:$0x3FDB];
	s0 =	simm.s32 @p2 $0x1  }
0x17: {  	s4 =	simm.s32 $0x1BF5;
	[smem:$0x3FA4] =	sst s0  }
0x18: {  	s0 =	sld [smem:$0x3F87];
	_ =	swait.ge [sflag:s4], $0x0  }
0x19: {  	s7 =	sld [smem:$0x3F88]  }
0x1a: {  	s8 =	sadd.s32 $0xFFFFE003, lr  }
0x1b: {  	s9 =	sadd.s32 $0xFFFFFEF7, lr;
	s5 =	simm.s32 $0xFFFFFFFF;
	p2 =	slt.u32 s8, $0xFFFFF086  }
0x1c: {  	p1 =	slt.u32 s9, $0xF7A;
	s5 =	simm.s32 @!p2 $0x0  }
0x1d: {  	s5 =	simm.s32 @p1 $0x1;
	p0 =	seq.s32 s7, s2  }
0x1e: {  	s7 =	smul.u32 @!p0 $0xF7A, s2;
	p2 =	seq.s32 @!p0 s5, $0x0  }
0x1f: {  	s9 =	smul.u32 $0xF7A, s1;
	s8 =	simm.s32 @!p0 $0x1BF5;
	p2 =	por !p2, p0  }
0x20: {  	[sflag:s8] =	ssyncset.s32 @!p0 $0xFFFFF086;
	s6 =	sadd.s32 @!p0 s3, s7;
	s7 =	simm.s32 @!p0 $0x108  }
0x21: {  	s3 =	sadd.s32 s3, s9;
	s6 =	sadd.s32 @!p0 $0x88, s6;
	s7 =	simm.s32 @p2 $0x1082  }
0x22: {  	[simem:s7], [sflag:s8] =	dma.local @!p0 [hbm:s6], $0xF7A  }
0x23: {  	s9 =	sor.u32 $0xD0000000, s2;
	s6 =	simm.s32 $0x108;
	_ =	swait.ge @!p0 [sflag:s8], $0x0  }
0x24: {  	s3 =	sadd.s32 $0x88, s3;
	s6 =	simm.s32 @!p1 $0x1082;
	[sflag:s4] =	ssyncset.s32 $0xFFFFF086  }
0x25: {  	[simem:s6], [sflag:s4] =	dma.local [hbm:s3], $0xF7A  }
0x26: {  	[smem:$0x3F88] =	sst s1;
	(tag) =	ssettag s2;
	_ =	strace s9  }
0x27: {  	s1 =	sld [smem:$0x3F98]  }
0x28: {  	s2 =	sld [smem:$0x3F99]  }
0x29: {  	s4 =	sld [smem:$0x3F9B]  }
0x2a: {  	p0 =	seq.s32 s5, $0x0;
	s5 =	sld [smem:$0x3F9C]  }
0x2b: {  	s6 =	sld [smem:$0x3F9D]  }
0x2c: {  	s7 =	sld [smem:$0x3F9E]  }
0x2d: {  	s3 =	simm.s32 $0x108;
	s8 =	sld [smem:$0x3F9F]  }
0x2e: {  	s3 =	simm.s32 @!p0 $0x1082;
	s9 =	sld [smem:$0x3FA0]  }
0x2f: {  	lr =	sadd.s32 s0, s3;
	s0 =	sld [smem:$0x3F97]  }
0x30: {  	s3 =	sld [smem:$0x3F9A]  }
0x31: {  	[smem:$0x3FA3] =	sst s10  }
0x32: {  	s10 =	sld [smem:$0x3FA1];
	_ =	sdelay $0x3  }
0x33: {  	p0 =	seq.s32 s10, $0x1;
	s10 =	sld [smem:$0x3FA3];
	_ =	sdelay $0x3  }
0x34: {  	[smem:$0x3FA3] =	sst s10  }
0x35: {  	s10 =	sld [smem:$0x3FA2];
	_ =	sdelay $0x3  }
0x36: {  	p1 =	seq.s32 s10, $0x1;
	s10 =	sld [smem:$0x3FA3];
	_ =	sdelay $0x3  }
0x37: {  	[smem:$0x3FA3] =	sst s10  }
0x38: {  	s10 =	sld [smem:$0x3FA4]  }
0x39: {  	_ = 	snop;
	(pc) =	sbr.ind lr, $3  }
0x3a: {  	_ = 	snop  }
0x3b: {  	_ = 	snop  }
0x3c: {  	p2 =	seq.s32 s10, $0x1;
	s10 =	sld [smem:$0x3FA3]  }
0x3d: {  	_ =	shalt  }
0x3e: {  	_ =	shalt  }
0x3f: {  	_ =	shalt  }
0x40: {  	_ =	shalt  }
0x41: {  	_ =	shalt  }
0x42: {  	_ =	shalt  }
0x43: {  	_ =	shalt  }
0x44: {  	_ =	shalt  }
0x45: {  	_ =	shalt  }
0x46: {  	_ =	shalt  }
0x47: {  	_ =	shalt  }
0x48: {  	_ =	shalt  }
0x49: {  	_ =	shalt  }
0x4a: {  	_ =	shalt  }
0x4b: {  	_ =	shalt  }
0x4c: {  	_ =	shalt  }
0x4d: {  	_ =	shalt  }
0x4e: {  	_ =	shalt  }
0x4f: {  	_ =	shalt  }
0x50: {  	_ =	shalt  }
0x51: {  	_ =	shalt  }
0x52: {  	_ =	shalt  }
0x53: {  	_ =	shalt  }
0x54: {  	_ =	shalt  }
0x55: {  	_ =	shalt  }
0x56: {  	_ =	shalt  }
0x57: {  	_ =	shalt  }
0x58: {  	_ =	shalt  }
0x59: {  	_ =	shalt  }
0x5a: {  	_ =	shalt  }
0x5b: {  	_ =	shalt  }
0x5c: {  	_ =	shalt  }
0x5d: {  	_ =	shalt  }
0x5e: {  	_ =	shalt  }
0x5f: {  	_ =	shalt  }
0x60: {  	_ =	shalt  }
0x61: {  	_ =	shalt  }
0x62: {  	_ =	shalt  }
0x63: {  	_ =	shalt  }
0x64: {  	_ =	shalt  }
0x65: {  	_ =	shalt  }
0x66: {  	_ =	shalt  }
0x67: {  	_ =	shalt  }
0x68: {  	_ =	shalt  }
0x69: {  	_ =	shalt  }
0x6a: {  	_ =	shalt  }
0x6b: {  	_ =	shalt  }
0x6c: {  	_ =	shalt  }
0x6d: {  	_ =	shalt  }
0x6e: {  	_ =	shalt  }
0x6f: {  	_ =	shalt  }
0x70: {  	_ =	shalt  }
0x71: {  	_ =	shalt  }
0x72: {  	_ =	shalt  }
0x73: {  	_ =	shalt  }
0x74: {  	_ =	shalt  }
0x75: {  	_ =	shalt  }
0x76: {  	_ =	shalt  }
0x77: {  	_ =	shalt  }
0x78: {  	_ =	shalt  }
0x79: {  	_ =	shalt  }
0x7a: {  	_ =	shalt  }
0x7b: {  	_ =	shalt  }
0x7c: {  	_ =	shalt  }
0x7d: {  	_ =	shalt  }
0x7e: {  	_ =	shalt  }
0x7f: {  	_ =	shalt  }
0x80: {  	_ =	shalt  }
0x81: {  	_ =	shalt  }
0x82: {  	_ =	shalt  }
0x83: {  	_ =	shalt  }
0x84: {  	_ =	shalt  }
0x85: {  	_ =	shalt  }
0x86: {  	_ =	shalt  }
0x87: {  	_ =	shalt  }
.Lfunc_end0:
.L_simem_size_0:
called_computation.3_lowered:
.L_overlay_start_0:
0x88: {  	s2 =	sld [smem:$0x3FD9]  }
0x89: {  	s3 =	sld [smem:$0x3FFE];
	_ =	sdelay $0x1  }
0x8a: {  	s1 =	srdreg.scid  }
0x8b: {  	s0 =	sand.u32 $0x1, s1  }
0x8c: {  	s16 =	sshll.u32 s0, $0xA;
	s2 =	sadd.s32 s3, s2  }
0x8d: {  	s2 =	sadd.s32 s2, s16  }
0x8e: {  	[smem:$0x3FAF] =	sst s2  }
0x8f: {  	_ = 	snop  }
0x90: {  	(tm) =	ssettm $0x1  }
0x91: {  	s17 =	sld [smem:$0x3FFB];
	_ =	sdelay $0x3  }
0x92: {  	_ =	strace s17  }
0x93: {  	s2 =	sld [smem:$0x3FFC];
	_ =	sdelay $0x3  }
0x94: {  	_ =	strace s2  }
0x95: {  	s2 =	sld [smem:$0x3FFD];
	_ =	sdelay $0x3  }
0x96: {  	_ =	strace s2  }
0x97: {  	_ =	strace $0x8FFFFFFF  }
0x98: {  	s18 =	sld [smem:$0x3FDB];
	_ =	sdelay $0x1  }
0x99: {  	s19 =	simm.s32 $_scs_section_size  }
0x9a: {  	s4 =	simm.s32 $_size__tile_overlayer_lowered;
	s5 =	simm.s32 $_tile_overlayer_lowered  }
0x9b: {  	s22 =	simm.s32 $0x1BFF;
	s21 =	sshll.u32 s5, $0x1;
	s2 =	sadd.s32 s19, s18  }
0x9c: {  	s6 =	simm.s32 $0x0;
	s20 =	sshll.u32 s4, $0x1;
	s4 =	sadd.s32 s21, s2  }
0x9d: {  	[timem:s6], [sflag:s22] =	dma.local [hbm:s4], s20  }
0x9e: {  	_ =	swait.ge [sflag:s22], s20  }
0x9f: {  	s3 =	ssub.s32 $0x0, s20;
	[sflag:s22] =	ssyncset.done $0x0  }
0xa0: {  	[sflag:s22] =	ssyncadd.s32 s3;
	_ =	sdelay $0x1  }
0xa1: {  	s23 =	simm.s32 $0x1B8B  }
0xa2: {  	_ =	swait.ge [sflag:s23], $0x1  }
0xa3: {  	[sflag:s23] =	ssyncset.done $0x0  }
0xa4: {  	s25 =	simm.s32 $0x1B8E;
	s24 =	sld [smem:$0x3FFE];
	[sflag:s23] =	ssyncadd.s32 $0xFFFFFFFF  }
0xa5: {  	s26 =	simm.s32 $execute0_lowered;
	[smem:$0x3FD2] =	sst s25  }
0xa6: {  	s4 =	sshll.u32 s26, $0x1;
	_ =	strace $0x8000004F;
	[dreg:$0x1] =	wrdreg $0xFFFFFFFF  }
0xa7: {  	s28 =	simm.s32 $_size_execute0_lowered;
	s2 =	sadd.s32 s2, s4;
	[dreg:$0x0] =	wrdreg $0x0  }
0xa8: {  	s4 =	sshll.u32 s28, $0x1;
	[dreg:$0x2] =	wrdreg s2  }
0xa9: {  	[dreg:$0x3] =	wrdreg s4  }
0xaa: {  	[dreg:$0x4] =	wrdreg $0xC0  }
0xab: {  	_ =	task [dreg:s6], $0x5FFFF  }
0xac: {  	[dreg:$0x1] =	wrdreg $0xFFFFFFFF  }
0xad: {  	[dreg:$0x0] =	wrdreg $0x60  }
0xae: {  	[dreg:$0x2] =	wrdreg s24  }
0xaf: {  	[dreg:$0x3] =	wrdreg $0xB7800  }
0xb0: {  	[dreg:$0x4] =	wrdreg $0x9  }
0xb1: {  	_ =	task.clear_ibuf [dreg:s6], $0x5FFFF;
	_ =	strace $0x9000004F  }
0xb2: {  	s29 =	simm.s32 $0x9;
	_ =	strace $0x80000051  }
0xb3: {  	_ =	swait.ge [sflag:s29], $0x1  }
0xb4: {  	[sflag:s29] =	ssyncadd.s32 $0xFFFFFFFF  }
0xb5: {  	_ =	strace $0x90000051  }
0xb6: {  	_ =	sfence  }
0xb7: {  	s30 =	sld [smem:$0x0];
	_ =	sdelay $0x2  }
0xb8: {  	s31 =	sshll.u32 s1, $0xD;
	s1 =	sshrl.u32 s1, $0x2  }
0xb9: {  	s3 =	sand.u32 $0x4000, s31;
	s1 =	sadd.s32 s1, s30  }
0xba: {  	s0 =	sor.u32 s3, s0;
	s1 =	sshll.u32 s1, $0x11  }
0xbb: {  	s0 =	sor.u32 s1, s0  }
0xbc: {  	s0 =	sadd.s32 $0x8F2B, s0  }
0xbd: {  	[sflag:s0] =	ssyncadd.remote.s32 $0x1  }
0xbe: {  	_ =	sfence.sel $0xFFFF  }
0xbf: {  	[dreg:$0x0] =	wrdreg $0xFFFFFFFF;
	(pc) =	sbr.abs _section_cstart, $3  }
0xc0: {  	[dreg:$0x1] =	wrdreg $0xFFFFFFFF  }
0xc1: {  	_ =	task.clear_ibuf [dreg:s6], $0x2FFFF;
	_ =	strace $0x9FFFFFFF  }
0xc2: {  	(tm) =	ssettm $0x7FFFFFFF  }
0xc3: {  	_ =	shalt  }
tec
execute0_lowered:
.L_overlay_start_1:
0x0: {  	(tag) =	ssettag $0x1  }
0x1: {  	s5 =	rddreg [dreg:$0x0]  }
0x2: {  	s2 =	rddreg [dreg:$0x1];
	s3 =	srdreg.scid  }
0x3: {  	s1 =	stileid.u32;
	s0 =	rddreg [dreg:$0x2];
	s13 =	simm.s32 $0x2780  }
0x4: {  	s16 =	simm.s32 $0x50;
	s17 =	simm.s32 $0x6780;
	s18 =	simm.s32 $0x8F80  }
0x5: {  	s19 =	simm.s32 $0x1;
	s20 =	simm.s32 $0x2;
	s21 =	simm.s32 $0x6480  }
0x6: {  	s22 =	simm.s32 $0x26C0;
	s23 =	simm.s32 $0x6500;
	s24 =	simm.s32 $0x6580  }
0x7: {  	s25 =	simm.s32 $0x0;
	s6 =	sand.u32 $0x1, s3;
	s4 =	sshll.u32 s1, $0x1  }
0x8: {  	s3 =	simm.s32 $0x0;
	s28 =	sshrl.u32 s1, $0x2;
	s30 =	smul.u32 $0x2800, s1  }
0x9: {  	s12 =	smul.u32 $0x50000, s1;
	s14 =	sshll.u32 s1, $0x6;
	s7 =	sor.u32 s6, s4  }
0xa: {  	[smem:$0x7FF] =	sst s3;
	s8 =	smul.u32 $0x13C00, s28;
	s4 =	sadd.s32 $0x54000, s5  }
0xb: {  	s10 =	smul.u32 $0x28000, s6;
	s6 =	ssub.s32 $0x2, s6;
	s14 =	sor.u32 $0x1C03, s14  }
0xc: {  	s29 =	sshll.u32 s7, $0x7;
	_ =	strace $0x80000050;
	s7 =	sshll.u32 s7, $0xB  }
0xd: {  	s11 =	sshrl.u32 s6, $0x1;
	s31 =	sshrl.u32 s12, $0x2;
	s12 =	simm.s32 $0x3  }
0xe: {  	s9 =	sand.u32 $0x380, s29;
	s7 =	sadd.s32 s7, s5;
	s10 =	sadd.s32 s30, s10  }
0xf: {  	s11 =	ssub.s32 s6, s11;
	s15 =	sadd.s32 s31, s2;
	s8 =	sor.u32 s8, s9  }
0x10: {  	s9 =	sadd.s32 s30, s5;
	s10 =	sadd.s32 s10, s5;
	s6 =	sadd.s32 $0x44000, s7  }
0x11: {  	s15 =	sshrl.u32 s15, $0x3;
	s8 =	sshrl.u32 s8, $0x3;
	s7 =	sadd.s32 $0x1AC00, s9  }
0x12: {  	s9 =	smax.u32 s11, $0x1;
	s11 =	simm.s32 $0x400;
	s8 =	sadd.s32 s8, s5  }
0x13: {  	s5 =	sadd.s32 $0x7000, s8;
	s8 =	sadd.s32 $0x117A00, s10;
	s10 =	simm.s32 $0x80  }
.LBB2_1:
0x14: {  	[tilespmem:s3], [sflag:$0x3] =	stream.strided.gather [hbm4b:s5+s10], $0x2780, s11, s10, $0x38;
	[tilespmem:$0x1F780] =	vst v63  }
0x15: {  	_ =	swait.ge [sflag:s12], $0x2780  }
0x16: {  	[sflag:s12] =	ssyncset.done $0x0  }
0x17: {  	[sflag:s12] =	ssyncadd.s32 $0xFFFFD880  }
0x18: {  	[tilespmem:s13], [sflag:$0x3] =	stream.linear.gather [hbm4b:s6+s3], $0x3E80, $0x38;
	[tilespmem:$0x1F780] =	vst v63  }
0x19: {  	_ =	swait.ge [sflag:s12], $0x3E80  }
0x1a: {  	[sflag:s12] =	ssyncset.done $0x0  }
0x1b: {  	[sflag:s12] =	ssyncadd.s32 $0xFFFFC180  }
0x1c: {  	[spmem:s15], [sflag:s14] =	dma.local [hbm:s7], $0x2800  }
0x1d: {  	_ =	swait.ge [sflag:s12], $0x2800  }
0x1e: {  	[sflag:s12] =	ssyncset.done $0x0  }
0x1f: {  	[sflag:s12] =	ssyncadd.s32 $0xFFFFD800  }
0x20: {  	[bflag:$0x0] =	sbarrier.arrive $0xFFFF  }
0x21: {  	[tilespmem:s17], [sflag:$0x1] =	stream.indirect.gather [hbm4b:s4+s16], $0x80, s3, s16, $0xb8;
	[tilespmem:$0x1F780] =	vst v63  }
0x22: {  	_ = 	snop  }
0x23: {  	[tilespmem:s18], [sflag:$0x2] =	stream.indirect.gather [hbm4b:s4+s16], $0x80, s16, s16, $0xb8;
	[tilespmem:$0x1F780] =	vst v63  }
0x24: {  	_ =	swait.ge [sflag:s19], $0x2800  }
0x25: {  	[sflag:s19] =	ssyncset.done $0x0  }
0x26: {  	s26 =	simm.s32 $0x2780;
	[sflag:s19] =	ssyncadd.s32 $0xFFFFD800  }
0x27: {  	[spmem:s2] =	stream.indirect.scatter.add.f32 [tilespmem:s17], [sflag:$0x3], $0x80, s26, s16, $0xb8;
	[tilespmem:$0x1F780] =	vst v63  }
0x28: {  	_ =	swait.ge [sflag:s12], $0x2800  }
0x29: {  	[sflag:s12] =	ssyncset.done $0x0  }
0x2a: {  	s30 =	simm.s32 $0xA0;
	[sflag:s12] =	ssyncadd.s32 $0xFFFFD800  }
0x2b: {  	[tilespmem:s17], [sflag:$0x1] =	stream.indirect.gather [hbm4b:s4+s16], $0x80, s30, s16, $0xb8;
	[tilespmem:$0x1F780] =	vst v63  }
0x2c: {  	_ =	swait.ge [sflag:s20], $0x2800  }
0x2d: {  	[sflag:s20] =	ssyncset.done $0x0  }
0x2e: {  	s31 =	simm.s32 $0x2800;
	[sflag:s20] =	ssyncadd.s32 $0xFFFFD800  }
0x2f: {  	[spmem:s2] =	stream.indirect.scatter.add.f32 [tilespmem:s18], [sflag:$0x3], $0x80, s31, s16, $0xb8;
	[tilespmem:$0x1F780] =	vst v63  }
0x30: {  	_ =	swait.ge [sflag:s12], $0x2800  }
0x31: {  	s28 =	simm.s32 $0x400;
	[sflag:s12] =	ssyncset.done $0x0  }
0x32: {  	s29 =	simm.s32 $0x190;
	s26 =	simm.s32 $0xF0;
	[sflag:s12] =	ssyncadd.s32 $0xFFFFD800  }
.LBB2_2:
0x33: {  	[tilespmem:s18], [sflag:$0x2] =	stream.indirect.gather [hbm4b:s4+s16], $0x80, s26, s16, $0xb8;
	[tilespmem:$0x1F780] =	vst v63  }
0x34: {  	s30 =	smov.u32 s28;
	s26 =	smov.u32 s29  }
0x35: {  	p0 =	sne.s32 s28, $0xF000;
	s28 =	sadd.s32 $0x400, s28;
	_ =	swait.ge [sflag:s19], $0x2800  }
0x36: {  	s30 =	sshra.s32 s30, $0x2;
	[sflag:s19] =	ssyncset.done $0x0  }
0x37: {  	s31 =	sadd.s32 $0x2780, s30;
	[sflag:s19] =	ssyncadd.s32 $0xFFFFD800  }
0x38: {  	[spmem:s2] =	stream.indirect.scatter.add.f32 [tilespmem:s17], [sflag:$0x3], $0x80, s31, s16, $0xb8;
	[tilespmem:$0x1F780] =	vst v63  }
0x39: {  	_ =	swait.ge [sflag:s12], $0x2800  }
0x3a: {  	[sflag:s12] =	ssyncset.done $0x0  }
0x3b: {  	s31 =	sadd.s32 $0xFFFFFFB0, s29;
	[sflag:s12] =	ssyncadd.s32 $0xFFFFD800  }
0x3c: {  	[tilespmem:s17], [sflag:$0x1] =	stream.indirect.gather [hbm4b:s4+s16], $0x80, s31, s16, $0xb8;
	[tilespmem:$0x1F780] =	vst v63  }
0x3d: {  	_ =	swait.ge [sflag:s20], $0x2800  }
0x3e: {  	[sflag:s20] =	ssyncset.done $0x0  }
.Ltmp0:
0x3f: {  	s30 =	sadd.s32 $0x2800, s30;
	[sflag:s20] =	ssyncadd.s32 $0xFFFFD800;
	(pc) =	sbr.rel @p0 .LBB2_2-.Ltmp0, $4  }
0x40: {  	[spmem:s2] =	stream.indirect.scatter.add.f32 [tilespmem:s18], [sflag:$0x3], $0x80, s30, s16, $0xb8;
	[tilespmem:$0x1F780] =	vst v63  }
0x41: {  	_ =	swait.ge [sflag:s12], $0x2800  }
0x42: {  	[sflag:s12] =	ssyncset.done $0x0  }
0x43: {  	s29 =	sadd.s32 $0xA0, s29;
	[sflag:s12] =	ssyncadd.s32 $0xFFFFD800  }
0x44: {  	[tilespmem:s18], [sflag:$0x2] =	stream.indirect.gather [hbm4b:s4+s16], $0x80, s26, s16, $0xb8;
	[tilespmem:$0x1F780] =	vst v63  }
0x45: {  	_ =	swait.ge [sflag:s19], $0x2800  }
0x46: {  	[sflag:s19] =	ssyncset.done $0x0  }
0x47: {  	[sflag:s19] =	ssyncadd.s32 $0xFFFFD800  }
0x48: {  	[spmem:s2] =	stream.indirect.scatter.add.f32 [tilespmem:s17], [sflag:$0x3], $0x80, s21, s16, $0xb8;
	[tilespmem:$0x1F780] =	vst v63  }
0x49: {  	_ =	swait.ge [sflag:s12], $0x2800  }
0x4a: {  	[sflag:s12] =	ssyncset.done $0x0  }
0x4b: {  	[sflag:s12] =	ssyncadd.s32 $0xFFFFD800  }
0x4c: {  	[tilespmem:s17], [sflag:$0x1] =	stream.indirect.gather [hbm4b:s4+s16], $0x80, s22, s16, $0xb8;
	[tilespmem:$0x1F780] =	vst v63  }
0x4d: {  	_ =	swait.ge [sflag:s20], $0x2800  }
0x4e: {  	[sflag:s20] =	ssyncset.done $0x0  }
0x4f: {  	[sflag:s20] =	ssyncadd.s32 $0xFFFFD800  }
0x50: {  	[spmem:s2] =	stream.indirect.scatter.add.f32 [tilespmem:s18], [sflag:$0x3], $0x80, s23, s16, $0xb8;
	[tilespmem:$0x1F780] =	vst v63  }
0x51: {  	_ =	swait.ge [sflag:s12], $0x2800  }
0x52: {  	[sflag:s12] =	ssyncset.done $0x0  }
0x53: {  	[sflag:s12] =	ssyncadd.s32 $0xFFFFD800  }
0x54: {  	_ =	swait.ge [sflag:s19], $0x2800  }
0x55: {  	[sflag:s19] =	ssyncset.done $0x0  }
0x56: {  	[sflag:s19] =	ssyncadd.s32 $0xFFFFD800  }
0x57: {  	[spmem:s2] =	stream.indirect.scatter.add.f32 [tilespmem:s17], [sflag:$0x3], $0x80, s24, s16, $0xb8;
	[tilespmem:$0x1F780] =	vst v63  }
0x58: {  	_ =	swait.ge [sflag:s12], $0x2800  }
0x59: {  	s25 =	sadd.s32 $0x1, s25;
	[sflag:s12] =	ssyncset.done $0x0  }
0x5a: {  	p0 =	sne.s32 s25, s9;
	[sflag:s12] =	ssyncadd.s32 $0xFFFFD800  }
.Ltmp1:
0x5b: {  	[bflag:$0x0] =	sbarrier.arrive $0xFFFF;
	(pc) =	sbr.rel @p0 .LBB2_1-.Ltmp1, $4  }
0x5c: {  	[hbm:s8], [sflag:s14] =	dma.local [spmem:s15], $0x2800  }
0x5d: {  	_ =	swait.ge [sflag:s12], $0x2800  }
0x5e: {  	[sflag:s12] =	ssyncset.done $0x0  }
0x5f: {  	[sflag:s12] =	ssyncadd.s32 $0xFFFFD800  }
0x60: {  	_ =	sfence.sel $0x180000  }
0x61: {  	[bflag:$0x0] =	sbarrier.arrive $0xFFFF  }
0x62: {  	p0 =	sne.s32 s1, $0x0;
	_ =	strace $0x90000050  }
0x63: {  	s0 =	sadd.s32 @!p0 $0x100000, s0;
	[bflag:$0x2] =	sbarrier.arrive $0xFFFF  }
0x64: {  	[sflag:s0] =	ssyncadd.tile.s32 @!p0 $0x1;
	_ =	shalt  }
.Lfunc_end2:
_tile_overlayer_lowered:
.L_overlay_start_2:
0x65: {  	(tag) =	ssettag $0x2  }
0x66: {  	s0 =	rddreg [dreg:$0x0];
	s2 =	stileid.u32  }
0x67: {  	s1 =	rddreg [dreg:$0x1];
	p0 =	sne.s32 s2, $0x0  }
0x68: {  	s3 =	rddreg [dreg:$0x2];
	[bflag:$0x3] =	sbarrier.arrive $0xFFFF;
	s2 =	simm.s32 @!p0 $0x1C03  }
0x69: {  	[timem:s3], [sflag:s2] =	dma.local @!p0 [hbm:s0], s1  }
0x6a: {  	s0 =	simm.s32 @!p0 $0x3  }
0x6b: {  	_ =	swait.ge @!p0 [sflag:s0], s1  }
0x6c: {  	s1 =	ssub.s32 @!p0 $0x0, s1;
	[sflag:s0] =	ssyncset.done @!p0 $0x0  }
0x6d: {  	[sflag:s0] =	ssyncadd.s32 @!p0 s1  }
0x6e: {  	[bflag:$0x3] =	sbarrier.arrive $0xFFFF  }
0x6f: {  	_ =	shalt  }

// kernel: kernel.24.cloned.1.call-start
scs
__scs_entry_jumppad:
0x0: {  	(pc) =	sbr.rel $0x88, $3  }
0x1: {  	(tag) =	ssettag $0x0;
	lr =	simm.s32 $0x1  }
0x2: {  	[smem:$0x3F88] =	sst lr;
	_ =	strace $0xD0000000  }
0x3: {  	_ = 	snop  }
0x4: {  	_ = 	snop  }
0x5: {  	_ = 	snop  }
0x6: {  	_ = 	snop  }
0x7: {  	_ = 	snop  }
__scs_overlays_trampoline_lowered:
0x8: {  	[smem:$0x3F97] =	sst s0  }
0x9: {  	[smem:$0x3F98] =	sst s1  }
0xa: {  	[smem:$0x3F99] =	sst s2  }
0xb: {  	[smem:$0x3F9A] =	sst s3  }
0xc: {  	[smem:$0x3F9B] =	sst s4  }
0xd: {  	[smem:$0x3F9C] =	sst s5  }
0xe: {  	[smem:$0x3F9D] =	sst s6  }
0xf: {  	[smem:$0x3F9E] =	sst s7  }
0x10: {  	[smem:$0x3F9F] =	sst s8  }
0x11: {  	[smem:$0x3FA0] =	sst s9;
	s0 =	simm.s32 @!p0 $0x0  }
0x12: {  	s1 =	sld [smem:$0x3F86];
	s0 =	simm.s32 @p0 $0x1  }
0x13: {  	[smem:$0x3FA1] =	sst s0;
	s0 =	simm.s32 @!p1 $0x0  }
0x14: {  	s2 =	sld [smem:$0x3F85];
	s0 =	simm.s32 @p1 $0x1  }
0x15: {  	[smem:$0x3FA2] =	sst s0;
	s0 =	simm.s32 @!p2 $0x0  }
0x16: {  	s3 =	sld [smem:$0x3FDB];
	s0 =	simm.s32 @p2 $0x1  }
0x17: {  	s4 =	simm.s32 $0x1BF5;
	[smem:$0x3FA4] =	sst s0  }
0x18: {  	s0 =	sld [smem:$0x3F87];
	_ =	swait.ge [sflag:s4], $0x0  }
0x19: {  	s7 =	sld [smem:$0x3F88]  }
0x1a: {  	s8 =	sadd.s32 $0xFFFFE003, lr  }
0x1b: {  	s9 =	sadd.s32 $0xFFFFFEF7, lr;
	s5 =	simm.s32 $0xFFFFFFFF;
	p2 =	slt.u32 s8, $0xFFFFF086  }
0x1c: {  	p1 =	slt.u32 s9, $0xF7A;
	s5 =	simm.s32 @!p2 $0x0  }
0x1d: {  	s5 =	simm.s32 @p1 $0x1;
	p0 =	seq.s32 s7, s2  }
0x1e: {  	s7 =	smul.u32 @!p0 $0xF7A, s2;
	p2 =	seq.s32 @!p0 s5, $0x0  }
0x1f: {  	s9 =	smul.u32 $0xF7A, s1;
	s8 =	simm.s32 @!p0 $0x1BF5;
	p2 =	por !p2, p0  }
0x20: {  	[sflag:s8] =	ssyncset.s32 @!p0 $0xFFFFF086;
	s6 =	sadd.s32 @!p0 s3, s7;
	s7 =	simm.s32 @!p0 $0x108  }
0x21: {  	s3 =	sadd.s32 s3, s9;
	s6 =	sadd.s32 @!p0 $0x88, s6;
	s7 =	simm.s32 @p2 $0x1082  }
0x22: {  	[simem:s7], [sflag:s8] =	dma.local @!p0 [hbm:s6], $0xF7A  }
0x23: {  	s9 =	sor.u32 $0xD0000000, s2;
	s6 =	simm.s32 $0x108;
	_ =	swait.ge @!p0 [sflag:s8], $0x0  }
0x24: {  	s3 =	sadd.s32 $0x88, s3;
	s6 =	simm.s32 @!p1 $0x1082;
	[sflag:s4] =	ssyncset.s32 $0xFFFFF086  }
0x25: {  	[simem:s6], [sflag:s4] =	dma.local [hbm:s3], $0xF7A  }
0x26: {  	[smem:$0x3F88] =	sst s1;
	(tag) =	ssettag s2;
	_ =	strace s9  }
0x27: {  	s1 =	sld [smem:$0x3F98]  }
0x28: {  	s2 =	sld [smem:$0x3F99]  }
0x29: {  	s4 =	sld [smem:$0x3F9B]  }
0x2a: {  	p0 =	seq.s32 s5, $0x0;
	s5 =	sld [smem:$0x3F9C]  }
0x2b: {  	s6 =	sld [smem:$0x3F9D]  }
0x2c: {  	s7 =	sld [smem:$0x3F9E]  }
0x2d: {  	s3 =	simm.s32 $0x108;
	s8 =	sld [smem:$0x3F9F]  }
0x2e: {  	s3 =	simm.s32 @!p0 $0x1082;
	s9 =	sld [smem:$0x3FA0]  }
0x2f: {  	lr =	sadd.s32 s0, s3;
	s0 =	sld [smem:$0x3F97]  }
0x30: {  	s3 =	sld [smem:$0x3F9A]  }
0x31: {  	[smem:$0x3FA3] =	sst s10  }
0x32: {  	s10 =	sld [smem:$0x3FA1];
	_ =	sdelay $0x3  }
0x33: {  	p0 =	seq.s32 s10, $0x1;
	s10 =	sld [smem:$0x3FA3];
	_ =	sdelay $0x3  }
0x34: {  	[smem:$0x3FA3] =	sst s10  }
0x35: {  	s10 =	sld [smem:$0x3FA2];
	_ =	sdelay $0x3  }
0x36: {  	p1 =	seq.s32 s10, $0x1;
	s10 =	sld [smem:$0x3FA3];
	_ =	sdelay $0x3  }
0x37: {  	[smem:$0x3FA3] =	sst s10  }
0x38: {  	s10 =	sld [smem:$0x3FA4]  }
0x39: {  	_ = 	snop;
	(pc) =	sbr.ind lr, $3  }
0x3a: {  	_ = 	snop  }
0x3b: {  	_ = 	snop  }
0x3c: {  	p2 =	seq.s32 s10, $0x1;
	s10 =	sld [smem:$0x3FA3]  }
0x3d: {  	_ =	shalt  }
0x3e: {  	_ =	shalt  }
0x3f: {  	_ =	shalt  }
0x40: {  	_ =	shalt  }
0x41: {  	_ =	shalt  }
0x42: {  	_ =	shalt  }
0x43: {  	_ =	shalt  }
0x44: {  	_ =	shalt  }
0x45: {  	_ =	shalt  }
0x46: {  	_ =	shalt  }
0x47: {  	_ =	shalt  }
0x48: {  	_ =	shalt  }
0x49: {  	_ =	shalt  }
0x4a: {  	_ =	shalt  }
0x4b: {  	_ =	shalt  }
0x4c: {  	_ =	shalt  }
0x4d: {  	_ =	shalt  }
0x4e: {  	_ =	shalt  }
0x4f: {  	_ =	shalt  }
0x50: {  	_ =	shalt  }
0x51: {  	_ =	shalt  }
0x52: {  	_ =	shalt  }
0x53: {  	_ =	shalt  }
0x54: {  	_ =	shalt  }
0x55: {  	_ =	shalt  }
0x56: {  	_ =	shalt  }
0x57: {  	_ =	shalt  }
0x58: {  	_ =	shalt  }
0x59: {  	_ =	shalt  }
0x5a: {  	_ =	shalt  }
0x5b: {  	_ =	shalt  }
0x5c: {  	_ =	shalt  }
0x5d: {  	_ =	shalt  }
0x5e: {  	_ =	shalt  }
0x5f: {  	_ =	shalt  }
0x60: {  	_ =	shalt  }
0x61: {  	_ =	shalt  }
0x62: {  	_ =	shalt  }
0x63: {  	_ =	shalt  }
0x64: {  	_ =	shalt  }
0x65: {  	_ =	shalt  }
0x66: {  	_ =	shalt  }
0x67: {  	_ =	shalt  }
0x68: {  	_ =	shalt  }
0x69: {  	_ =	shalt  }
0x6a: {  	_ =	shalt  }
0x6b: {  	_ =	shalt  }
0x6c: {  	_ =	shalt  }
0x6d: {  	_ =	shalt  }
0x6e: {  	_ =	shalt  }
0x6f: {  	_ =	shalt  }
0x70: {  	_ =	shalt  }
0x71: {  	_ =	shalt  }
0x72: {  	_ =	shalt  }
0x73: {  	_ =	shalt  }
0x74: {  	_ =	shalt  }
0x75: {  	_ =	shalt  }
0x76: {  	_ =	shalt  }
0x77: {  	_ =	shalt  }
0x78: {  	_ =	shalt  }
0x79: {  	_ =	shalt  }
0x7a: {  	_ =	shalt  }
0x7b: {  	_ =	shalt  }
0x7c: {  	_ =	shalt  }
0x7d: {  	_ =	shalt  }
0x7e: {  	_ =	shalt  }
0x7f: {  	_ =	shalt  }
0x80: {  	_ =	shalt  }
0x81: {  	_ =	shalt  }
0x82: {  	_ =	shalt  }
0x83: {  	_ =	shalt  }
0x84: {  	_ =	shalt  }
0x85: {  	_ =	shalt  }
0x86: {  	_ =	shalt  }
0x87: {  	_ =	shalt  }
.Lfunc_end0:
.L_simem_size_0:
called_computation.4_lowered:
.L_overlay_start_0:
0x88: {  	s2 =	sld [smem:$0x3FD9]  }
0x89: {  	s3 =	sld [smem:$0x3FFE];
	_ =	sdelay $0x1  }
0x8a: {  	s1 =	srdreg.scid  }
0x8b: {  	s0 =	sand.u32 $0x1, s1  }
0x8c: {  	s16 =	sshll.u32 s0, $0xA;
	s2 =	sadd.s32 s3, s2  }
0x8d: {  	s2 =	sadd.s32 s2, s16  }
0x8e: {  	[smem:$0x3FAF] =	sst s2  }
0x8f: {  	_ = 	snop  }
0x90: {  	(tm) =	ssettm $0x1  }
0x91: {  	s17 =	sld [smem:$0x3FFB];
	_ =	sdelay $0x3  }
0x92: {  	_ =	strace s17  }
0x93: {  	s2 =	sld [smem:$0x3FFC];
	_ =	sdelay $0x3  }
0x94: {  	_ =	strace s2  }
0x95: {  	s2 =	sld [smem:$0x3FFD];
	_ =	sdelay $0x3  }
0x96: {  	_ =	strace s2  }
0x97: {  	_ =	strace $0x8FFFFFFF  }
0x98: {  	s18 =	sld [smem:$0x3FDB];
	_ =	sdelay $0x1  }
0x99: {  	s19 =	simm.s32 $_scs_section_size  }
0x9a: {  	s4 =	simm.s32 $_size__tile_overlayer_lowered;
	s5 =	simm.s32 $_tile_overlayer_lowered  }
0x9b: {  	s22 =	simm.s32 $0x1BFF;
	s21 =	sshll.u32 s5, $0x1;
	s2 =	sadd.s32 s19, s18  }
0x9c: {  	s6 =	simm.s32 $0x0;
	s20 =	sshll.u32 s4, $0x1;
	s4 =	sadd.s32 s21, s2  }
0x9d: {  	[timem:s6], [sflag:s22] =	dma.local [hbm:s4], s20  }
0x9e: {  	_ =	swait.ge [sflag:s22], s20  }
0x9f: {  	s3 =	ssub.s32 $0x0, s20;
	[sflag:s22] =	ssyncset.done $0x0  }
0xa0: {  	[sflag:s22] =	ssyncadd.s32 s3;
	_ =	sdelay $0x1  }
0xa1: {  	s23 =	simm.s32 $0x1B8B  }
0xa2: {  	_ =	swait.ge [sflag:s23], $0x1  }
0xa3: {  	[sflag:s23] =	ssyncset.done $0x0  }
0xa4: {  	s25 =	simm.s32 $0x1B8E;
	s24 =	sld [smem:$0x3FFE];
	[sflag:s23] =	ssyncadd.s32 $0xFFFFFFFF  }
0xa5: {  	s26 =	simm.s32 $execute0_lowered;
	[smem:$0x3FD2] =	sst s25  }
0xa6: {  	s4 =	sshll.u32 s26, $0x1;
	_ =	strace $0x80000052;
	[dreg:$0x1] =	wrdreg $0xFFFFFFFF  }
0xa7: {  	s28 =	simm.s32 $_size_execute0_lowered;
	s2 =	sadd.s32 s2, s4;
	[dreg:$0x0] =	wrdreg $0x0  }
0xa8: {  	s4 =	sshll.u32 s28, $0x1;
	[dreg:$0x2] =	wrdreg s2  }
0xa9: {  	[dreg:$0x3] =	wrdreg s4  }
0xaa: {  	[dreg:$0x4] =	wrdreg $0xC0  }
0xab: {  	_ =	task [dreg:s6], $0x5FFFF  }
0xac: {  	[dreg:$0x1] =	wrdreg $0xFFFFFFFF  }
0xad: {  	[dreg:$0x0] =	wrdreg $0x60  }
0xae: {  	[dreg:$0x2] =	wrdreg s24  }
0xaf: {  	[dreg:$0x3] =	wrdreg $0xB7800  }
0xb0: {  	[dreg:$0x4] =	wrdreg $0x9  }
0xb1: {  	_ =	task.clear_ibuf [dreg:s6], $0x5FFFF;
	_ =	strace $0x90000052  }
0xb2: {  	s29 =	simm.s32 $0x9;
	_ =	strace $0x80000054  }
0xb3: {  	_ =	swait.ge [sflag:s29], $0x1  }
0xb4: {  	[sflag:s29] =	ssyncadd.s32 $0xFFFFFFFF  }
0xb5: {  	_ =	strace $0x90000054  }
0xb6: {  	_ =	sfence  }
0xb7: {  	s30 =	sld [smem:$0x0];
	_ =	sdelay $0x2  }
0xb8: {  	s31 =	sshll.u32 s1, $0xD;
	s1 =	sshrl.u32 s1, $0x2  }
0xb9: {  	s3 =	sand.u32 $0x4000, s31;
	s1 =	sadd.s32 s1, s30  }
0xba: {  	s0 =	sor.u32 s3, s0;
	s1 =	sshll.u32 s1, $0x11  }
0xbb: {  	s0 =	sor.u32 s1, s0  }
0xbc: {  	s0 =	sadd.s32 $0x8F2B, s0  }
0xbd: {  	[sflag:s0] =	ssyncadd.remote.s32 $0x1  }
0xbe: {  	_ =	sfence.sel $0xFFFF  }
0xbf: {  	[dreg:$0x0] =	wrdreg $0xFFFFFFFF;
	(pc) =	sbr.abs _section_cstart, $3  }
0xc0: {  	[dreg:$0x1] =	wrdreg $0xFFFFFFFF  }
0xc1: {  	_ =	task.clear_ibuf [dreg:s6], $0x2FFFF;
	_ =	strace $0x9FFFFFFF  }
0xc2: {  	(tm) =	ssettm $0x7FFFFFFF  }
0xc3: {  	_ =	shalt  }
tec
execute0_lowered:
.L_overlay_start_1:
0x0: {  	(tag) =	ssettag $0x1  }
0x1: {  	s5 =	rddreg [dreg:$0x0]  }
0x2: {  	s2 =	rddreg [dreg:$0x1];
	s3 =	srdreg.scid  }
0x3: {  	s1 =	stileid.u32;
	s0 =	rddreg [dreg:$0x2];
	s13 =	simm.s32 $0x2780  }
0x4: {  	s16 =	simm.s32 $0x50;
	s17 =	simm.s32 $0x6780;
	s18 =	simm.s32 $0x8F80  }
0x5: {  	s19 =	simm.s32 $0x1;
	s20 =	simm.s32 $0x2;
	s21 =	simm.s32 $0x6480  }
0x6: {  	s22 =	simm.s32 $0x26C0;
	s23 =	simm.s32 $0x6500;
	s24 =	simm.s32 $0x6580  }
0x7: {  	s25 =	simm.s32 $0x0;
	s6 =	sand.u32 $0x1, s3;
	s4 =	sshll.u32 s1, $0x1  }
0x8: {  	s3 =	simm.s32 $0x0;
	s28 =	sshrl.u32 s1, $0x2;
	s30 =	smul.u32 $0x2800, s1  }
0x9: {  	s12 =	smul.u32 $0x50000, s1;
	s14 =	sshll.u32 s1, $0x6;
	s7 =	sor.u32 s6, s4  }
0xa: {  	[smem:$0x7FF] =	sst s3;
	s8 =	smul.u32 $0x13C00, s28;
	s4 =	sadd.s32 $0x54000, s5  }
0xb: {  	s10 =	smul.u32 $0x28000, s6;
	s6 =	ssub.s32 $0x2, s6;
	s14 =	sor.u32 $0x1C03, s14  }
0xc: {  	s29 =	sshll.u32 s7, $0x7;
	_ =	strace $0x80000053;
	s7 =	sshll.u32 s7, $0xB  }
0xd: {  	s11 =	sshrl.u32 s6, $0x1;
	s31 =	sshrl.u32 s12, $0x2;
	s12 =	simm.s32 $0x3  }
0xe: {  	s9 =	sand.u32 $0x380, s29;
	s7 =	sadd.s32 s7, s5;
	s10 =	sadd.s32 s30, s10  }
0xf: {  	s11 =	ssub.s32 s6, s11;
	s15 =	sadd.s32 s31, s2;
	s8 =	sor.u32 s8, s9  }
0x10: {  	s9 =	sadd.s32 s30, s5;
	s10 =	sadd.s32 s10, s5;
	s6 =	sadd.s32 $0x44000, s7  }
0x11: {  	s15 =	sshrl.u32 s15, $0x3;
	s8 =	sshrl.u32 s8, $0x3;
	s7 =	sadd.s32 $0x1AC00, s9  }
0x12: {  	s9 =	smax.u32 s11, $0x1;
	s11 =	simm.s32 $0x400;
	s8 =	sadd.s32 s8, s5  }
0x13: {  	s5 =	sadd.s32 $0x7000, s8;
	s8 =	sadd.s32 $0xF0800, s10;
	s10 =	simm.s32 $0x80  }
.LBB2_1:
0x14: {  	[tilespmem:s3], [sflag:$0x3] =	stream.strided.gather [hbm4b:s5+s10], $0x2780, s11, s10, $0x38;
	[tilespmem:$0x1F780] =	vst v63  }
0x15: {  	_ =	swait.ge [sflag:s12], $0x2780  }
0x16: {  	[sflag:s12] =	ssyncset.done $0x0  }
0x17: {  	[sflag:s12] =	ssyncadd.s32 $0xFFFFD880  }
0x18: {  	[tilespmem:s13], [sflag:$0x3] =	stream.linear.gather [hbm4b:s6+s3], $0x3E80, $0x38;
	[tilespmem:$0x1F780] =	vst v63  }
0x19: {  	_ =	swait.ge [sflag:s12], $0x3E80  }
0x1a: {  	[sflag:s12] =	ssyncset.done $0x0  }
0x1b: {  	[sflag:s12] =	ssyncadd.s32 $0xFFFFC180  }
0x1c: {  	[spmem:s15], [sflag:s14] =	dma.local [hbm:s7], $0x2800  }
0x1d: {  	_ =	swait.ge [sflag:s12], $0x2800  }
0x1e: {  	[sflag:s12] =	ssyncset.done $0x0  }
0x1f: {  	[sflag:s12] =	ssyncadd.s32 $0xFFFFD800  }
0x20: {  	[bflag:$0x0] =	sbarrier.arrive $0xFFFF  }
0x21: {  	[tilespmem:s17], [sflag:$0x1] =	stream.indirect.gather [hbm4b:s4+s16], $0x80, s3, s16, $0xb8;
	[tilespmem:$0x1F780] =	vst v63  }
0x22: {  	_ = 	snop  }
0x23: {  	[tilespmem:s18], [sflag:$0x2] =	stream.indirect.gather [hbm4b:s4+s16], $0x80, s16, s16, $0xb8;
	[tilespmem:$0x1F780] =	vst v63  }
0x24: {  	_ =	swait.ge [sflag:s19], $0x2800  }
0x25: {  	[sflag:s19] =	ssyncset.done $0x0  }
0x26: {  	s26 =	simm.s32 $0x2780;
	[sflag:s19] =	ssyncadd.s32 $0xFFFFD800  }
0x27: {  	[spmem:s2] =	stream.indirect.scatter.add.f32 [tilespmem:s17], [sflag:$0x3], $0x80, s26, s16, $0xb8;
	[tilespmem:$0x1F780] =	vst v63  }
0x28: {  	_ =	swait.ge [sflag:s12], $0x2800  }
0x29: {  	[sflag:s12] =	ssyncset.done $0x0  }
0x2a: {  	s30 =	simm.s32 $0xA0;
	[sflag:s12] =	ssyncadd.s32 $0xFFFFD800  }
0x2b: {  	[tilespmem:s17], [sflag:$0x1] =	stream.indirect.gather [hbm4b:s4+s16], $0x80, s30, s16, $0xb8;
	[tilespmem:$0x1F780] =	vst v63  }
0x2c: {  	_ =	swait.ge [sflag:s20], $0x2800  }
0x2d: {  	[sflag:s20] =	ssyncset.done $0x0  }
0x2e: {  	s31 =	simm.s32 $0x2800;
	[sflag:s20] =	ssyncadd.s32 $0xFFFFD800  }
0x2f: {  	[spmem:s2] =	stream.indirect.scatter.add.f32 [tilespmem:s18], [sflag:$0x3], $0x80, s31, s16, $0xb8;
	[tilespmem:$0x1F780] =	vst v63  }
0x30: {  	_ =	swait.ge [sflag:s12], $0x2800  }
0x31: {  	s28 =	simm.s32 $0x400;
	[sflag:s12] =	ssyncset.done $0x0  }
0x32: {  	s29 =	simm.s32 $0x190;
	s26 =	simm.s32 $0xF0;
	[sflag:s12] =	ssyncadd.s32 $0xFFFFD800  }
.LBB2_2:
0x33: {  	[tilespmem:s18], [sflag:$0x2] =	stream.indirect.gather [hbm4b:s4+s16], $0x80, s26, s16, $0xb8;
	[tilespmem:$0x1F780] =	vst v63  }
0x34: {  	s30 =	smov.u32 s28;
	s26 =	smov.u32 s29  }
0x35: {  	p0 =	sne.s32 s28, $0xF000;
	s28 =	sadd.s32 $0x400, s28;
	_ =	swait.ge [sflag:s19], $0x2800  }
0x36: {  	s30 =	sshra.s32 s30, $0x2;
	[sflag:s19] =	ssyncset.done $0x0  }
0x37: {  	s31 =	sadd.s32 $0x2780, s30;
	[sflag:s19] =	ssyncadd.s32 $0xFFFFD800  }
0x38: {  	[spmem:s2] =	stream.indirect.scatter.add.f32 [tilespmem:s17], [sflag:$0x3], $0x80, s31, s16, $0xb8;
	[tilespmem:$0x1F780] =	vst v63  }
0x39: {  	_ =	swait.ge [sflag:s12], $0x2800  }
0x3a: {  	[sflag:s12] =	ssyncset.done $0x0  }
0x3b: {  	s31 =	sadd.s32 $0xFFFFFFB0, s29;
	[sflag:s12] =	ssyncadd.s32 $0xFFFFD800  }
0x3c: {  	[tilespmem:s17], [sflag:$0x1] =	stream.indirect.gather [hbm4b:s4+s16], $0x80, s31, s16, $0xb8;
	[tilespmem:$0x1F780] =	vst v63  }
0x3d: {  	_ =	swait.ge [sflag:s20], $0x2800  }
0x3e: {  	[sflag:s20] =	ssyncset.done $0x0  }
.Ltmp0:
0x3f: {  	s30 =	sadd.s32 $0x2800, s30;
	[sflag:s20] =	ssyncadd.s32 $0xFFFFD800;
	(pc) =	sbr.rel @p0 .LBB2_2-.Ltmp0, $4  }
0x40: {  	[spmem:s2] =	stream.indirect.scatter.add.f32 [tilespmem:s18], [sflag:$0x3], $0x80, s30, s16, $0xb8;
	[tilespmem:$0x1F780] =	vst v63  }
0x41: {  	_ =	swait.ge [sflag:s12], $0x2800  }
0x42: {  	[sflag:s12] =	ssyncset.done $0x0  }
0x43: {  	s29 =	sadd.s32 $0xA0, s29;
	[sflag:s12] =	ssyncadd.s32 $0xFFFFD800  }
0x44: {  	[tilespmem:s18], [sflag:$0x2] =	stream.indirect.gather [hbm4b:s4+s16], $0x80, s26, s16, $0xb8;
	[tilespmem:$0x1F780] =	vst v63  }
0x45: {  	_ =	swait.ge [sflag:s19], $0x2800  }
0x46: {  	[sflag:s19] =	ssyncset.done $0x0  }
0x47: {  	[sflag:s19] =	ssyncadd.s32 $0xFFFFD800  }
0x48: {  	[spmem:s2] =	stream.indirect.scatter.add.f32 [tilespmem:s17], [sflag:$0x3], $0x80, s21, s16, $0xb8;
	[tilespmem:$0x1F780] =	vst v63  }
0x49: {  	_ =	swait.ge [sflag:s12], $0x2800  }
0x4a: {  	[sflag:s12] =	ssyncset.done $0x0  }
0x4b: {  	[sflag:s12] =	ssyncadd.s32 $0xFFFFD800  }
0x4c: {  	[tilespmem:s17], [sflag:$0x1] =	stream.indirect.gather [hbm4b:s4+s16], $0x80, s22, s16, $0xb8;
	[tilespmem:$0x1F780] =	vst v63  }
0x4d: {  	_ =	swait.ge [sflag:s20], $0x2800  }
0x4e: {  	[sflag:s20] =	ssyncset.done $0x0  }
0x4f: {  	[sflag:s20] =	ssyncadd.s32 $0xFFFFD800  }
0x50: {  	[spmem:s2] =	stream.indirect.scatter.add.f32 [tilespmem:s18], [sflag:$0x3], $0x80, s23, s16, $0xb8;
	[tilespmem:$0x1F780] =	vst v63  }
0x51: {  	_ =	swait.ge [sflag:s12], $0x2800  }
0x52: {  	[sflag:s12] =	ssyncset.done $0x0  }
0x53: {  	[sflag:s12] =	ssyncadd.s32 $0xFFFFD800  }
0x54: {  	_ =	swait.ge [sflag:s19], $0x2800  }
0x55: {  	[sflag:s19] =	ssyncset.done $0x0  }
0x56: {  	[sflag:s19] =	ssyncadd.s32 $0xFFFFD800  }
0x57: {  	[spmem:s2] =	stream.indirect.scatter.add.f32 [tilespmem:s17], [sflag:$0x3], $0x80, s24, s16, $0xb8;
	[tilespmem:$0x1F780] =	vst v63  }
0x58: {  	_ =	swait.ge [sflag:s12], $0x2800  }
0x59: {  	s25 =	sadd.s32 $0x1, s25;
	[sflag:s12] =	ssyncset.done $0x0  }
0x5a: {  	p0 =	sne.s32 s25, s9;
	[sflag:s12] =	ssyncadd.s32 $0xFFFFD800  }
.Ltmp1:
0x5b: {  	[bflag:$0x0] =	sbarrier.arrive $0xFFFF;
	(pc) =	sbr.rel @p0 .LBB2_1-.Ltmp1, $4  }
0x5c: {  	[hbm:s8], [sflag:s14] =	dma.local [spmem:s15], $0x2800  }
0x5d: {  	_ =	swait.ge [sflag:s12], $0x2800  }
0x5e: {  	[sflag:s12] =	ssyncset.done $0x0  }
0x5f: {  	[sflag:s12] =	ssyncadd.s32 $0xFFFFD800  }
0x60: {  	_ =	sfence.sel $0x180000  }
0x61: {  	[bflag:$0x0] =	sbarrier.arrive $0xFFFF  }
0x62: {  	p0 =	sne.s32 s1, $0x0;
	_ =	strace $0x90000053  }
0x63: {  	s0 =	sadd.s32 @!p0 $0x100000, s0;
	[bflag:$0x2] =	sbarrier.arrive $0xFFFF  }
0x64: {  	[sflag:s0] =	ssyncadd.tile.s32 @!p0 $0x1;
	_ =	shalt  }
.Lfunc_end2:
_tile_overlayer_lowered:
.L_overlay_start_2:
0x65: {  	(tag) =	ssettag $0x2  }
0x66: {  	s0 =	rddreg [dreg:$0x0];
	s2 =	stileid.u32  }
0x67: {  	s1 =	rddreg [dreg:$0x1];
	p0 =	sne.s32 s2, $0x0  }
0x68: {  	s3 =	rddreg [dreg:$0x2];
	[bflag:$0x3] =	sbarrier.arrive $0xFFFF;
	s2 =	simm.s32 @!p0 $0x1C03  }
0x69: {  	[timem:s3], [sflag:s2] =	dma.local @!p0 [hbm:s0], s1  }
0x6a: {  	s0 =	simm.s32 @!p0 $0x3  }
0x6b: {  	_ =	swait.ge @!p0 [sflag:s0], s1  }
0x6c: {  	s1 =	ssub.s32 @!p0 $0x0, s1;
	[sflag:s0] =	ssyncset.done @!p0 $0x0  }
0x6d: {  	[sflag:s0] =	ssyncadd.s32 @!p0 s1  }
0x6e: {  	[bflag:$0x3] =	sbarrier.arrive $0xFFFF  }
0x6f: {  	_ =	shalt  }

</sc_bundles>
